<compile_context>
chip_gen: v7x
topology: tpu7x:2x2x1
jax: 0.10.2.dev20260603
libtpu: 0.0.44.dev20260713+nightly
codegen_flags: <defaults>
</compile_context>

<pallas_src>
import functools

import jax
import jax.numpy as jnp
from jax import lax
from jax.experimental import pallas as pl
from jax.experimental.pallas import tpu as pltpu
from jax.experimental.pallas import tpu_sc as plsc

K = 64
THRESHOLD = 0.5
T0_BITS = 0x3F780000
HALF_BITS = 0x3F000000
ONE_BITS = 0x3F800000
CAP = 256

NW = 32


def _row_pass(buf, r, fn, init, nvreg):

    def body(j, carry):
        for u in range(8):
            v = buf[r, pl.ds((j * 8 + u) * 16, 16)]
            carry = fn(v, carry)
        return carry

    return lax.fori_loop(0, nvreg // 8, body, init)


def _fallback_topk_sum(buf, r, nvreg):

    def fn(v, carry):
        s, c = carry
        m = v >= THRESHOLD
        return s + jnp.where(m, v, 0.0), c + m.astype(jnp.int32)

    s5, c5 = _row_pass(buf, r, fn, (jnp.zeros((16,), jnp.float32),
                                    jnp.zeros((16,), jnp.int32)), nvreg)
    count5 = jnp.sum(c5)
    sum5 = jnp.sum(s5)

    def search(_):
        lo, hi = HALF_BITS, ONE_BITS - 1

        def bit_iter(_, carry):
            lo, hi = carry
            mid = lo + ((hi - lo + 1) >> 1)

            def fn(v, cnt):
                b = lax.bitcast_convert_type(v, jnp.int32)
                return cnt + jnp.where(b >= mid, 1, 0)

            cnt = jnp.sum(_row_pass(buf, r, fn, jnp.zeros((16,), jnp.int32),
                                    nvreg))
            ge = cnt >= K
            return jnp.where(ge, mid, lo), jnp.where(ge, hi, mid - 1)

        lo, hi = lax.fori_loop(0, 23, bit_iter, (lo, hi))
        kth = lax.bitcast_convert_type(lo, jnp.float32)

        def fn2(v, carry):
            s, c = carry
            b = lax.bitcast_convert_type(v, jnp.int32)
            g = b > lo
            return s + jnp.where(g, v, 0.0), c + g.astype(jnp.int32)

        s, c = _row_pass(buf, r, fn2, (jnp.zeros((16,), jnp.float32),
                                       jnp.zeros((16,), jnp.int32)), nvreg)
        return jnp.sum(s) + (K - jnp.sum(c)).astype(jnp.float32) * kth

    return jnp.where(count5 < K, sum5, search(None))


def _sc_deg_body(feat_hbm, deg_hbm, rowbuf, cand, degbuf, sem0, sem1,
                 *, nvreg, rpw, abn_base):
    wid = lax.axis_index("s") * 2 + lax.axis_index("c")
    abn0 = abn_base + wid * rpw
    lanes = lax.iota(jnp.int32, 16)
    t0f = lax.bitcast_convert_type(jnp.full((16,), T0_BITS, jnp.int32),
                                   jnp.float32)

    nbatch = rpw // 16
    sems = (sem0, sem1)

    def cp(row0, bufi):
        return pltpu.make_async_copy(feat_hbm.at[pl.ds(row0, 8)],
                                     rowbuf.at[bufi], sems[bufi])

    cp(abn0, 0).start()
    cp(abn0 + 8, 1).start()

    def abn_batch(batch, _):
        c0 = abn0 + batch * 16

        @plsc.parallel_loop(0, CAP, unroll=8)
        def _zero(j):
            cand[j] = jnp.zeros((16,), jnp.float32)

        carry = (jnp.zeros((16,), jnp.int32), jnp.zeros((16,), jnp.float32))
        for bufi in range(2):
            cp(c0 + 8 * bufi, bufi).wait()

            def abn_row(r, carry, bufi=bufi):
                buf = rowbuf.at[bufi]
                col = lanes * 0 + (8 * bufi + r)

                def fn(v, off):
                    m = v >= t0f
                    pc = plsc.all_reduce_population_count(m)
                    pref = plsc.cumsum(m.astype(jnp.int32))
                    pos = off + pref - 1
                    ok = m & (pos < CAP)
                    posc = jnp.clip(pos, 0, CAP - 1)
                    plsc.store_scatter(cand, [posc, col], v, mask=ok)
                    return off + pc

                def fnA(j, off):
                    return fn(buf[r, pl.ds(j * 16, 16)], off)

                off = plsc.parallel_loop(0, nvreg, unroll=8,
                                         carry=jnp.zeros((16,), jnp.int32))(fnA)
                m_r = off[0]
                m_vec, fb_vec = carry
                bad_r = (m_r < K) | (m_r > CAP)
                fb = lax.cond(bad_r,
                              lambda: _fallback_topk_sum(buf, r, nvreg),
                              lambda: jnp.float32(0.0))
                lane_r = 8 * bufi + r
                m_vec = jnp.where(lanes == lane_r, m_r, m_vec)
                fb_vec = jnp.where(lanes == lane_r, fb, fb_vec)
                return m_vec, fb_vec

            carry = lax.fori_loop(0, 8, abn_row, carry)

            @pl.when(batch + 1 < nbatch)
            def _prefetch(bufi=bufi):
                cp(c0 + 16 + 8 * bufi, bufi).start()

        m_vec, fb_vec = carry

        groups = (jnp.minimum(jnp.max(m_vec), CAP) + 7) >> 3

        def cand_pass(fn, init):
            def body(j, accs):
                return tuple(
                    fn(cand[j * 8 + u], acc) for u, acc in enumerate(accs)
                )

            accs = plsc.parallel_loop(0, groups, unroll=2,
                                      carry=(init,) * 8)(body)
            out = accs[0]
            for a in accs[1:]:
                out = jax.tree.map(lambda x, y: x + y, out, a)
            return out

        def bit_iter(_, carry):
            lo, hi = carry
            mid = lo + ((hi - lo + 1) >> 1)

            def cnt_fn(row, cnt):
                b = lax.bitcast_convert_type(row, jnp.int32)
                return cnt + jnp.where(b >= mid, 1, 0)

            cnt = cand_pass(cnt_fn, jnp.zeros((16,), jnp.int32))
            ge = cnt >= K
            return jnp.where(ge, mid, lo), jnp.where(ge, hi, mid - 1)

        lo, hi = lax.fori_loop(0, 19, bit_iter,
                               (jnp.full((16,), T0_BITS, jnp.int32),
                                jnp.full((16,), ONE_BITS - 1, jnp.int32)))
        kth = lax.bitcast_convert_type(lo, jnp.float32)

        def corr_fn(row, carry):
            s, c = carry
            b = lax.bitcast_convert_type(row, jnp.int32)
            g = b > lo
            return s + jnp.where(g, row, 0.0), c + g.astype(jnp.int32)

        s, c = cand_pass(corr_fn, (jnp.zeros((16,), jnp.float32),
                                   jnp.zeros((16,), jnp.int32)))
        deg_b = s + (K - c).astype(jnp.float32) * kth

        bad = (m_vec < K) | (m_vec > CAP)
        degbuf[pl.ds(batch * 16, 16)] = jnp.where(bad, fb_vec, deg_b)
        return 0

    lax.fori_loop(0, nbatch, abn_batch, 0)

    pltpu.sync_copy(degbuf, deg_hbm.at[pl.ds(wid * rpw, rpw)])


def _nor_deg_kernel(x_ref, deg_ref):
    x = x_ref[0]
    masked = jnp.where(x >= THRESHOLD, x, 0.0)
    deg_ref[0, 0, :] = jnp.sum(masked, axis=1)


def _loss_kernel(degn_ref, dega_ref, out_ref, *, b2):
    def var_rows(deg):
        mean = jnp.mean(deg, axis=1, keepdims=True)
        d = deg - mean
        return jnp.sum(d * d, axis=1, keepdims=True) / (deg.shape[1] - 1)

    vn = var_rows(degn_ref[...])
    va = var_rows(dega_ref[...])
    out_ref[...] = (jnp.sum(vn, axis=(0, 1), keepdims=True)
                    - jnp.sum(va, axis=(0, 1), keepdims=True)) / b2


def kernel(features):
    b, c, t = features.shape
    b2 = b // 2
    nabn = b2 * c
    feat2d = jnp.reshape(features, (b * c, t))

    rpw = nabn // NW
    assert rpw % 16 == 0 and t % 128 == 0
    mesh = plsc.VectorSubcoreMesh(core_axis_name="c", subcore_axis_name="s",
                                  num_cores=2, num_subcores=16)
    sc_deg = pl.kernel(
        functools.partial(_sc_deg_body, nvreg=t // 16, rpw=rpw, abn_base=nabn),
        out_type=jax.ShapeDtypeStruct((nabn,), jnp.float32),
        mesh=mesh,
        scratch_types=[
            pltpu.VMEM((2, 8, t), jnp.float32),
            pltpu.VMEM((CAP, 16), jnp.float32),
            pltpu.VMEM((rpw,), jnp.float32),
            pltpu.SemaphoreType.DMA,
            pltpu.SemaphoreType.DMA,
        ],
        compiler_params=pltpu.CompilerParams(needs_layout_passes=False),
    )
    deg_abn = sc_deg(feat2d)

    deg_nor = pl.pallas_call(
        _nor_deg_kernel,
        grid=(b2,),
        in_specs=[pl.BlockSpec((1, c, t), lambda i: (i, 0, 0))],
        out_specs=pl.BlockSpec((1, 1, c), lambda i: (i, 0, 0)),
        out_shape=jax.ShapeDtypeStruct((b2, 1, c), jnp.float32),
    )(features)

    loss = pl.pallas_call(
        functools.partial(_loss_kernel, b2=b2),
        out_shape=jax.ShapeDtypeStruct((1, 1), jnp.float32),
    )(jnp.reshape(deg_nor, (b2, c)), jnp.reshape(deg_abn, (b2, c)))
    return jnp.reshape(loss, ())

# --- scband reference (transcript-rebuilt; emitter-appended) ---
"""Pipeline reference for scband-variance-loss-28028956573732 (READ-ONLY COPY).

The authoritative reference and input builder live on the scoring server;
editing this copy changes nothing except your own understanding.
"""

import jax, jax.numpy as jnp
import numpy as np

K = 64
THRESHOLD = 0.5


def setup_inputs(seed: int = 0) -> dict:
    key = jax.random.key(seed)
    features = jax.random.uniform(key, (32, 256, 4096), dtype=jnp.float32)
    return {"features": features}


def reference(features):
    # features corresponds to results['bn_results']['fused_graphs'] of shape [b, c, t]
    b = features.shape[0]
    b2 = b // 2
    g_nor = features[:b2]
    g_abn = features[b2:]
    mask_nor = (g_nor >= THRESHOLD).astype(jnp.float32)
    mask_abn = (g_abn >= THRESHOLD).astype(jnp.float32)
    a_nor = g_nor * mask_nor
    a_abn = g_abn * mask_abn
    # per-sample: degree = sum over t; variance over c (torch.var default unbiased -> ddof=1)
    deg_nor = jnp.sum(a_nor, axis=-1)                 # [b2, c]
    topk_abn = jax.lax.top_k(a_abn, K)[0]             # [b2, c, K]
    deg_abn = jnp.sum(topk_abn, axis=-1)              # [b2, c]
    var_nor = jnp.var(deg_nor, axis=-1, ddof=1)       # [b2]
    var_abn = jnp.var(deg_abn, axis=-1, ddof=1)       # [b2]
    loss_var_nor = jnp.sum(var_nor) / b2
    loss_var_abn = jnp.sum(var_abn) / b2
    loss_var = loss_var_nor - loss_var_abn
    return loss_var

if __name__ == "__main__":
    import jax
    _d = setup_inputs()
    print(jax.jit(kernel)(*tuple(_d.values())))

</pallas_src>

<mosaic_0001>
#map = affine_map<(d0, d1) -> (0, 0)>
#map1 = affine_map<(d0, d1) -> (0)>
module attributes {stable_mosaic.version = 14 : i64} {
  func.func @_sc_deg_body(%arg0: i32, %arg1: i32, %arg2: memref<8192x4096xf32, #tpu.memory_space<hbm>>, %arg3: memref<4096xf32, #tpu.memory_space<hbm>>, %arg4: memref<2x8x4096xf32, #tpu.memory_space<vmem>>, %arg5: memref<256x16xf32, #tpu.memory_space<vmem>>, %arg6: memref<128xf32, #tpu.memory_space<vmem>>, %arg7: memref<!tpu.dma_semaphore, #tpu.memory_space<semaphore_mem>>, %arg8: memref<!tpu.dma_semaphore, #tpu.memory_space<semaphore_mem>>) attributes {dimension_semantics = [#tpu.dimension_semantics<core_parallel>, #tpu.dimension_semantics<subcore_parallel>], iteration_bounds = array<i64: 2, 16>, scalar_prefetch = 0 : i64, scratch_operands = 5 : i64, tpu.core_type = #tpu.core_type<sc_vector_subcore>, window_params = [{transform_indices = #map}, {transform_indices = #map1}]} {
    %mul3A = arith.constant 2 : i32
    %mul3A_0 = arith.muli %arg1, %mul3A : i32
    %add3A = arith.addi %mul3A_0, %arg0 : i32
    %mul3A_1 = arith.constant 128 : i32
    %mul3A_2 = arith.muli %add3A, %mul3A_1 : i32
    %add3A_3 = arith.constant 4096 : i32
    %add3A_4 = arith.addi %add3A_3, %mul3A_2 : i32
    %iota3A = tpu.iota {dimensions = array<i32: 0>} : vector<16xi32>
    %broadcast_in_dim3A = arith.constant 1064828928 : i32
    %broadcast_in_dim3A_5 = vector.broadcast %broadcast_in_dim3A : i32 to vector<16xi32>
    %bitcast_convert_type3A = tpu.bitcast %broadcast_in_dim3A_5 : vector<16xi32> -> vector<16xf32>
    %dma_start3A = arith.constant 0 : i32
    %dma_start3A_6 = arith.constant 0 : i32
    %dma_start3A_7 = arith.constant 0 : i32
    %dma_start3A_8 = tpu.memref_slice %arg4[%dma_start3A, %dma_start3A_6, %dma_start3A_7] : memref<2x8x4096xf32, #tpu.memory_space<vmem>> -> memref<1x8x4096xf32, #tpu.memory_space<vmem>>
    %dma_start3A_9 = tpu.memref_squeeze %dma_start3A_8 : memref<1x8x4096xf32, #tpu.memory_space<vmem>> -> memref<8x4096xf32, #tpu.memory_space<vmem>>
    %dma_start3A_10 = arith.constant 0 : i32
    %dma_start3A_11 = tpu.memref_slice %arg2[%add3A_4, %dma_start3A_10] : memref<8192x4096xf32, #tpu.memory_space<hbm>> -> memref<8x4096xf32, #tpu.memory_space<hbm>>
    %dma_start3A_12 = arith.constant 0 : i32
    %dma_start3A_13 = arith.constant 0 : i32
    %dma_start3A_14 = tpu.memref_slice %arg4[%dma_start3A, %dma_start3A_12, %dma_start3A_13] : memref<2x8x4096xf32, #tpu.memory_space<vmem>> -> memref<1x8x4096xf32, #tpu.memory_space<vmem>>
    %dma_start3A_15 = tpu.memref_squeeze %dma_start3A_14 : memref<1x8x4096xf32, #tpu.memory_space<vmem>> -> memref<8x4096xf32, #tpu.memory_space<vmem>>
    %dma_start3A_16 = arith.constant 0 : i32
    %dma_start3A_17 = tpu.memref_slice %arg2[%add3A_4, %dma_start3A_16] : memref<8192x4096xf32, #tpu.memory_space<hbm>> -> memref<8x4096xf32, #tpu.memory_space<hbm>>
    tpu.enqueue_dma source(%dma_start3A_17 : memref<8x4096xf32, #tpu.memory_space<hbm>>) target(%dma_start3A_15 : memref<8x4096xf32, #tpu.memory_space<vmem>>) target_semaphore(%arg7 : memref<!tpu.dma_semaphore, #tpu.memory_space<semaphore_mem>>)
    %add3A_18 = arith.constant 8 : i32
    %add3A_19 = arith.addi %add3A_4, %add3A_18 : i32
    %dma_start3A_20 = arith.constant 1 : i32
    %dma_start3A_21 = arith.constant 0 : i32
    %dma_start3A_22 = arith.constant 0 : i32
    %dma_start3A_23 = tpu.memref_slice %arg4[%dma_start3A_20, %dma_start3A_21, %dma_start3A_22] : memref<2x8x4096xf32, #tpu.memory_space<vmem>> -> memref<1x8x4096xf32, #tpu.memory_space<vmem>>
    %dma_start3A_24 = tpu.memref_squeeze %dma_start3A_23 : memref<1x8x4096xf32, #tpu.memory_space<vmem>> -> memref<8x4096xf32, #tpu.memory_space<vmem>>
    %dma_start3A_25 = arith.constant 0 : i32
    %dma_start3A_26 = tpu.memref_slice %arg2[%add3A_19, %dma_start3A_25] : memref<8192x4096xf32, #tpu.memory_space<hbm>> -> memref<8x4096xf32, #tpu.memory_space<hbm>>
    %dma_start3A_27 = arith.constant 0 : i32
    %dma_start3A_28 = arith.constant 0 : i32
    %dma_start3A_29 = tpu.memref_slice %arg4[%dma_start3A_20, %dma_start3A_27, %dma_start3A_28] : memref<2x8x4096xf32, #tpu.memory_space<vmem>> -> memref<1x8x4096xf32, #tpu.memory_space<vmem>>
    %dma_start3A_30 = tpu.memref_squeeze %dma_start3A_29 : memref<1x8x4096xf32, #tpu.memory_space<vmem>> -> memref<8x4096xf32, #tpu.memory_space<vmem>>
    %dma_start3A_31 = arith.constant 0 : i32
    %dma_start3A_32 = tpu.memref_slice %arg2[%add3A_19, %dma_start3A_31] : memref<8192x4096xf32, #tpu.memory_space<hbm>> -> memref<8x4096xf32, #tpu.memory_space<hbm>>
    tpu.enqueue_dma source(%dma_start3A_32 : memref<8x4096xf32, #tpu.memory_space<hbm>>) target(%dma_start3A_30 : memref<8x4096xf32, #tpu.memory_space<vmem>>) target_semaphore(%arg8 : memref<!tpu.dma_semaphore, #tpu.memory_space<semaphore_mem>>)
    %scan3A = arith.constant 0 : i32
    %scan3A_33 = arith.constant 0 : i32
    %scan3A_34 = arith.constant 8 : i32
    %scan3A_35 = arith.addi %scan3A_33, %scan3A_34 : i32
    %scan3A_36 = arith.constant 1 : i32
    %scan3A_37 = scf.for %scan3A_41 = %scan3A_33 to %scan3A_35 step %scan3A_36 iter_args(%scan3A_42 = %scan3A) -> (i32)  : i32 {
      %mul3A_43 = arith.constant 16 : i32
      %mul3A_44 = arith.muli %scan3A_41, %mul3A_43 : i32
      %add3A_45 = arith.addi %add3A_4, %mul3A_44 : i32
      %parallel_loop3A = arith.constant 0 : i32
      %parallel_loop3A_46 = arith.constant 256 : i32
      %parallel_loop3A_47 = arith.constant 1 : i32
      scf.for %parallel_loop3A_161 = %parallel_loop3A to %parallel_loop3A_46 step %parallel_loop3A_47  : i32 {
        %parallel_loop3A_162 = arith.constant 0.000000e+00 : f32
        %parallel_loop3A_163 = vector.broadcast %parallel_loop3A_162 : f32 to vector<16xf32>
        %parallel_loop3A_164 = arith.index_cast %parallel_loop3A_161 : i32 to index
        %parallel_loop3A_165 = arith.constant 0 : index
        %parallel_loop3A_166 = tpu.vector_load %arg5[%parallel_loop3A_164, %parallel_loop3A_165] {strides = array<i32>} : memref<256x16xf32, #tpu.memory_space<vmem>>, vector<16xf32>,
        tpu.vector_store %arg5[%parallel_loop3A_164, %parallel_loop3A_165], %parallel_loop3A_163 {strides = array<i32>} : memref<256x16xf32, #tpu.memory_space<vmem>>, vector<16xf32>,
      } {sc.loop_unroll_factor = 8 : i64, sc.parallel_access}
      %broadcast_in_dim3A_48 = arith.constant 0 : i32
      %broadcast_in_dim3A_49 = vector.broadcast %broadcast_in_dim3A_48 : i32 to vector<16xi32>
      %broadcast_in_dim3A_50 = arith.constant 0.000000e+00 : f32
      %broadcast_in_dim3A_51 = vector.broadcast %broadcast_in_dim3A_50 : f32 to vector<16xf32>
      %add3A_52 = arith.constant 0 : i32
      %add3A_53 = arith.addi %add3A_45, %add3A_52 : i32
      %dma_wait3A = arith.constant 0 : i32
      %dma_wait3A_54 = arith.constant 0 : i32
      %dma_wait3A_55 = arith.constant 0 : i32
      %dma_wait3A_56 = tpu.memref_slice %arg4[%dma_wait3A, %dma_wait3A_54, %dma_wait3A_55] : memref<2x8x4096xf32, #tpu.memory_space<vmem>> -> memref<1x8x4096xf32, #tpu.memory_space<vmem>>
      %dma_wait3A_57 = tpu.memref_squeeze %dma_wait3A_56 : memref<1x8x4096xf32, #tpu.memory_space<vmem>> -> memref<8x4096xf32, #tpu.memory_space<vmem>>
      %dma_wait3A_58 = arith.constant 0 : i32
      %dma_wait3A_59 = tpu.memref_slice %arg2[%add3A_53, %dma_wait3A_58] : memref<8192x4096xf32, #tpu.memory_space<hbm>> -> memref<8x4096xf32, #tpu.memory_space<hbm>>
      %dma_wait3A_60 = arith.constant 0 : i32
      %dma_wait3A_61 = arith.constant 0 : i32
      %dma_wait3A_62 = tpu.memref_slice %arg4[%dma_wait3A, %dma_wait3A_60, %dma_wait3A_61] : memref<2x8x4096xf32, #tpu.memory_space<vmem>> -> memref<1x8x4096xf32, #tpu.memory_space<vmem>>
      %dma_wait3A_63 = tpu.memref_squeeze %dma_wait3A_62 : memref<1x8x4096xf32, #tpu.memory_space<vmem>> -> memref<8x4096xf32, #tpu.memory_space<vmem>>
      %dma_wait3A_64 = arith.constant 0 : i32
      %dma_wait3A_65 = tpu.memref_slice %arg2[%add3A_53, %dma_wait3A_64] : memref<8192x4096xf32, #tpu.memory_space<hbm>> -> memref<8x4096xf32, #tpu.memory_space<hbm>>
      tpu.wait_dma2 semaphore(%arg7 : memref<!tpu.dma_semaphore, #tpu.memory_space<semaphore_mem>>) src(%dma_wait3A_65 : memref<8x4096xf32, #tpu.memory_space<hbm>>) dst(%dma_wait3A_63 : memref<8x4096xf32, #tpu.memory_space<vmem>>)
      %scan3A_66 = arith.constant 0 : i32
      %scan3A_67 = arith.constant 8 : i32
      %scan3A_68 = arith.addi %scan3A_66, %scan3A_67 : i32
      %scan3A_69 = arith.constant 1 : i32
      %scan3A_70:2 = scf.for %scan3A_161 = %scan3A_66 to %scan3A_68 step %scan3A_69 iter_args(%scan3A_162 = %broadcast_in_dim3A_49, %scan3A_163 = %broadcast_in_dim3A_51) -> (vector<16xi32>, vector<16xf32>)  : i32 {
        %mul3A_164 = arith.constant 0 : i32
        %mul3A_165 = vector.broadcast %mul3A_164 : i32 to vector<16xi32>
        %mul3A_166 = arith.muli %iota3A, %mul3A_165 : vector<16xi32>
        %add3A_167 = arith.constant 0 : i32
        %add3A_168 = arith.addi %add3A_167, %scan3A_161 : i32
        %add3A_169 = vector.broadcast %add3A_168 : i32 to vector<16xi32>
        %add3A_170 = arith.addi %mul3A_166, %add3A_169 : vector<16xi32>
        %broadcast_in_dim3A_171 = arith.constant 0 : i32
        %broadcast_in_dim3A_172 = vector.broadcast %broadcast_in_dim3A_171 : i32 to vector<16xi32>
        %parallel_loop3A_173 = arith.constant 0 : i32
        %parallel_loop3A_174 = arith.constant 256 : i32
        %parallel_loop3A_175 = arith.constant 1 : i32
        %parallel_loop3A_176 = arith.constant 0 : i32
        %parallel_loop3A_177 = scf.for %parallel_loop3A_197 = %parallel_loop3A_173 to %parallel_loop3A_174 step %parallel_loop3A_175 iter_args(%parallel_loop3A_198 = %broadcast_in_dim3A_172) -> (vector<16xi32>)  : i32 {
          %parallel_loop3A_199 = arith.constant 16 : i32
          %parallel_loop3A_200 = arith.muli %parallel_loop3A_197, %parallel_loop3A_199 : i32
          %parallel_loop3A_201 = arith.constant 0 : i32
          %parallel_loop3A_202 = arith.constant 0 : i32
          %parallel_loop3A_203 = tpu.memref_slice %arg4[%parallel_loop3A_176, %parallel_loop3A_201, %parallel_loop3A_202] : memref<2x8x4096xf32, #tpu.memory_space<vmem>> -> memref<1x8x4096xf32, #tpu.memory_space<vmem>>
          %parallel_loop3A_204 = tpu.memref_squeeze %parallel_loop3A_203 : memref<1x8x4096xf32, #tpu.memory_space<vmem>> -> memref<8x4096xf32, #tpu.memory_space<vmem>>
          %parallel_loop3A_205 = arith.index_cast %scan3A_161 : i32 to index
          %parallel_loop3A_206 = arith.index_cast %parallel_loop3A_200 : i32 to index
          %parallel_loop3A_207 = tpu.vector_load %parallel_loop3A_204[%parallel_loop3A_205, %parallel_loop3A_206] {strides = array<i32>} : memref<8x4096xf32, #tpu.memory_space<vmem>>, vector<16xf32>,
          %parallel_loop3A_208 = arith.cmpf oge, %parallel_loop3A_207, %bitcast_convert_type3A : vector<16xf32>
          %parallel_loop3A_209 = tpu.all_reduce %parallel_loop3A_208 {dim = 0 : i64, kind = #tpu.reduction_kind<sum>} : vector<16xi1> -> vector<16xi32>
          %parallel_loop3A_210 = arith.extui %parallel_loop3A_208 : vector<16xi1> to vector<16xi32>
          %parallel_loop3A_211 = arith.constant true
          %parallel_loop3A_212 = vector.broadcast %parallel_loop3A_211 : i1 to vector<16xi1>
          %parallel_loop3A_213 = tpu.scan <sum>, %parallel_loop3A_210 masked %parallel_loop3A_212 : vector<16xi32>, vector<16xi1> -> vector<16xi32>
          %parallel_loop3A_214 = arith.addi %parallel_loop3A_198, %parallel_loop3A_213 : vector<16xi32>
          %parallel_loop3A_215 = arith.constant 1 : i32
          %parallel_loop3A_216 = vector.broadcast %parallel_loop3A_215 : i32 to vector<16xi32>
          %parallel_loop3A_217 = arith.subi %parallel_loop3A_214, %parallel_loop3A_216 : vector<16xi32>
          %parallel_loop3A_218 = arith.constant 256 : i32
          %parallel_loop3A_219 = vector.broadcast %parallel_loop3A_218 : i32 to vector<16xi32>
          %parallel_loop3A_220 = arith.cmpi slt, %parallel_loop3A_217, %parallel_loop3A_219 : vector<16xi32>
          %parallel_loop3A_221 = arith.andi %parallel_loop3A_208, %parallel_loop3A_220 : vector<16xi1>
          %parallel_loop3A_222 = arith.constant 0 : i32
          %parallel_loop3A_223 = arith.constant 255 : i32
          %parallel_loop3A_224 = vector.broadcast %parallel_loop3A_222 : i32 to vector<16xi32>
          %parallel_loop3A_225 = arith.maxsi %parallel_loop3A_224, %parallel_loop3A_217 : vector<16xi32>
          %parallel_loop3A_226 = vector.broadcast %parallel_loop3A_223 : i32 to vector<16xi32>
          %parallel_loop3A_227 = arith.minsi %parallel_loop3A_226, %parallel_loop3A_225 : vector<16xi32>
          tpu.vector_store_idx %arg5[%parallel_loop3A_227, %add3A_170], %parallel_loop3A_207 masked %parallel_loop3A_221 : memref<256x16xf32, #tpu.memory_space<vmem>>[vector<16xi32>, vector<16xi32>], vector<16xf32>, vector<16xi1>
          %parallel_loop3A_228 = arith.addi %parallel_loop3A_198, %parallel_loop3A_209 : vector<16xi32>
          scf.yield %parallel_loop3A_228 : vector<16xi32>
        } {sc.loop_unroll_factor = 8 : i64, sc.parallel_access}
        %slice3A = vector.extract_strided_slice %parallel_loop3A_177 {offsets = [0], sizes = [1], strides = [1]} : vector<16xi32> to vector<1xi32>
        %squeeze3A = vector.extract %slice3A[0] : i32 from vector<1xi32>
        %lt3A_178 = arith.constant 64 : i32
        %lt3A_179 = arith.cmpi slt, %squeeze3A, %lt3A_178 : i32
        %gt3A_180 = arith.constant 256 : i32
        %gt3A_181 = arith.cmpi sgt, %squeeze3A, %gt3A_180 : i32
        %or3A_182 = arith.ori %lt3A_179, %gt3A_181 : i1
        %convert_element_type3A_183 = arith.extui %or3A_182 : i1 to i32
        %cond3A_184 = arith.constant 0 : i32
        %cond3A_185 = arith.constant 0 : i32
        %cond3A_186 = arith.cmpi ne, %convert_element_type3A_183, %cond3A_185 : i32
        %cond3A_187 = scf.if %cond3A_186 -> (f32) {
          %broadcast_in_dim3A_197 = arith.constant 0.000000e+00 : f32
          %broadcast_in_dim3A_198 = vector.broadcast %broadcast_in_dim3A_197 : f32 to vector<16xf32>
          %broadcast_in_dim3A_199 = arith.constant 0 : i32
          %broadcast_in_dim3A_200 = vector.broadcast %broadcast_in_dim3A_199 : i32 to vector<16xi32>
          %scan3A_201 = arith.constant 0 : i32
          %scan3A_202 = arith.constant 32 : i32
          %scan3A_203 = arith.addi %scan3A_201, %scan3A_202 : i32
          %scan3A_204 = arith.constant 1 : i32
          %scan3A_205:2 = scf.for %scan3A_249 = %scan3A_201 to %scan3A_203 step %scan3A_204 iter_args(%scan3A_250 = %broadcast_in_dim3A_198, %scan3A_251 = %broadcast_in_dim3A_200) -> (vector<16xf32>, vector<16xi32>)  : i32 {
            %mul3A_252 = arith.constant 8 : i32
            %mul3A_253 = arith.muli %scan3A_249, %mul3A_252 : i32
            %add3A_254 = arith.constant 0 : i32
            %add3A_255 = arith.addi %mul3A_253, %add3A_254 : i32
            %mul3A_256 = arith.constant 16 : i32
            %mul3A_257 = arith.muli %add3A_255, %mul3A_256 : i32
            %get3A = arith.constant 0 : i32
            %get3A_258 = arith.constant 0 : i32
            %get3A_259 = tpu.memref_slice %arg4[%cond3A_184, %get3A, %get3A_258] : memref<2x8x4096xf32, #tpu.memory_space<vmem>> -> memref<1x8x4096xf32, #tpu.memory_space<vmem>>
            %get3A_260 = tpu.memref_squeeze %get3A_259 : memref<1x8x4096xf32, #tpu.memory_space<vmem>> -> memref<8x4096xf32, #tpu.memory_space<vmem>>
            %get3A_261 = arith.index_cast %scan3A_161 : i32 to index
            %get3A_262 = arith.index_cast %mul3A_257 : i32 to index
            %get3A_263 = tpu.vector_load %get3A_260[%get3A_261, %get3A_262] {strides = array<i32>} : memref<8x4096xf32, #tpu.memory_space<vmem>>, vector<16xf32>,
            %ge3A = arith.constant 5.000000e-01 : f32
            %ge3A_264 = vector.broadcast %ge3A : f32 to vector<16xf32>
            %ge3A_265 = arith.cmpf oge, %get3A_263, %ge3A_264 : vector<16xf32>
            %jit3A = arith.constant 0.000000e+00 : f32
            %broadcast_in_dim3A_266 = vector.broadcast %jit3A : f32 to vector<16xf32>
            %select_n3A_267 = arith.select %ge3A_265, %get3A_263, %broadcast_in_dim3A_266 : vector<16xi1>, vector<16xf32>
            %add3A_268 = arith.addf %scan3A_250, %select_n3A_267 : vector<16xf32>
            %convert_element_type3A_269 = arith.extui %ge3A_265 : vector<16xi1> to vector<16xi32>
            %add3A_270 = arith.addi %scan3A_251, %convert_element_type3A_269 : vector<16xi32>
            %mul3A_271 = arith.constant 8 : i32
            %mul3A_272 = arith.muli %scan3A_249, %mul3A_271 : i32
            %add3A_273 = arith.constant 1 : i32
            %add3A_274 = arith.addi %mul3A_272, %add3A_273 : i32
            %mul3A_275 = arith.constant 16 : i32
            %mul3A_276 = arith.muli %add3A_274, %mul3A_275 : i32
            %get3A_277 = arith.constant 0 : i32
            %get3A_278 = arith.constant 0 : i32
            %get3A_279 = tpu.memref_slice %arg4[%cond3A_184, %get3A_277, %get3A_278] : memref<2x8x4096xf32, #tpu.memory_space<vmem>> -> memref<1x8x4096xf32, #tpu.memory_space<vmem>>
            %get3A_280 = tpu.memref_squeeze %get3A_279 : memref<1x8x4096xf32, #tpu.memory_space<vmem>> -> memref<8x4096xf32, #tpu.memory_space<vmem>>
            %get3A_281 = arith.index_cast %scan3A_161 : i32 to index
            %get3A_282 = arith.index_cast %mul3A_276 : i32 to index
            %get3A_283 = tpu.vector_load %get3A_280[%get3A_281, %get3A_282] {strides = array<i32>} : memref<8x4096xf32, #tpu.memory_space<vmem>>, vector<16xf32>,
            %ge3A_284 = arith.constant 5.000000e-01 : f32
            %ge3A_285 = vector.broadcast %ge3A_284 : f32 to vector<16xf32>
            %ge3A_286 = arith.cmpf oge, %get3A_283, %ge3A_285 : vector<16xf32>
            %jit3A_287 = arith.constant 0.000000e+00 : f32
            %broadcast_in_dim3A_288 = vector.broadcast %jit3A_287 : f32 to vector<16xf32>
            %select_n3A_289 = arith.select %ge3A_286, %get3A_283, %broadcast_in_dim3A_288 : vector<16xi1>, vector<16xf32>
            %add3A_290 = arith.addf %add3A_268, %select_n3A_289 : vector<16xf32>
            %convert_element_type3A_291 = arith.extui %ge3A_286 : vector<16xi1> to vector<16xi32>
            %add3A_292 = arith.addi %add3A_270, %convert_element_type3A_291 : vector<16xi32>
            %mul3A_293 = arith.constant 8 : i32
            %mul3A_294 = arith.muli %scan3A_249, %mul3A_293 : i32
            %add3A_295 = arith.constant 2 : i32
            %add3A_296 = arith.addi %mul3A_294, %add3A_295 : i32
            %mul3A_297 = arith.constant 16 : i32
            %mul3A_298 = arith.muli %add3A_296, %mul3A_297 : i32
            %get3A_299 = arith.constant 0 : i32
            %get3A_300 = arith.constant 0 : i32
            %get3A_301 = tpu.memref_slice %arg4[%cond3A_184, %get3A_299, %get3A_300] : memref<2x8x4096xf32, #tpu.memory_space<vmem>> -> memref<1x8x4096xf32, #tpu.memory_space<vmem>>
            %get3A_302 = tpu.memref_squeeze %get3A_301 : memref<1x8x4096xf32, #tpu.memory_space<vmem>> -> memref<8x4096xf32, #tpu.memory_space<vmem>>
            %get3A_303 = arith.index_cast %scan3A_161 : i32 to index
            %get3A_304 = arith.index_cast %mul3A_298 : i32 to index
            %get3A_305 = tpu.vector_load %get3A_302[%get3A_303, %get3A_304] {strides = array<i32>} : memref<8x4096xf32, #tpu.memory_space<vmem>>, vector<16xf32>,
            %ge3A_306 = arith.constant 5.000000e-01 : f32
            %ge3A_307 = vector.broadcast %ge3A_306 : f32 to vector<16xf32>
            %ge3A_308 = arith.cmpf oge, %get3A_305, %ge3A_307 : vector<16xf32>
            %jit3A_309 = arith.constant 0.000000e+00 : f32
            %broadcast_in_dim3A_310 = vector.broadcast %jit3A_309 : f32 to vector<16xf32>
            %select_n3A_311 = arith.select %ge3A_308, %get3A_305, %broadcast_in_dim3A_310 : vector<16xi1>, vector<16xf32>
            %add3A_312 = arith.addf %add3A_290, %select_n3A_311 : vector<16xf32>
            %convert_element_type3A_313 = arith.extui %ge3A_308 : vector<16xi1> to vector<16xi32>
            %add3A_314 = arith.addi %add3A_292, %convert_element_type3A_313 : vector<16xi32>
            %mul3A_315 = arith.constant 8 : i32
            %mul3A_316 = arith.muli %scan3A_249, %mul3A_315 : i32
            %add3A_317 = arith.constant 3 : i32
            %add3A_318 = arith.addi %mul3A_316, %add3A_317 : i32
            %mul3A_319 = arith.constant 16 : i32
            %mul3A_320 = arith.muli %add3A_318, %mul3A_319 : i32
            %get3A_321 = arith.constant 0 : i32
            %get3A_322 = arith.constant 0 : i32
            %get3A_323 = tpu.memref_slice %arg4[%cond3A_184, %get3A_321, %get3A_322] : memref<2x8x4096xf32, #tpu.memory_space<vmem>> -> memref<1x8x4096xf32, #tpu.memory_space<vmem>>
            %get3A_324 = tpu.memref_squeeze %get3A_323 : memref<1x8x4096xf32, #tpu.memory_space<vmem>> -> memref<8x4096xf32, #tpu.memory_space<vmem>>
            %get3A_325 = arith.index_cast %scan3A_161 : i32 to index
            %get3A_326 = arith.index_cast %mul3A_320 : i32 to index
            %get3A_327 = tpu.vector_load %get3A_324[%get3A_325, %get3A_326] {strides = array<i32>} : memref<8x4096xf32, #tpu.memory_space<vmem>>, vector<16xf32>,
            %ge3A_328 = arith.constant 5.000000e-01 : f32
            %ge3A_329 = vector.broadcast %ge3A_328 : f32 to vector<16xf32>
            %ge3A_330 = arith.cmpf oge, %get3A_327, %ge3A_329 : vector<16xf32>
            %jit3A_331 = arith.constant 0.000000e+00 : f32
            %broadcast_in_dim3A_332 = vector.broadcast %jit3A_331 : f32 to vector<16xf32>
            %select_n3A_333 = arith.select %ge3A_330, %get3A_327, %broadcast_in_dim3A_332 : vector<16xi1>, vector<16xf32>
            %add3A_334 = arith.addf %add3A_312, %select_n3A_333 : vector<16xf32>
            %convert_element_type3A_335 = arith.extui %ge3A_330 : vector<16xi1> to vector<16xi32>
            %add3A_336 = arith.addi %add3A_314, %convert_element_type3A_335 : vector<16xi32>
            %mul3A_337 = arith.constant 8 : i32
            %mul3A_338 = arith.muli %scan3A_249, %mul3A_337 : i32
            %add3A_339 = arith.constant 4 : i32
            %add3A_340 = arith.addi %mul3A_338, %add3A_339 : i32
            %mul3A_341 = arith.constant 16 : i32
            %mul3A_342 = arith.muli %add3A_340, %mul3A_341 : i32
            %get3A_343 = arith.constant 0 : i32
            %get3A_344 = arith.constant 0 : i32
            %get3A_345 = tpu.memref_slice %arg4[%cond3A_184, %get3A_343, %get3A_344] : memref<2x8x4096xf32, #tpu.memory_space<vmem>> -> memref<1x8x4096xf32, #tpu.memory_space<vmem>>
            %get3A_346 = tpu.memref_squeeze %get3A_345 : memref<1x8x4096xf32, #tpu.memory_space<vmem>> -> memref<8x4096xf32, #tpu.memory_space<vmem>>
            %get3A_347 = arith.index_cast %scan3A_161 : i32 to index
            %get3A_348 = arith.index_cast %mul3A_342 : i32 to index
            %get3A_349 = tpu.vector_load %get3A_346[%get3A_347, %get3A_348] {strides = array<i32>} : memref<8x4096xf32, #tpu.memory_space<vmem>>, vector<16xf32>,
            %ge3A_350 = arith.constant 5.000000e-01 : f32
            %ge3A_351 = vector.broadcast %ge3A_350 : f32 to vector<16xf32>
            %ge3A_352 = arith.cmpf oge, %get3A_349, %ge3A_351 : vector<16xf32>
            %jit3A_353 = arith.constant 0.000000e+00 : f32
            %broadcast_in_dim3A_354 = vector.broadcast %jit3A_353 : f32 to vector<16xf32>
            %select_n3A_355 = arith.select %ge3A_352, %get3A_349, %broadcast_in_dim3A_354 : vector<16xi1>, vector<16xf32>
            %add3A_356 = arith.addf %add3A_334, %select_n3A_355 : vector<16xf32>
            %convert_element_type3A_357 = arith.extui %ge3A_352 : vector<16xi1> to vector<16xi32>
            %add3A_358 = arith.addi %add3A_336, %convert_element_type3A_357 : vector<16xi32>
            %mul3A_359 = arith.constant 8 : i32
            %mul3A_360 = arith.muli %scan3A_249, %mul3A_359 : i32
            %add3A_361 = arith.constant 5 : i32
            %add3A_362 = arith.addi %mul3A_360, %add3A_361 : i32
            %mul3A_363 = arith.constant 16 : i32
            %mul3A_364 = arith.muli %add3A_362, %mul3A_363 : i32
            %get3A_365 = arith.constant 0 : i32
            %get3A_366 = arith.constant 0 : i32
            %get3A_367 = tpu.memref_slice %arg4[%cond3A_184, %get3A_365, %get3A_366] : memref<2x8x4096xf32, #tpu.memory_space<vmem>> -> memref<1x8x4096xf32, #tpu.memory_space<vmem>>
            %get3A_368 = tpu.memref_squeeze %get3A_367 : memref<1x8x4096xf32, #tpu.memory_space<vmem>> -> memref<8x4096xf32, #tpu.memory_space<vmem>>
            %get3A_369 = arith.index_cast %scan3A_161 : i32 to index
            %get3A_370 = arith.index_cast %mul3A_364 : i32 to index
            %get3A_371 = tpu.vector_load %get3A_368[%get3A_369, %get3A_370] {strides = array<i32>} : memref<8x4096xf32, #tpu.memory_space<vmem>>, vector<16xf32>,
            %ge3A_372 = arith.constant 5.000000e-01 : f32
            %ge3A_373 = vector.broadcast %ge3A_372 : f32 to vector<16xf32>
            %ge3A_374 = arith.cmpf oge, %get3A_371, %ge3A_373 : vector<16xf32>
            %jit3A_375 = arith.constant 0.000000e+00 : f32
            %broadcast_in_dim3A_376 = vector.broadcast %jit3A_375 : f32 to vector<16xf32>
            %select_n3A_377 = arith.select %ge3A_374, %get3A_371, %broadcast_in_dim3A_376 : vector<16xi1>, vector<16xf32>
            %add3A_378 = arith.addf %add3A_356, %select_n3A_377 : vector<16xf32>
            %convert_element_type3A_379 = arith.extui %ge3A_374 : vector<16xi1> to vector<16xi32>
            %add3A_380 = arith.addi %add3A_358, %convert_element_type3A_379 : vector<16xi32>
            %mul3A_381 = arith.constant 8 : i32
            %mul3A_382 = arith.muli %scan3A_249, %mul3A_381 : i32
            %add3A_383 = arith.constant 6 : i32
            %add3A_384 = arith.addi %mul3A_382, %add3A_383 : i32
            %mul3A_385 = arith.constant 16 : i32
            %mul3A_386 = arith.muli %add3A_384, %mul3A_385 : i32
            %get3A_387 = arith.constant 0 : i32
            %get3A_388 = arith.constant 0 : i32
            %get3A_389 = tpu.memref_slice %arg4[%cond3A_184, %get3A_387, %get3A_388] : memref<2x8x4096xf32, #tpu.memory_space<vmem>> -> memref<1x8x4096xf32, #tpu.memory_space<vmem>>
            %get3A_390 = tpu.memref_squeeze %get3A_389 : memref<1x8x4096xf32, #tpu.memory_space<vmem>> -> memref<8x4096xf32, #tpu.memory_space<vmem>>
            %get3A_391 = arith.index_cast %scan3A_161 : i32 to index
            %get3A_392 = arith.index_cast %mul3A_386 : i32 to index
            %get3A_393 = tpu.vector_load %get3A_390[%get3A_391, %get3A_392] {strides = array<i32>} : memref<8x4096xf32, #tpu.memory_space<vmem>>, vector<16xf32>,
            %ge3A_394 = arith.constant 5.000000e-01 : f32
            %ge3A_395 = vector.broadcast %ge3A_394 : f32 to vector<16xf32>
            %ge3A_396 = arith.cmpf oge, %get3A_393, %ge3A_395 : vector<16xf32>
            %jit3A_397 = arith.constant 0.000000e+00 : f32
            %broadcast_in_dim3A_398 = vector.broadcast %jit3A_397 : f32 to vector<16xf32>
            %select_n3A_399 = arith.select %ge3A_396, %get3A_393, %broadcast_in_dim3A_398 : vector<16xi1>, vector<16xf32>
            %add3A_400 = arith.addf %add3A_378, %select_n3A_399 : vector<16xf32>
            %convert_element_type3A_401 = arith.extui %ge3A_396 : vector<16xi1> to vector<16xi32>
            %add3A_402 = arith.addi %add3A_380, %convert_element_type3A_401 : vector<16xi32>
            %mul3A_403 = arith.constant 8 : i32
            %mul3A_404 = arith.muli %scan3A_249, %mul3A_403 : i32
            %add3A_405 = arith.constant 7 : i32
            %add3A_406 = arith.addi %mul3A_404, %add3A_405 : i32
            %mul3A_407 = arith.constant 16 : i32
            %mul3A_408 = arith.muli %add3A_406, %mul3A_407 : i32
            %get3A_409 = arith.constant 0 : i32
            %get3A_410 = arith.constant 0 : i32
            %get3A_411 = tpu.memref_slice %arg4[%cond3A_184, %get3A_409, %get3A_410] : memref<2x8x4096xf32, #tpu.memory_space<vmem>> -> memref<1x8x4096xf32, #tpu.memory_space<vmem>>
            %get3A_412 = tpu.memref_squeeze %get3A_411 : memref<1x8x4096xf32, #tpu.memory_space<vmem>> -> memref<8x4096xf32, #tpu.memory_space<vmem>>
            %get3A_413 = arith.index_cast %scan3A_161 : i32 to index
            %get3A_414 = arith.index_cast %mul3A_408 : i32 to index
            %get3A_415 = tpu.vector_load %get3A_412[%get3A_413, %get3A_414] {strides = array<i32>} : memref<8x4096xf32, #tpu.memory_space<vmem>>, vector<16xf32>,
            %ge3A_416 = arith.constant 5.000000e-01 : f32
            %ge3A_417 = vector.broadcast %ge3A_416 : f32 to vector<16xf32>
            %ge3A_418 = arith.cmpf oge, %get3A_415, %ge3A_417 : vector<16xf32>
            %jit3A_419 = arith.constant 0.000000e+00 : f32
            %broadcast_in_dim3A_420 = vector.broadcast %jit3A_419 : f32 to vector<16xf32>
            %select_n3A_421 = arith.select %ge3A_418, %get3A_415, %broadcast_in_dim3A_420 : vector<16xi1>, vector<16xf32>
            %add3A_422 = arith.addf %add3A_400, %select_n3A_421 : vector<16xf32>
            %convert_element_type3A_423 = arith.extui %ge3A_418 : vector<16xi1> to vector<16xi32>
            %add3A_424 = arith.addi %add3A_402, %convert_element_type3A_423 : vector<16xi32>
            scf.yield %add3A_422, %add3A_424 : vector<16xf32>, vector<16xi32>
          }
          %scan3A_206 = arith.constant 32 : i32
          %reduce_sum3A = arith.constant true
          %reduce_sum3A_207 = vector.broadcast %reduce_sum3A : i1 to vector<16xi1>
          %reduce_sum3A_208 = tpu.scan <sum>, %scan3A_205#1 masked %reduce_sum3A_207 : vector<16xi32>, vector<16xi1> -> vector<16xi32>
          %reduce_sum3A_209 = vector.extract %reduce_sum3A_208[15] : i32 from vector<16xi32>
          %reduce_sum3A_210 = arith.constant true
          %reduce_sum3A_211 = vector.broadcast %reduce_sum3A_210 : i1 to vector<16xi1>
          %reduce_sum3A_212 = tpu.scan <sum>, %scan3A_205#0 masked %reduce_sum3A_211 : vector<16xf32>, vector<16xi1> -> vector<16xf32>
          %reduce_sum3A_213 = vector.extract %reduce_sum3A_212[15] : f32 from vector<16xf32>
          %lt3A_214 = arith.constant 64 : i32
          %lt3A_215 = arith.cmpi slt, %reduce_sum3A_209, %lt3A_214 : i32
          %scan3A_216 = arith.constant 1056964608 : i32
          %scan3A_217 = arith.constant 1065353215 : i32
          %scan3A_218 = arith.constant 0 : i32
          %scan3A_219 = arith.constant 23 : i32
          %scan3A_220 = arith.addi %scan3A_218, %scan3A_219 : i32
          %scan3A_221 = arith.constant 1 : i32
          %scan3A_222:2 = scf.for %scan3A_249 = %scan3A_218 to %scan3A_220 step %scan3A_221 iter_args(%scan3A_250 = %scan3A_216, %scan3A_251 = %scan3A_217) -> (i32, i32)  : i32 {
            %sub3A_252 = arith.subi %scan3A_251, %scan3A_250 : i32
            %add3A_253 = arith.constant 1 : i32
            %add3A_254 = arith.addi %sub3A_252, %add3A_253 : i32
            %shift_right_arithmetic3A_255 = arith.constant 1 : i32
            %shift_right_arithmetic3A_256 = arith.shrsi %add3A_254, %shift_right_arithmetic3A_255 : i32
            %add3A_257 = arith.addi %scan3A_250, %shift_right_arithmetic3A_256 : i32
            %broadcast_in_dim3A_258 = arith.constant 0 : i32
            %broadcast_in_dim3A_259 = vector.broadcast %broadcast_in_dim3A_258 : i32 to vector<16xi32>
            %scan3A_260 = arith.constant 0 : i32
            %scan3A_261 = arith.constant 32 : i32
            %scan3A_262 = arith.addi %scan3A_260, %scan3A_261 : i32
            %scan3A_263 = arith.constant 1 : i32
            %scan3A_264 = scf.for %scan3A_275 = %scan3A_260 to %scan3A_262 step %scan3A_263 iter_args(%scan3A_276 = %broadcast_in_dim3A_259) -> (vector<16xi32>)  : i32 {
              %mul3A_277 = arith.constant 8 : i32
              %mul3A_278 = arith.muli %scan3A_275, %mul3A_277 : i32
              %add3A_279 = arith.constant 0 : i32
              %add3A_280 = arith.addi %mul3A_278, %add3A_279 : i32
              %mul3A_281 = arith.constant 16 : i32
              %mul3A_282 = arith.muli %add3A_280, %mul3A_281 : i32
              %get3A = arith.constant 0 : i32
              %get3A_283 = arith.constant 0 : i32
              %get3A_284 = tpu.memref_slice %arg4[%cond3A_184, %get3A, %get3A_283] : memref<2x8x4096xf32, #tpu.memory_space<vmem>> -> memref<1x8x4096xf32, #tpu.memory_space<vmem>>
              %get3A_285 = tpu.memref_squeeze %get3A_284 : memref<1x8x4096xf32, #tpu.memory_space<vmem>> -> memref<8x4096xf32, #tpu.memory_space<vmem>>
              %get3A_286 = arith.index_cast %scan3A_161 : i32 to index
              %get3A_287 = arith.index_cast %mul3A_282 : i32 to index
              %get3A_288 = tpu.vector_load %get3A_285[%get3A_286, %get3A_287] {strides = array<i32>} : memref<8x4096xf32, #tpu.memory_space<vmem>>, vector<16xf32>,
              %bitcast_convert_type3A_289 = tpu.bitcast %get3A_288 : vector<16xf32> -> vector<16xi32>
              %ge3A_290 = vector.broadcast %add3A_257 : i32 to vector<16xi32>
              %ge3A_291 = arith.cmpi sge, %bitcast_convert_type3A_289, %ge3A_290 : vector<16xi32>
              %jit3A = arith.constant 1 : i32
              %jit3A_292 = arith.constant 0 : i32
              %broadcast_in_dim3A_293 = vector.broadcast %jit3A : i32 to vector<16xi32>
              %broadcast_in_dim3A_294 = vector.broadcast %jit3A_292 : i32 to vector<16xi32>
              %select_n3A_295 = arith.select %ge3A_291, %broadcast_in_dim3A_293, %broadcast_in_dim3A_294 : vector<16xi1>, vector<16xi32>
              %add3A_296 = arith.addi %scan3A_276, %select_n3A_295 : vector<16xi32>
              %mul3A_297 = arith.constant 8 : i32
              %mul3A_298 = arith.muli %scan3A_275, %mul3A_297 : i32
              %add3A_299 = arith.constant 1 : i32
              %add3A_300 = arith.addi %mul3A_298, %add3A_299 : i32
              %mul3A_301 = arith.constant 16 : i32
              %mul3A_302 = arith.muli %add3A_300, %mul3A_301 : i32
              %get3A_303 = arith.constant 0 : i32
              %get3A_304 = arith.constant 0 : i32
              %get3A_305 = tpu.memref_slice %arg4[%cond3A_184, %get3A_303, %get3A_304] : memref<2x8x4096xf32, #tpu.memory_space<vmem>> -> memref<1x8x4096xf32, #tpu.memory_space<vmem>>
              %get3A_306 = tpu.memref_squeeze %get3A_305 : memref<1x8x4096xf32, #tpu.memory_space<vmem>> -> memref<8x4096xf32, #tpu.memory_space<vmem>>
              %get3A_307 = arith.index_cast %scan3A_161 : i32 to index
              %get3A_308 = arith.index_cast %mul3A_302 : i32 to index
              %get3A_309 = tpu.vector_load %get3A_306[%get3A_307, %get3A_308] {strides = array<i32>} : memref<8x4096xf32, #tpu.memory_space<vmem>>, vector<16xf32>,
              %bitcast_convert_type3A_310 = tpu.bitcast %get3A_309 : vector<16xf32> -> vector<16xi32>
              %ge3A_311 = vector.broadcast %add3A_257 : i32 to vector<16xi32>
              %ge3A_312 = arith.cmpi sge, %bitcast_convert_type3A_310, %ge3A_311 : vector<16xi32>
              %jit3A_313 = arith.constant 1 : i32
              %jit3A_314 = arith.constant 0 : i32
              %broadcast_in_dim3A_315 = vector.broadcast %jit3A_313 : i32 to vector<16xi32>
              %broadcast_in_dim3A_316 = vector.broadcast %jit3A_314 : i32 to vector<16xi32>
              %select_n3A_317 = arith.select %ge3A_312, %broadcast_in_dim3A_315, %broadcast_in_dim3A_316 : vector<16xi1>, vector<16xi32>
              %add3A_318 = arith.addi %add3A_296, %select_n3A_317 : vector<16xi32>
              %mul3A_319 = arith.constant 8 : i32
              %mul3A_320 = arith.muli %scan3A_275, %mul3A_319 : i32
              %add3A_321 = arith.constant 2 : i32
              %add3A_322 = arith.addi %mul3A_320, %add3A_321 : i32
              %mul3A_323 = arith.constant 16 : i32
              %mul3A_324 = arith.muli %add3A_322, %mul3A_323 : i32
              %get3A_325 = arith.constant 0 : i32
              %get3A_326 = arith.constant 0 : i32
              %get3A_327 = tpu.memref_slice %arg4[%cond3A_184, %get3A_325, %get3A_326] : memref<2x8x4096xf32, #tpu.memory_space<vmem>> -> memref<1x8x4096xf32, #tpu.memory_space<vmem>>
              %get3A_328 = tpu.memref_squeeze %get3A_327 : memref<1x8x4096xf32, #tpu.memory_space<vmem>> -> memref<8x4096xf32, #tpu.memory_space<vmem>>
              %get3A_329 = arith.index_cast %scan3A_161 : i32 to index
              %get3A_330 = arith.index_cast %mul3A_324 : i32 to index
              %get3A_331 = tpu.vector_load %get3A_328[%get3A_329, %get3A_330] {strides = array<i32>} : memref<8x4096xf32, #tpu.memory_space<vmem>>, vector<16xf32>,
              %bitcast_convert_type3A_332 = tpu.bitcast %get3A_331 : vector<16xf32> -> vector<16xi32>
              %ge3A_333 = vector.broadcast %add3A_257 : i32 to vector<16xi32>
              %ge3A_334 = arith.cmpi sge, %bitcast_convert_type3A_332, %ge3A_333 : vector<16xi32>
              %jit3A_335 = arith.constant 1 : i32
              %jit3A_336 = arith.constant 0 : i32
              %broadcast_in_dim3A_337 = vector.broadcast %jit3A_335 : i32 to vector<16xi32>
              %broadcast_in_dim3A_338 = vector.broadcast %jit3A_336 : i32 to vector<16xi32>
              %select_n3A_339 = arith.select %ge3A_334, %broadcast_in_dim3A_337, %broadcast_in_dim3A_338 : vector<16xi1>, vector<16xi32>
              %add3A_340 = arith.addi %add3A_318, %select_n3A_339 : vector<16xi32>
              %mul3A_341 = arith.constant 8 : i32
              %mul3A_342 = arith.muli %scan3A_275, %mul3A_341 : i32
              %add3A_343 = arith.constant 3 : i32
              %add3A_344 = arith.addi %mul3A_342, %add3A_343 : i32
              %mul3A_345 = arith.constant 16 : i32
              %mul3A_346 = arith.muli %add3A_344, %mul3A_345 : i32
              %get3A_347 = arith.constant 0 : i32
              %get3A_348 = arith.constant 0 : i32
              %get3A_349 = tpu.memref_slice %arg4[%cond3A_184, %get3A_347, %get3A_348] : memref<2x8x4096xf32, #tpu.memory_space<vmem>> -> memref<1x8x4096xf32, #tpu.memory_space<vmem>>
              %get3A_350 = tpu.memref_squeeze %get3A_349 : memref<1x8x4096xf32, #tpu.memory_space<vmem>> -> memref<8x4096xf32, #tpu.memory_space<vmem>>
              %get3A_351 = arith.index_cast %scan3A_161 : i32 to index
              %get3A_352 = arith.index_cast %mul3A_346 : i32 to index
              %get3A_353 = tpu.vector_load %get3A_350[%get3A_351, %get3A_352] {strides = array<i32>} : memref<8x4096xf32, #tpu.memory_space<vmem>>, vector<16xf32>,
              %bitcast_convert_type3A_354 = tpu.bitcast %get3A_353 : vector<16xf32> -> vector<16xi32>
              %ge3A_355 = vector.broadcast %add3A_257 : i32 to vector<16xi32>
              %ge3A_356 = arith.cmpi sge, %bitcast_convert_type3A_354, %ge3A_355 : vector<16xi32>
              %jit3A_357 = arith.constant 1 : i32
              %jit3A_358 = arith.constant 0 : i32
              %broadcast_in_dim3A_359 = vector.broadcast %jit3A_357 : i32 to vector<16xi32>
              %broadcast_in_dim3A_360 = vector.broadcast %jit3A_358 : i32 to vector<16xi32>
              %select_n3A_361 = arith.select %ge3A_356, %broadcast_in_dim3A_359, %broadcast_in_dim3A_360 : vector<16xi1>, vector<16xi32>
              %add3A_362 = arith.addi %add3A_340, %select_n3A_361 : vector<16xi32>
              %mul3A_363 = arith.constant 8 : i32
              %mul3A_364 = arith.muli %scan3A_275, %mul3A_363 : i32
              %add3A_365 = arith.constant 4 : i32
              %add3A_366 = arith.addi %mul3A_364, %add3A_365 : i32
              %mul3A_367 = arith.constant 16 : i32
              %mul3A_368 = arith.muli %add3A_366, %mul3A_367 : i32
              %get3A_369 = arith.constant 0 : i32
              %get3A_370 = arith.constant 0 : i32
              %get3A_371 = tpu.memref_slice %arg4[%cond3A_184, %get3A_369, %get3A_370] : memref<2x8x4096xf32, #tpu.memory_space<vmem>> -> memref<1x8x4096xf32, #tpu.memory_space<vmem>>
              %get3A_372 = tpu.memref_squeeze %get3A_371 : memref<1x8x4096xf32, #tpu.memory_space<vmem>> -> memref<8x4096xf32, #tpu.memory_space<vmem>>
              %get3A_373 = arith.index_cast %scan3A_161 : i32 to index
              %get3A_374 = arith.index_cast %mul3A_368 : i32 to index
              %get3A_375 = tpu.vector_load %get3A_372[%get3A_373, %get3A_374] {strides = array<i32>} : memref<8x4096xf32, #tpu.memory_space<vmem>>, vector<16xf32>,
              %bitcast_convert_type3A_376 = tpu.bitcast %get3A_375 : vector<16xf32> -> vector<16xi32>
              %ge3A_377 = vector.broadcast %add3A_257 : i32 to vector<16xi32>
              %ge3A_378 = arith.cmpi sge, %bitcast_convert_type3A_376, %ge3A_377 : vector<16xi32>
              %jit3A_379 = arith.constant 1 : i32
              %jit3A_380 = arith.constant 0 : i32
              %broadcast_in_dim3A_381 = vector.broadcast %jit3A_379 : i32 to vector<16xi32>
              %broadcast_in_dim3A_382 = vector.broadcast %jit3A_380 : i32 to vector<16xi32>
              %select_n3A_383 = arith.select %ge3A_378, %broadcast_in_dim3A_381, %broadcast_in_dim3A_382 : vector<16xi1>, vector<16xi32>
              %add3A_384 = arith.addi %add3A_362, %select_n3A_383 : vector<16xi32>
              %mul3A_385 = arith.constant 8 : i32
              %mul3A_386 = arith.muli %scan3A_275, %mul3A_385 : i32
              %add3A_387 = arith.constant 5 : i32
              %add3A_388 = arith.addi %mul3A_386, %add3A_387 : i32
              %mul3A_389 = arith.constant 16 : i32
              %mul3A_390 = arith.muli %add3A_388, %mul3A_389 : i32
              %get3A_391 = arith.constant 0 : i32
              %get3A_392 = arith.constant 0 : i32
              %get3A_393 = tpu.memref_slice %arg4[%cond3A_184, %get3A_391, %get3A_392] : memref<2x8x4096xf32, #tpu.memory_space<vmem>> -> memref<1x8x4096xf32, #tpu.memory_space<vmem>>
              %get3A_394 = tpu.memref_squeeze %get3A_393 : memref<1x8x4096xf32, #tpu.memory_space<vmem>> -> memref<8x4096xf32, #tpu.memory_space<vmem>>
              %get3A_395 = arith.index_cast %scan3A_161 : i32 to index
              %get3A_396 = arith.index_cast %mul3A_390 : i32 to index
              %get3A_397 = tpu.vector_load %get3A_394[%get3A_395, %get3A_396] {strides = array<i32>} : memref<8x4096xf32, #tpu.memory_space<vmem>>, vector<16xf32>,
              %bitcast_convert_type3A_398 = tpu.bitcast %get3A_397 : vector<16xf32> -> vector<16xi32>
              %ge3A_399 = vector.broadcast %add3A_257 : i32 to vector<16xi32>
              %ge3A_400 = arith.cmpi sge, %bitcast_convert_type3A_398, %ge3A_399 : vector<16xi32>
              %jit3A_401 = arith.constant 1 : i32
              %jit3A_402 = arith.constant 0 : i32
              %broadcast_in_dim3A_403 = vector.broadcast %jit3A_401 : i32 to vector<16xi32>
              %broadcast_in_dim3A_404 = vector.broadcast %jit3A_402 : i32 to vector<16xi32>
              %select_n3A_405 = arith.select %ge3A_400, %broadcast_in_dim3A_403, %broadcast_in_dim3A_404 : vector<16xi1>, vector<16xi32>
              %add3A_406 = arith.addi %add3A_384, %select_n3A_405 : vector<16xi32>
              %mul3A_407 = arith.constant 8 : i32
              %mul3A_408 = arith.muli %scan3A_275, %mul3A_407 : i32
              %add3A_409 = arith.constant 6 : i32
              %add3A_410 = arith.addi %mul3A_408, %add3A_409 : i32
              %mul3A_411 = arith.constant 16 : i32
              %mul3A_412 = arith.muli %add3A_410, %mul3A_411 : i32
              %get3A_413 = arith.constant 0 : i32
              %get3A_414 = arith.constant 0 : i32
              %get3A_415 = tpu.memref_slice %arg4[%cond3A_184, %get3A_413, %get3A_414] : memref<2x8x4096xf32, #tpu.memory_space<vmem>> -> memref<1x8x4096xf32, #tpu.memory_space<vmem>>
              %get3A_416 = tpu.memref_squeeze %get3A_415 : memref<1x8x4096xf32, #tpu.memory_space<vmem>> -> memref<8x4096xf32, #tpu.memory_space<vmem>>
              %get3A_417 = arith.index_cast %scan3A_161 : i32 to index
              %get3A_418 = arith.index_cast %mul3A_412 : i32 to index
              %get3A_419 = tpu.vector_load %get3A_416[%get3A_417, %get3A_418] {strides = array<i32>} : memref<8x4096xf32, #tpu.memory_space<vmem>>, vector<16xf32>,
              %bitcast_convert_type3A_420 = tpu.bitcast %get3A_419 : vector<16xf32> -> vector<16xi32>
              %ge3A_421 = vector.broadcast %add3A_257 : i32 to vector<16xi32>
              %ge3A_422 = arith.cmpi sge, %bitcast_convert_type3A_420, %ge3A_421 : vector<16xi32>
              %jit3A_423 = arith.constant 1 : i32
              %jit3A_424 = arith.constant 0 : i32
              %broadcast_in_dim3A_425 = vector.broadcast %jit3A_423 : i32 to vector<16xi32>
              %broadcast_in_dim3A_426 = vector.broadcast %jit3A_424 : i32 to vector<16xi32>
              %select_n3A_427 = arith.select %ge3A_422, %broadcast_in_dim3A_425, %broadcast_in_dim3A_426 : vector<16xi1>, vector<16xi32>
              %add3A_428 = arith.addi %add3A_406, %select_n3A_427 : vector<16xi32>
              %mul3A_429 = arith.constant 8 : i32
              %mul3A_430 = arith.muli %scan3A_275, %mul3A_429 : i32
              %add3A_431 = arith.constant 7 : i32
              %add3A_432 = arith.addi %mul3A_430, %add3A_431 : i32
              %mul3A_433 = arith.constant 16 : i32
              %mul3A_434 = arith.muli %add3A_432, %mul3A_433 : i32
              %get3A_435 = arith.constant 0 : i32
              %get3A_436 = arith.constant 0 : i32
              %get3A_437 = tpu.memref_slice %arg4[%cond3A_184, %get3A_435, %get3A_436] : memref<2x8x4096xf32, #tpu.memory_space<vmem>> -> memref<1x8x4096xf32, #tpu.memory_space<vmem>>
              %get3A_438 = tpu.memref_squeeze %get3A_437 : memref<1x8x4096xf32, #tpu.memory_space<vmem>> -> memref<8x4096xf32, #tpu.memory_space<vmem>>
              %get3A_439 = arith.index_cast %scan3A_161 : i32 to index
              %get3A_440 = arith.index_cast %mul3A_434 : i32 to index
              %get3A_441 = tpu.vector_load %get3A_438[%get3A_439, %get3A_440] {strides = array<i32>} : memref<8x4096xf32, #tpu.memory_space<vmem>>, vector<16xf32>,
              %bitcast_convert_type3A_442 = tpu.bitcast %get3A_441 : vector<16xf32> -> vector<16xi32>
              %ge3A_443 = vector.broadcast %add3A_257 : i32 to vector<16xi32>
              %ge3A_444 = arith.cmpi sge, %bitcast_convert_type3A_442, %ge3A_443 : vector<16xi32>
              %jit3A_445 = arith.constant 1 : i32
              %jit3A_446 = arith.constant 0 : i32
              %broadcast_in_dim3A_447 = vector.broadcast %jit3A_445 : i32 to vector<16xi32>
              %broadcast_in_dim3A_448 = vector.broadcast %jit3A_446 : i32 to vector<16xi32>
              %select_n3A_449 = arith.select %ge3A_444, %broadcast_in_dim3A_447, %broadcast_in_dim3A_448 : vector<16xi1>, vector<16xi32>
              %add3A_450 = arith.addi %add3A_428, %select_n3A_449 : vector<16xi32>
              scf.yield %add3A_450 : vector<16xi32>
            }
            %scan3A_265 = arith.constant 32 : i32
            %reduce_sum3A_266 = arith.constant true
            %reduce_sum3A_267 = vector.broadcast %reduce_sum3A_266 : i1 to vector<16xi1>
            %reduce_sum3A_268 = tpu.scan <sum>, %scan3A_264 masked %reduce_sum3A_267 : vector<16xi32>, vector<16xi1> -> vector<16xi32>
            %reduce_sum3A_269 = vector.extract %reduce_sum3A_268[15] : i32 from vector<16xi32>
            %ge3A = arith.constant 64 : i32
            %ge3A_270 = arith.cmpi sge, %reduce_sum3A_269, %ge3A : i32
            %select_n3A_271 = arith.select %ge3A_270, %add3A_257, %scan3A_250 : i32
            %sub3A_272 = arith.constant 1 : i32
            %sub3A_273 = arith.subi %add3A_257, %sub3A_272 : i32
            %select_n3A_274 = arith.select %ge3A_270, %scan3A_251, %sub3A_273 : i32
            scf.yield %select_n3A_271, %select_n3A_274 : i32, i32
          }
          %scan3A_223 = arith.constant 23 : i32
          %bitcast_convert_type3A_224 = arith.bitcast %scan3A_222#0 : i32 to f32
          %broadcast_in_dim3A_225 = arith.constant 0.000000e+00 : f32
          %broadcast_in_dim3A_226 = vector.broadcast %broadcast_in_dim3A_225 : f32 to vector<16xf32>
          %broadcast_in_dim3A_227 = arith.constant 0 : i32
          %broadcast_in_dim3A_228 = vector.broadcast %broadcast_in_dim3A_227 : i32 to vector<16xi32>
          %scan3A_229 = arith.constant 0 : i32
          %scan3A_230 = arith.constant 32 : i32
          %scan3A_231 = arith.addi %scan3A_229, %scan3A_230 : i32
          %scan3A_232 = arith.constant 1 : i32
          %scan3A_233:2 = scf.for %scan3A_249 = %scan3A_229 to %scan3A_231 step %scan3A_232 iter_args(%scan3A_250 = %broadcast_in_dim3A_226, %scan3A_251 = %broadcast_in_dim3A_228) -> (vector<16xf32>, vector<16xi32>)  : i32 {
            %mul3A_252 = arith.constant 8 : i32
            %mul3A_253 = arith.muli %scan3A_249, %mul3A_252 : i32
            %add3A_254 = arith.constant 0 : i32
            %add3A_255 = arith.addi %mul3A_253, %add3A_254 : i32
            %mul3A_256 = arith.constant 16 : i32
            %mul3A_257 = arith.muli %add3A_255, %mul3A_256 : i32
            %get3A = arith.constant 0 : i32
            %get3A_258 = arith.constant 0 : i32
            %get3A_259 = tpu.memref_slice %arg4[%cond3A_184, %get3A, %get3A_258] : memref<2x8x4096xf32, #tpu.memory_space<vmem>> -> memref<1x8x4096xf32, #tpu.memory_space<vmem>>
            %get3A_260 = tpu.memref_squeeze %get3A_259 : memref<1x8x4096xf32, #tpu.memory_space<vmem>> -> memref<8x4096xf32, #tpu.memory_space<vmem>>
            %get3A_261 = arith.index_cast %scan3A_161 : i32 to index
            %get3A_262 = arith.index_cast %mul3A_257 : i32 to index
            %get3A_263 = tpu.vector_load %get3A_260[%get3A_261, %get3A_262] {strides = array<i32>} : memref<8x4096xf32, #tpu.memory_space<vmem>>, vector<16xf32>,
            %bitcast_convert_type3A_264 = tpu.bitcast %get3A_263 : vector<16xf32> -> vector<16xi32>
            %gt3A_265 = vector.broadcast %scan3A_222#0 : i32 to vector<16xi32>
            %gt3A_266 = arith.cmpi sgt, %bitcast_convert_type3A_264, %gt3A_265 : vector<16xi32>
            %jit3A = arith.constant 0.000000e+00 : f32
            %broadcast_in_dim3A_267 = vector.broadcast %jit3A : f32 to vector<16xf32>
            %select_n3A_268 = arith.select %gt3A_266, %get3A_263, %broadcast_in_dim3A_267 : vector<16xi1>, vector<16xf32>
            %add3A_269 = arith.addf %scan3A_250, %select_n3A_268 : vector<16xf32>
            %convert_element_type3A_270 = arith.extui %gt3A_266 : vector<16xi1> to vector<16xi32>
            %add3A_271 = arith.addi %scan3A_251, %convert_element_type3A_270 : vector<16xi32>
            %mul3A_272 = arith.constant 8 : i32
            %mul3A_273 = arith.muli %scan3A_249, %mul3A_272 : i32
            %add3A_274 = arith.constant 1 : i32
            %add3A_275 = arith.addi %mul3A_273, %add3A_274 : i32
            %mul3A_276 = arith.constant 16 : i32
            %mul3A_277 = arith.muli %add3A_275, %mul3A_276 : i32
            %get3A_278 = arith.constant 0 : i32
            %get3A_279 = arith.constant 0 : i32
            %get3A_280 = tpu.memref_slice %arg4[%cond3A_184, %get3A_278, %get3A_279] : memref<2x8x4096xf32, #tpu.memory_space<vmem>> -> memref<1x8x4096xf32, #tpu.memory_space<vmem>>
            %get3A_281 = tpu.memref_squeeze %get3A_280 : memref<1x8x4096xf32, #tpu.memory_space<vmem>> -> memref<8x4096xf32, #tpu.memory_space<vmem>>
            %get3A_282 = arith.index_cast %scan3A_161 : i32 to index
            %get3A_283 = arith.index_cast %mul3A_277 : i32 to index
            %get3A_284 = tpu.vector_load %get3A_281[%get3A_282, %get3A_283] {strides = array<i32>} : memref<8x4096xf32, #tpu.memory_space<vmem>>, vector<16xf32>,
            %bitcast_convert_type3A_285 = tpu.bitcast %get3A_284 : vector<16xf32> -> vector<16xi32>
            %gt3A_286 = vector.broadcast %scan3A_222#0 : i32 to vector<16xi32>
            %gt3A_287 = arith.cmpi sgt, %bitcast_convert_type3A_285, %gt3A_286 : vector<16xi32>
            %jit3A_288 = arith.constant 0.000000e+00 : f32
            %broadcast_in_dim3A_289 = vector.broadcast %jit3A_288 : f32 to vector<16xf32>
            %select_n3A_290 = arith.select %gt3A_287, %get3A_284, %broadcast_in_dim3A_289 : vector<16xi1>, vector<16xf32>
            %add3A_291 = arith.addf %add3A_269, %select_n3A_290 : vector<16xf32>
            %convert_element_type3A_292 = arith.extui %gt3A_287 : vector<16xi1> to vector<16xi32>
            %add3A_293 = arith.addi %add3A_271, %convert_element_type3A_292 : vector<16xi32>
            %mul3A_294 = arith.constant 8 : i32
            %mul3A_295 = arith.muli %scan3A_249, %mul3A_294 : i32
            %add3A_296 = arith.constant 2 : i32
            %add3A_297 = arith.addi %mul3A_295, %add3A_296 : i32
            %mul3A_298 = arith.constant 16 : i32
            %mul3A_299 = arith.muli %add3A_297, %mul3A_298 : i32
            %get3A_300 = arith.constant 0 : i32
            %get3A_301 = arith.constant 0 : i32
            %get3A_302 = tpu.memref_slice %arg4[%cond3A_184, %get3A_300, %get3A_301] : memref<2x8x4096xf32, #tpu.memory_space<vmem>> -> memref<1x8x4096xf32, #tpu.memory_space<vmem>>
            %get3A_303 = tpu.memref_squeeze %get3A_302 : memref<1x8x4096xf32, #tpu.memory_space<vmem>> -> memref<8x4096xf32, #tpu.memory_space<vmem>>
            %get3A_304 = arith.index_cast %scan3A_161 : i32 to index
            %get3A_305 = arith.index_cast %mul3A_299 : i32 to index
            %get3A_306 = tpu.vector_load %get3A_303[%get3A_304, %get3A_305] {strides = array<i32>} : memref<8x4096xf32, #tpu.memory_space<vmem>>, vector<16xf32>,
            %bitcast_convert_type3A_307 = tpu.bitcast %get3A_306 : vector<16xf32> -> vector<16xi32>
            %gt3A_308 = vector.broadcast %scan3A_222#0 : i32 to vector<16xi32>
            %gt3A_309 = arith.cmpi sgt, %bitcast_convert_type3A_307, %gt3A_308 : vector<16xi32>
            %jit3A_310 = arith.constant 0.000000e+00 : f32
            %broadcast_in_dim3A_311 = vector.broadcast %jit3A_310 : f32 to vector<16xf32>
            %select_n3A_312 = arith.select %gt3A_309, %get3A_306, %broadcast_in_dim3A_311 : vector<16xi1>, vector<16xf32>
            %add3A_313 = arith.addf %add3A_291, %select_n3A_312 : vector<16xf32>
            %convert_element_type3A_314 = arith.extui %gt3A_309 : vector<16xi1> to vector<16xi32>
            %add3A_315 = arith.addi %add3A_293, %convert_element_type3A_314 : vector<16xi32>
            %mul3A_316 = arith.constant 8 : i32
            %mul3A_317 = arith.muli %scan3A_249, %mul3A_316 : i32
            %add3A_318 = arith.constant 3 : i32
            %add3A_319 = arith.addi %mul3A_317, %add3A_318 : i32
            %mul3A_320 = arith.constant 16 : i32
            %mul3A_321 = arith.muli %add3A_319, %mul3A_320 : i32
            %get3A_322 = arith.constant 0 : i32
            %get3A_323 = arith.constant 0 : i32
            %get3A_324 = tpu.memref_slice %arg4[%cond3A_184, %get3A_322, %get3A_323] : memref<2x8x4096xf32, #tpu.memory_space<vmem>> -> memref<1x8x4096xf32, #tpu.memory_space<vmem>>
            %get3A_325 = tpu.memref_squeeze %get3A_324 : memref<1x8x4096xf32, #tpu.memory_space<vmem>> -> memref<8x4096xf32, #tpu.memory_space<vmem>>
            %get3A_326 = arith.index_cast %scan3A_161 : i32 to index
            %get3A_327 = arith.index_cast %mul3A_321 : i32 to index
            %get3A_328 = tpu.vector_load %get3A_325[%get3A_326, %get3A_327] {strides = array<i32>} : memref<8x4096xf32, #tpu.memory_space<vmem>>, vector<16xf32>,
            %bitcast_convert_type3A_329 = tpu.bitcast %get3A_328 : vector<16xf32> -> vector<16xi32>
            %gt3A_330 = vector.broadcast %scan3A_222#0 : i32 to vector<16xi32>
            %gt3A_331 = arith.cmpi sgt, %bitcast_convert_type3A_329, %gt3A_330 : vector<16xi32>
            %jit3A_332 = arith.constant 0.000000e+00 : f32
            %broadcast_in_dim3A_333 = vector.broadcast %jit3A_332 : f32 to vector<16xf32>
            %select_n3A_334 = arith.select %gt3A_331, %get3A_328, %broadcast_in_dim3A_333 : vector<16xi1>, vector<16xf32>
            %add3A_335 = arith.addf %add3A_313, %select_n3A_334 : vector<16xf32>
            %convert_element_type3A_336 = arith.extui %gt3A_331 : vector<16xi1> to vector<16xi32>
            %add3A_337 = arith.addi %add3A_315, %convert_element_type3A_336 : vector<16xi32>
            %mul3A_338 = arith.constant 8 : i32
            %mul3A_339 = arith.muli %scan3A_249, %mul3A_338 : i32
            %add3A_340 = arith.constant 4 : i32
            %add3A_341 = arith.addi %mul3A_339, %add3A_340 : i32
            %mul3A_342 = arith.constant 16 : i32
            %mul3A_343 = arith.muli %add3A_341, %mul3A_342 : i32
            %get3A_344 = arith.constant 0 : i32
            %get3A_345 = arith.constant 0 : i32
            %get3A_346 = tpu.memref_slice %arg4[%cond3A_184, %get3A_344, %get3A_345] : memref<2x8x4096xf32, #tpu.memory_space<vmem>> -> memref<1x8x4096xf32, #tpu.memory_space<vmem>>
            %get3A_347 = tpu.memref_squeeze %get3A_346 : memref<1x8x4096xf32, #tpu.memory_space<vmem>> -> memref<8x4096xf32, #tpu.memory_space<vmem>>
            %get3A_348 = arith.index_cast %scan3A_161 : i32 to index
            %get3A_349 = arith.index_cast %mul3A_343 : i32 to index
            %get3A_350 = tpu.vector_load %get3A_347[%get3A_348, %get3A_349] {strides = array<i32>} : memref<8x4096xf32, #tpu.memory_space<vmem>>, vector<16xf32>,
            %bitcast_convert_type3A_351 = tpu.bitcast %get3A_350 : vector<16xf32> -> vector<16xi32>
            %gt3A_352 = vector.broadcast %scan3A_222#0 : i32 to vector<16xi32>
            %gt3A_353 = arith.cmpi sgt, %bitcast_convert_type3A_351, %gt3A_352 : vector<16xi32>
            %jit3A_354 = arith.constant 0.000000e+00 : f32
            %broadcast_in_dim3A_355 = vector.broadcast %jit3A_354 : f32 to vector<16xf32>
            %select_n3A_356 = arith.select %gt3A_353, %get3A_350, %broadcast_in_dim3A_355 : vector<16xi1>, vector<16xf32>
            %add3A_357 = arith.addf %add3A_335, %select_n3A_356 : vector<16xf32>
            %convert_element_type3A_358 = arith.extui %gt3A_353 : vector<16xi1> to vector<16xi32>
            %add3A_359 = arith.addi %add3A_337, %convert_element_type3A_358 : vector<16xi32>
            %mul3A_360 = arith.constant 8 : i32
            %mul3A_361 = arith.muli %scan3A_249, %mul3A_360 : i32
            %add3A_362 = arith.constant 5 : i32
            %add3A_363 = arith.addi %mul3A_361, %add3A_362 : i32
            %mul3A_364 = arith.constant 16 : i32
            %mul3A_365 = arith.muli %add3A_363, %mul3A_364 : i32
            %get3A_366 = arith.constant 0 : i32
            %get3A_367 = arith.constant 0 : i32
            %get3A_368 = tpu.memref_slice %arg4[%cond3A_184, %get3A_366, %get3A_367] : memref<2x8x4096xf32, #tpu.memory_space<vmem>> -> memref<1x8x4096xf32, #tpu.memory_space<vmem>>
            %get3A_369 = tpu.memref_squeeze %get3A_368 : memref<1x8x4096xf32, #tpu.memory_space<vmem>> -> memref<8x4096xf32, #tpu.memory_space<vmem>>
            %get3A_370 = arith.index_cast %scan3A_161 : i32 to index
            %get3A_371 = arith.index_cast %mul3A_365 : i32 to index
            %get3A_372 = tpu.vector_load %get3A_369[%get3A_370, %get3A_371] {strides = array<i32>} : memref<8x4096xf32, #tpu.memory_space<vmem>>, vector<16xf32>,
            %bitcast_convert_type3A_373 = tpu.bitcast %get3A_372 : vector<16xf32> -> vector<16xi32>
            %gt3A_374 = vector.broadcast %scan3A_222#0 : i32 to vector<16xi32>
            %gt3A_375 = arith.cmpi sgt, %bitcast_convert_type3A_373, %gt3A_374 : vector<16xi32>
            %jit3A_376 = arith.constant 0.000000e+00 : f32
            %broadcast_in_dim3A_377 = vector.broadcast %jit3A_376 : f32 to vector<16xf32>
            %select_n3A_378 = arith.select %gt3A_375, %get3A_372, %broadcast_in_dim3A_377 : vector<16xi1>, vector<16xf32>
            %add3A_379 = arith.addf %add3A_357, %select_n3A_378 : vector<16xf32>
            %convert_element_type3A_380 = arith.extui %gt3A_375 : vector<16xi1> to vector<16xi32>
            %add3A_381 = arith.addi %add3A_359, %convert_element_type3A_380 : vector<16xi32>
            %mul3A_382 = arith.constant 8 : i32
            %mul3A_383 = arith.muli %scan3A_249, %mul3A_382 : i32
            %add3A_384 = arith.constant 6 : i32
            %add3A_385 = arith.addi %mul3A_383, %add3A_384 : i32
            %mul3A_386 = arith.constant 16 : i32
            %mul3A_387 = arith.muli %add3A_385, %mul3A_386 : i32
            %get3A_388 = arith.constant 0 : i32
            %get3A_389 = arith.constant 0 : i32
            %get3A_390 = tpu.memref_slice %arg4[%cond3A_184, %get3A_388, %get3A_389] : memref<2x8x4096xf32, #tpu.memory_space<vmem>> -> memref<1x8x4096xf32, #tpu.memory_space<vmem>>
            %get3A_391 = tpu.memref_squeeze %get3A_390 : memref<1x8x4096xf32, #tpu.memory_space<vmem>> -> memref<8x4096xf32, #tpu.memory_space<vmem>>
            %get3A_392 = arith.index_cast %scan3A_161 : i32 to index
            %get3A_393 = arith.index_cast %mul3A_387 : i32 to index
            %get3A_394 = tpu.vector_load %get3A_391[%get3A_392, %get3A_393] {strides = array<i32>} : memref<8x4096xf32, #tpu.memory_space<vmem>>, vector<16xf32>,
            %bitcast_convert_type3A_395 = tpu.bitcast %get3A_394 : vector<16xf32> -> vector<16xi32>
            %gt3A_396 = vector.broadcast %scan3A_222#0 : i32 to vector<16xi32>
            %gt3A_397 = arith.cmpi sgt, %bitcast_convert_type3A_395, %gt3A_396 : vector<16xi32>
            %jit3A_398 = arith.constant 0.000000e+00 : f32
            %broadcast_in_dim3A_399 = vector.broadcast %jit3A_398 : f32 to vector<16xf32>
            %select_n3A_400 = arith.select %gt3A_397, %get3A_394, %broadcast_in_dim3A_399 : vector<16xi1>, vector<16xf32>
            %add3A_401 = arith.addf %add3A_379, %select_n3A_400 : vector<16xf32>
            %convert_element_type3A_402 = arith.extui %gt3A_397 : vector<16xi1> to vector<16xi32>
            %add3A_403 = arith.addi %add3A_381, %convert_element_type3A_402 : vector<16xi32>
            %mul3A_404 = arith.constant 8 : i32
            %mul3A_405 = arith.muli %scan3A_249, %mul3A_404 : i32
            %add3A_406 = arith.constant 7 : i32
            %add3A_407 = arith.addi %mul3A_405, %add3A_406 : i32
            %mul3A_408 = arith.constant 16 : i32
            %mul3A_409 = arith.muli %add3A_407, %mul3A_408 : i32
            %get3A_410 = arith.constant 0 : i32
            %get3A_411 = arith.constant 0 : i32
            %get3A_412 = tpu.memref_slice %arg4[%cond3A_184, %get3A_410, %get3A_411] : memref<2x8x4096xf32, #tpu.memory_space<vmem>> -> memref<1x8x4096xf32, #tpu.memory_space<vmem>>
            %get3A_413 = tpu.memref_squeeze %get3A_412 : memref<1x8x4096xf32, #tpu.memory_space<vmem>> -> memref<8x4096xf32, #tpu.memory_space<vmem>>
            %get3A_414 = arith.index_cast %scan3A_161 : i32 to index
            %get3A_415 = arith.index_cast %mul3A_409 : i32 to index
            %get3A_416 = tpu.vector_load %get3A_413[%get3A_414, %get3A_415] {strides = array<i32>} : memref<8x4096xf32, #tpu.memory_space<vmem>>, vector<16xf32>,
            %bitcast_convert_type3A_417 = tpu.bitcast %get3A_416 : vector<16xf32> -> vector<16xi32>
            %gt3A_418 = vector.broadcast %scan3A_222#0 : i32 to vector<16xi32>
            %gt3A_419 = arith.cmpi sgt, %bitcast_convert_type3A_417, %gt3A_418 : vector<16xi32>
            %jit3A_420 = arith.constant 0.000000e+00 : f32
            %broadcast_in_dim3A_421 = vector.broadcast %jit3A_420 : f32 to vector<16xf32>
            %select_n3A_422 = arith.select %gt3A_419, %get3A_416, %broadcast_in_dim3A_421 : vector<16xi1>, vector<16xf32>
            %add3A_423 = arith.addf %add3A_401, %select_n3A_422 : vector<16xf32>
            %convert_element_type3A_424 = arith.extui %gt3A_419 : vector<16xi1> to vector<16xi32>
            %add3A_425 = arith.addi %add3A_403, %convert_element_type3A_424 : vector<16xi32>
            scf.yield %add3A_423, %add3A_425 : vector<16xf32>, vector<16xi32>
          }
          %scan3A_234 = arith.constant 32 : i32
          %reduce_sum3A_235 = arith.constant true
          %reduce_sum3A_236 = vector.broadcast %reduce_sum3A_235 : i1 to vector<16xi1>
          %reduce_sum3A_237 = tpu.scan <sum>, %scan3A_233#0 masked %reduce_sum3A_236 : vector<16xf32>, vector<16xi1> -> vector<16xf32>
          %reduce_sum3A_238 = vector.extract %reduce_sum3A_237[15] : f32 from vector<16xf32>
          %reduce_sum3A_239 = arith.constant true
          %reduce_sum3A_240 = vector.broadcast %reduce_sum3A_239 : i1 to vector<16xi1>
          %reduce_sum3A_241 = tpu.scan <sum>, %scan3A_233#1 masked %reduce_sum3A_240 : vector<16xi32>, vector<16xi1> -> vector<16xi32>
          %reduce_sum3A_242 = vector.extract %reduce_sum3A_241[15] : i32 from vector<16xi32>
          %sub3A_243 = arith.constant 64 : i32
          %sub3A_244 = arith.subi %sub3A_243, %reduce_sum3A_242 : i32
          %convert_element_type3A_245 = arith.sitofp %sub3A_244 : i32 to f32
          %mul3A_246 = arith.mulf %convert_element_type3A_245, %bitcast_convert_type3A_224 : f32
          %add3A_247 = arith.addf %reduce_sum3A_238, %mul3A_246 : f32
          %select_n3A_248 = arith.select %lt3A_215, %reduce_sum3A_213, %add3A_247 : f32
          scf.yield %select_n3A_248 : f32
        } else {
          %cond3A_197 = arith.constant 0.000000e+00 : f32
          scf.yield %cond3A_197 : f32
        }
        %add3A_188 = arith.constant 0 : i32
        %add3A_189 = arith.addi %add3A_188, %scan3A_161 : i32
        %eq3A = vector.broadcast %add3A_189 : i32 to vector<16xi32>
        %eq3A_190 = arith.cmpi eq, %iota3A, %eq3A : vector<16xi32>
        %broadcast_in_dim3A_191 = vector.broadcast %squeeze3A : i32 to vector<16xi32>
        %select_n3A_192 = arith.select %eq3A_190, %broadcast_in_dim3A_191, %scan3A_162 : vector<16xi1>, vector<16xi32>
        %eq3A_193 = vector.broadcast %add3A_189 : i32 to vector<16xi32>
        %eq3A_194 = arith.cmpi eq, %iota3A, %eq3A_193 : vector<16xi32>
        %broadcast_in_dim3A_195 = vector.broadcast %cond3A_187 : f32 to vector<16xf32>
        %select_n3A_196 = arith.select %eq3A_194, %broadcast_in_dim3A_195, %scan3A_163 : vector<16xi1>, vector<16xf32>
        scf.yield %select_n3A_192, %select_n3A_196 : vector<16xi32>, vector<16xf32>
      }
      %scan3A_71 = arith.constant 8 : i32
      %add3A_72 = arith.constant 1 : i32
      %add3A_73 = arith.addi %scan3A_41, %add3A_72 : i32
      %lt3A = arith.constant 8 : i32
      %lt3A_74 = arith.cmpi slt, %add3A_73, %lt3A : i32
      %convert_element_type3A = arith.extui %lt3A_74 : i1 to i32
      %cond3A = arith.constant 0 : i32
      %cond3A_75 = arith.cmpi ne, %convert_element_type3A, %cond3A : i32
      scf.if %cond3A_75 {
        %add3A_161 = arith.constant 16 : i32
        %add3A_162 = arith.addi %add3A_45, %add3A_161 : i32
        %add3A_163 = arith.constant 0 : i32
        %add3A_164 = arith.addi %add3A_162, %add3A_163 : i32
        %dma_start3A_165 = arith.constant 0 : i32
        %dma_start3A_166 = arith.constant 0 : i32
        %dma_start3A_167 = arith.constant 0 : i32
        %dma_start3A_168 = tpu.memref_slice %arg4[%dma_start3A_165, %dma_start3A_166, %dma_start3A_167] : memref<2x8x4096xf32, #tpu.memory_space<vmem>> -> memref<1x8x4096xf32, #tpu.memory_space<vmem>>
        %dma_start3A_169 = tpu.memref_squeeze %dma_start3A_168 : memref<1x8x4096xf32, #tpu.memory_space<vmem>> -> memref<8x4096xf32, #tpu.memory_space<vmem>>
        %dma_start3A_170 = arith.constant 0 : i32
        %dma_start3A_171 = tpu.memref_slice %arg2[%add3A_164, %dma_start3A_170] : memref<8192x4096xf32, #tpu.memory_space<hbm>> -> memref<8x4096xf32, #tpu.memory_space<hbm>>
        %dma_start3A_172 = arith.constant 0 : i32
        %dma_start3A_173 = arith.constant 0 : i32
        %dma_start3A_174 = tpu.memref_slice %arg4[%dma_start3A_165, %dma_start3A_172, %dma_start3A_173] : memref<2x8x4096xf32, #tpu.memory_space<vmem>> -> memref<1x8x4096xf32, #tpu.memory_space<vmem>>
        %dma_start3A_175 = tpu.memref_squeeze %dma_start3A_174 : memref<1x8x4096xf32, #tpu.memory_space<vmem>> -> memref<8x4096xf32, #tpu.memory_space<vmem>>
        %dma_start3A_176 = arith.constant 0 : i32
        %dma_start3A_177 = tpu.memref_slice %arg2[%add3A_164, %dma_start3A_176] : memref<8192x4096xf32, #tpu.memory_space<hbm>> -> memref<8x4096xf32, #tpu.memory_space<hbm>>
        tpu.enqueue_dma source(%dma_start3A_177 : memref<8x4096xf32, #tpu.memory_space<hbm>>) target(%dma_start3A_175 : memref<8x4096xf32, #tpu.memory_space<vmem>>) target_semaphore(%arg7 : memref<!tpu.dma_semaphore, #tpu.memory_space<semaphore_mem>>)
      } else {
      }
      %add3A_76 = arith.constant 8 : i32
      %add3A_77 = arith.addi %add3A_45, %add3A_76 : i32
      %dma_wait3A_78 = arith.constant 1 : i32
      %dma_wait3A_79 = arith.constant 0 : i32
      %dma_wait3A_80 = arith.constant 0 : i32
      %dma_wait3A_81 = tpu.memref_slice %arg4[%dma_wait3A_78, %dma_wait3A_79, %dma_wait3A_80] : memref<2x8x4096xf32, #tpu.memory_space<vmem>> -> memref<1x8x4096xf32, #tpu.memory_space<vmem>>
      %dma_wait3A_82 = tpu.memref_squeeze %dma_wait3A_81 : memref<1x8x4096xf32, #tpu.memory_space<vmem>> -> memref<8x4096xf32, #tpu.memory_space<vmem>>
      %dma_wait3A_83 = arith.constant 0 : i32
      %dma_wait3A_84 = tpu.memref_slice %arg2[%add3A_77, %dma_wait3A_83] : memref<8192x4096xf32, #tpu.memory_space<hbm>> -> memref<8x4096xf32, #tpu.memory_space<hbm>>
      %dma_wait3A_85 = arith.constant 0 : i32
      %dma_wait3A_86 = arith.constant 0 : i32
      %dma_wait3A_87 = tpu.memref_slice %arg4[%dma_wait3A_78, %dma_wait3A_85, %dma_wait3A_86] : memref<2x8x4096xf32, #tpu.memory_space<vmem>> -> memref<1x8x4096xf32, #tpu.memory_space<vmem>>
      %dma_wait3A_88 = tpu.memref_squeeze %dma_wait3A_87 : memref<1x8x4096xf32, #tpu.memory_space<vmem>> -> memref<8x4096xf32, #tpu.memory_space<vmem>>
      %dma_wait3A_89 = arith.constant 0 : i32
      %dma_wait3A_90 = tpu.memref_slice %arg2[%add3A_77, %dma_wait3A_89] : memref<8192x4096xf32, #tpu.memory_space<hbm>> -> memref<8x4096xf32, #tpu.memory_space<hbm>>
      tpu.wait_dma2 semaphore(%arg8 : memref<!tpu.dma_semaphore, #tpu.memory_space<semaphore_mem>>) src(%dma_wait3A_90 : memref<8x4096xf32, #tpu.memory_space<hbm>>) dst(%dma_wait3A_88 : memref<8x4096xf32, #tpu.memory_space<vmem>>)
      %scan3A_91 = arith.constant 0 : i32
      %scan3A_92 = arith.constant 8 : i32
      %scan3A_93 = arith.addi %scan3A_91, %scan3A_92 : i32
      %scan3A_94 = arith.constant 1 : i32
      %scan3A_95:2 = scf.for %scan3A_161 = %scan3A_91 to %scan3A_93 step %scan3A_94 iter_args(%scan3A_162 = %scan3A_70#0, %scan3A_163 = %scan3A_70#1) -> (vector<16xi32>, vector<16xf32>)  : i32 {
        %mul3A_164 = arith.constant 0 : i32
        %mul3A_165 = vector.broadcast %mul3A_164 : i32 to vector<16xi32>
        %mul3A_166 = arith.muli %iota3A, %mul3A_165 : vector<16xi32>
        %add3A_167 = arith.constant 8 : i32
        %add3A_168 = arith.addi %add3A_167, %scan3A_161 : i32
        %add3A_169 = vector.broadcast %add3A_168 : i32 to vector<16xi32>
        %add3A_170 = arith.addi %mul3A_166, %add3A_169 : vector<16xi32>
        %broadcast_in_dim3A_171 = arith.constant 0 : i32
        %broadcast_in_dim3A_172 = vector.broadcast %broadcast_in_dim3A_171 : i32 to vector<16xi32>
        %parallel_loop3A_173 = arith.constant 0 : i32
        %parallel_loop3A_174 = arith.constant 256 : i32
        %parallel_loop3A_175 = arith.constant 1 : i32
        %parallel_loop3A_176 = arith.constant 1 : i32
        %parallel_loop3A_177 = scf.for %parallel_loop3A_197 = %parallel_loop3A_173 to %parallel_loop3A_174 step %parallel_loop3A_175 iter_args(%parallel_loop3A_198 = %broadcast_in_dim3A_172) -> (vector<16xi32>)  : i32 {
          %parallel_loop3A_199 = arith.constant 16 : i32
          %parallel_loop3A_200 = arith.muli %parallel_loop3A_197, %parallel_loop3A_199 : i32
          %parallel_loop3A_201 = arith.constant 0 : i32
          %parallel_loop3A_202 = arith.constant 0 : i32
          %parallel_loop3A_203 = tpu.memref_slice %arg4[%parallel_loop3A_176, %parallel_loop3A_201, %parallel_loop3A_202] : memref<2x8x4096xf32, #tpu.memory_space<vmem>> -> memref<1x8x4096xf32, #tpu.memory_space<vmem>>
          %parallel_loop3A_204 = tpu.memref_squeeze %parallel_loop3A_203 : memref<1x8x4096xf32, #tpu.memory_space<vmem>> -> memref<8x4096xf32, #tpu.memory_space<vmem>>
          %parallel_loop3A_205 = arith.index_cast %scan3A_161 : i32 to index
          %parallel_loop3A_206 = arith.index_cast %parallel_loop3A_200 : i32 to index
          %parallel_loop3A_207 = tpu.vector_load %parallel_loop3A_204[%parallel_loop3A_205, %parallel_loop3A_206] {strides = array<i32>} : memref<8x4096xf32, #tpu.memory_space<vmem>>, vector<16xf32>,
          %parallel_loop3A_208 = arith.cmpf oge, %parallel_loop3A_207, %bitcast_convert_type3A : vector<16xf32>
          %parallel_loop3A_209 = tpu.all_reduce %parallel_loop3A_208 {dim = 0 : i64, kind = #tpu.reduction_kind<sum>} : vector<16xi1> -> vector<16xi32>
          %parallel_loop3A_210 = arith.extui %parallel_loop3A_208 : vector<16xi1> to vector<16xi32>
          %parallel_loop3A_211 = arith.constant true
          %parallel_loop3A_212 = vector.broadcast %parallel_loop3A_211 : i1 to vector<16xi1>
          %parallel_loop3A_213 = tpu.scan <sum>, %parallel_loop3A_210 masked %parallel_loop3A_212 : vector<16xi32>, vector<16xi1> -> vector<16xi32>
          %parallel_loop3A_214 = arith.addi %parallel_loop3A_198, %parallel_loop3A_213 : vector<16xi32>
          %parallel_loop3A_215 = arith.constant 1 : i32
          %parallel_loop3A_216 = vector.broadcast %parallel_loop3A_215 : i32 to vector<16xi32>
          %parallel_loop3A_217 = arith.subi %parallel_loop3A_214, %parallel_loop3A_216 : vector<16xi32>
          %parallel_loop3A_218 = arith.constant 256 : i32
          %parallel_loop3A_219 = vector.broadcast %parallel_loop3A_218 : i32 to vector<16xi32>
          %parallel_loop3A_220 = arith.cmpi slt, %parallel_loop3A_217, %parallel_loop3A_219 : vector<16xi32>
          %parallel_loop3A_221 = arith.andi %parallel_loop3A_208, %parallel_loop3A_220 : vector<16xi1>
          %parallel_loop3A_222 = arith.constant 0 : i32
          %parallel_loop3A_223 = arith.constant 255 : i32
          %parallel_loop3A_224 = vector.broadcast %parallel_loop3A_222 : i32 to vector<16xi32>
          %parallel_loop3A_225 = arith.maxsi %parallel_loop3A_224, %parallel_loop3A_217 : vector<16xi32>
          %parallel_loop3A_226 = vector.broadcast %parallel_loop3A_223 : i32 to vector<16xi32>
          %parallel_loop3A_227 = arith.minsi %parallel_loop3A_226, %parallel_loop3A_225 : vector<16xi32>
          tpu.vector_store_idx %arg5[%parallel_loop3A_227, %add3A_170], %parallel_loop3A_207 masked %parallel_loop3A_221 : memref<256x16xf32, #tpu.memory_space<vmem>>[vector<16xi32>, vector<16xi32>], vector<16xf32>, vector<16xi1>
          %parallel_loop3A_228 = arith.addi %parallel_loop3A_198, %parallel_loop3A_209 : vector<16xi32>
          scf.yield %parallel_loop3A_228 : vector<16xi32>
        } {sc.loop_unroll_factor = 8 : i64, sc.parallel_access}
        %slice3A = vector.extract_strided_slice %parallel_loop3A_177 {offsets = [0], sizes = [1], strides = [1]} : vector<16xi32> to vector<1xi32>
        %squeeze3A = vector.extract %slice3A[0] : i32 from vector<1xi32>
        %lt3A_178 = arith.constant 64 : i32
        %lt3A_179 = arith.cmpi slt, %squeeze3A, %lt3A_178 : i32
        %gt3A_180 = arith.constant 256 : i32
        %gt3A_181 = arith.cmpi sgt, %squeeze3A, %gt3A_180 : i32
        %or3A_182 = arith.ori %lt3A_179, %gt3A_181 : i1
        %convert_element_type3A_183 = arith.extui %or3A_182 : i1 to i32
        %cond3A_184 = arith.constant 1 : i32
        %cond3A_185 = arith.constant 0 : i32
        %cond3A_186 = arith.cmpi ne, %convert_element_type3A_183, %cond3A_185 : i32
        %cond3A_187 = scf.if %cond3A_186 -> (f32) {
          %broadcast_in_dim3A_197 = arith.constant 0.000000e+00 : f32
          %broadcast_in_dim3A_198 = vector.broadcast %broadcast_in_dim3A_197 : f32 to vector<16xf32>
          %broadcast_in_dim3A_199 = arith.constant 0 : i32
          %broadcast_in_dim3A_200 = vector.broadcast %broadcast_in_dim3A_199 : i32 to vector<16xi32>
          %scan3A_201 = arith.constant 0 : i32
          %scan3A_202 = arith.constant 32 : i32
          %scan3A_203 = arith.addi %scan3A_201, %scan3A_202 : i32
          %scan3A_204 = arith.constant 1 : i32
          %scan3A_205:2 = scf.for %scan3A_249 = %scan3A_201 to %scan3A_203 step %scan3A_204 iter_args(%scan3A_250 = %broadcast_in_dim3A_198, %scan3A_251 = %broadcast_in_dim3A_200) -> (vector<16xf32>, vector<16xi32>)  : i32 {
            %mul3A_252 = arith.constant 8 : i32
            %mul3A_253 = arith.muli %scan3A_249, %mul3A_252 : i32
            %add3A_254 = arith.constant 0 : i32
            %add3A_255 = arith.addi %mul3A_253, %add3A_254 : i32
            %mul3A_256 = arith.constant 16 : i32
            %mul3A_257 = arith.muli %add3A_255, %mul3A_256 : i32
            %get3A = arith.constant 0 : i32
            %get3A_258 = arith.constant 0 : i32
            %get3A_259 = tpu.memref_slice %arg4[%cond3A_184, %get3A, %get3A_258] : memref<2x8x4096xf32, #tpu.memory_space<vmem>> -> memref<1x8x4096xf32, #tpu.memory_space<vmem>>
            %get3A_260 = tpu.memref_squeeze %get3A_259 : memref<1x8x4096xf32, #tpu.memory_space<vmem>> -> memref<8x4096xf32, #tpu.memory_space<vmem>>
            %get3A_261 = arith.index_cast %scan3A_161 : i32 to index
            %get3A_262 = arith.index_cast %mul3A_257 : i32 to index
            %get3A_263 = tpu.vector_load %get3A_260[%get3A_261, %get3A_262] {strides = array<i32>} : memref<8x4096xf32, #tpu.memory_space<vmem>>, vector<16xf32>,
            %ge3A = arith.constant 5.000000e-01 : f32
            %ge3A_264 = vector.broadcast %ge3A : f32 to vector<16xf32>
            %ge3A_265 = arith.cmpf oge, %get3A_263, %ge3A_264 : vector<16xf32>
            %jit3A = arith.constant 0.000000e+00 : f32
            %broadcast_in_dim3A_266 = vector.broadcast %jit3A : f32 to vector<16xf32>
            %select_n3A_267 = arith.select %ge3A_265, %get3A_263, %broadcast_in_dim3A_266 : vector<16xi1>, vector<16xf32>
            %add3A_268 = arith.addf %scan3A_250, %select_n3A_267 : vector<16xf32>
            %convert_element_type3A_269 = arith.extui %ge3A_265 : vector<16xi1> to vector<16xi32>
            %add3A_270 = arith.addi %scan3A_251, %convert_element_type3A_269 : vector<16xi32>
            %mul3A_271 = arith.constant 8 : i32
            %mul3A_272 = arith.muli %scan3A_249, %mul3A_271 : i32
            %add3A_273 = arith.constant 1 : i32
            %add3A_274 = arith.addi %mul3A_272, %add3A_273 : i32
            %mul3A_275 = arith.constant 16 : i32
            %mul3A_276 = arith.muli %add3A_274, %mul3A_275 : i32
            %get3A_277 = arith.constant 0 : i32
            %get3A_278 = arith.constant 0 : i32
            %get3A_279 = tpu.memref_slice %arg4[%cond3A_184, %get3A_277, %get3A_278] : memref<2x8x4096xf32, #tpu.memory_space<vmem>> -> memref<1x8x4096xf32, #tpu.memory_space<vmem>>
            %get3A_280 = tpu.memref_squeeze %get3A_279 : memref<1x8x4096xf32, #tpu.memory_space<vmem>> -> memref<8x4096xf32, #tpu.memory_space<vmem>>
            %get3A_281 = arith.index_cast %scan3A_161 : i32 to index
            %get3A_282 = arith.index_cast %mul3A_276 : i32 to index
            %get3A_283 = tpu.vector_load %get3A_280[%get3A_281, %get3A_282] {strides = array<i32>} : memref<8x4096xf32, #tpu.memory_space<vmem>>, vector<16xf32>,
            %ge3A_284 = arith.constant 5.000000e-01 : f32
            %ge3A_285 = vector.broadcast %ge3A_284 : f32 to vector<16xf32>
            %ge3A_286 = arith.cmpf oge, %get3A_283, %ge3A_285 : vector<16xf32>
            %jit3A_287 = arith.constant 0.000000e+00 : f32
            %broadcast_in_dim3A_288 = vector.broadcast %jit3A_287 : f32 to vector<16xf32>
            %select_n3A_289 = arith.select %ge3A_286, %get3A_283, %broadcast_in_dim3A_288 : vector<16xi1>, vector<16xf32>
            %add3A_290 = arith.addf %add3A_268, %select_n3A_289 : vector<16xf32>
            %convert_element_type3A_291 = arith.extui %ge3A_286 : vector<16xi1> to vector<16xi32>
            %add3A_292 = arith.addi %add3A_270, %convert_element_type3A_291 : vector<16xi32>
            %mul3A_293 = arith.constant 8 : i32
            %mul3A_294 = arith.muli %scan3A_249, %mul3A_293 : i32
            %add3A_295 = arith.constant 2 : i32
            %add3A_296 = arith.addi %mul3A_294, %add3A_295 : i32
            %mul3A_297 = arith.constant 16 : i32
            %mul3A_298 = arith.muli %add3A_296, %mul3A_297 : i32
            %get3A_299 = arith.constant 0 : i32
            %get3A_300 = arith.constant 0 : i32
            %get3A_301 = tpu.memref_slice %arg4[%cond3A_184, %get3A_299, %get3A_300] : memref<2x8x4096xf32, #tpu.memory_space<vmem>> -> memref<1x8x4096xf32, #tpu.memory_space<vmem>>
            %get3A_302 = tpu.memref_squeeze %get3A_301 : memref<1x8x4096xf32, #tpu.memory_space<vmem>> -> memref<8x4096xf32, #tpu.memory_space<vmem>>
            %get3A_303 = arith.index_cast %scan3A_161 : i32 to index
            %get3A_304 = arith.index_cast %mul3A_298 : i32 to index
            %get3A_305 = tpu.vector_load %get3A_302[%get3A_303, %get3A_304] {strides = array<i32>} : memref<8x4096xf32, #tpu.memory_space<vmem>>, vector<16xf32>,
            %ge3A_306 = arith.constant 5.000000e-01 : f32
            %ge3A_307 = vector.broadcast %ge3A_306 : f32 to vector<16xf32>
            %ge3A_308 = arith.cmpf oge, %get3A_305, %ge3A_307 : vector<16xf32>
            %jit3A_309 = arith.constant 0.000000e+00 : f32
            %broadcast_in_dim3A_310 = vector.broadcast %jit3A_309 : f32 to vector<16xf32>
            %select_n3A_311 = arith.select %ge3A_308, %get3A_305, %broadcast_in_dim3A_310 : vector<16xi1>, vector<16xf32>
            %add3A_312 = arith.addf %add3A_290, %select_n3A_311 : vector<16xf32>
            %convert_element_type3A_313 = arith.extui %ge3A_308 : vector<16xi1> to vector<16xi32>
            %add3A_314 = arith.addi %add3A_292, %convert_element_type3A_313 : vector<16xi32>
            %mul3A_315 = arith.constant 8 : i32
            %mul3A_316 = arith.muli %scan3A_249, %mul3A_315 : i32
            %add3A_317 = arith.constant 3 : i32
            %add3A_318 = arith.addi %mul3A_316, %add3A_317 : i32
            %mul3A_319 = arith.constant 16 : i32
            %mul3A_320 = arith.muli %add3A_318, %mul3A_319 : i32
            %get3A_321 = arith.constant 0 : i32
            %get3A_322 = arith.constant 0 : i32
            %get3A_323 = tpu.memref_slice %arg4[%cond3A_184, %get3A_321, %get3A_322] : memref<2x8x4096xf32, #tpu.memory_space<vmem>> -> memref<1x8x4096xf32, #tpu.memory_space<vmem>>
            %get3A_324 = tpu.memref_squeeze %get3A_323 : memref<1x8x4096xf32, #tpu.memory_space<vmem>> -> memref<8x4096xf32, #tpu.memory_space<vmem>>
            %get3A_325 = arith.index_cast %scan3A_161 : i32 to index
            %get3A_326 = arith.index_cast %mul3A_320 : i32 to index
            %get3A_327 = tpu.vector_load %get3A_324[%get3A_325, %get3A_326] {strides = array<i32>} : memref<8x4096xf32, #tpu.memory_space<vmem>>, vector<16xf32>,
            %ge3A_328 = arith.constant 5.000000e-01 : f32
            %ge3A_329 = vector.broadcast %ge3A_328 : f32 to vector<16xf32>
            %ge3A_330 = arith.cmpf oge, %get3A_327, %ge3A_329 : vector<16xf32>
            %jit3A_331 = arith.constant 0.000000e+00 : f32
            %broadcast_in_dim3A_332 = vector.broadcast %jit3A_331 : f32 to vector<16xf32>
            %select_n3A_333 = arith.select %ge3A_330, %get3A_327, %broadcast_in_dim3A_332 : vector<16xi1>, vector<16xf32>
            %add3A_334 = arith.addf %add3A_312, %select_n3A_333 : vector<16xf32>
            %convert_element_type3A_335 = arith.extui %ge3A_330 : vector<16xi1> to vector<16xi32>
            %add3A_336 = arith.addi %add3A_314, %convert_element_type3A_335 : vector<16xi32>
            %mul3A_337 = arith.constant 8 : i32
            %mul3A_338 = arith.muli %scan3A_249, %mul3A_337 : i32
            %add3A_339 = arith.constant 4 : i32
            %add3A_340 = arith.addi %mul3A_338, %add3A_339 : i32
            %mul3A_341 = arith.constant 16 : i32
            %mul3A_342 = arith.muli %add3A_340, %mul3A_341 : i32
            %get3A_343 = arith.constant 0 : i32
            %get3A_344 = arith.constant 0 : i32
            %get3A_345 = tpu.memref_slice %arg4[%cond3A_184, %get3A_343, %get3A_344] : memref<2x8x4096xf32, #tpu.memory_space<vmem>> -> memref<1x8x4096xf32, #tpu.memory_space<vmem>>
            %get3A_346 = tpu.memref_squeeze %get3A_345 : memref<1x8x4096xf32, #tpu.memory_space<vmem>> -> memref<8x4096xf32, #tpu.memory_space<vmem>>
            %get3A_347 = arith.index_cast %scan3A_161 : i32 to index
            %get3A_348 = arith.index_cast %mul3A_342 : i32 to index
            %get3A_349 = tpu.vector_load %get3A_346[%get3A_347, %get3A_348] {strides = array<i32>} : memref<8x4096xf32, #tpu.memory_space<vmem>>, vector<16xf32>,
            %ge3A_350 = arith.constant 5.000000e-01 : f32
            %ge3A_351 = vector.broadcast %ge3A_350 : f32 to vector<16xf32>
            %ge3A_352 = arith.cmpf oge, %get3A_349, %ge3A_351 : vector<16xf32>
            %jit3A_353 = arith.constant 0.000000e+00 : f32
            %broadcast_in_dim3A_354 = vector.broadcast %jit3A_353 : f32 to vector<16xf32>
            %select_n3A_355 = arith.select %ge3A_352, %get3A_349, %broadcast_in_dim3A_354 : vector<16xi1>, vector<16xf32>
            %add3A_356 = arith.addf %add3A_334, %select_n3A_355 : vector<16xf32>
            %convert_element_type3A_357 = arith.extui %ge3A_352 : vector<16xi1> to vector<16xi32>
            %add3A_358 = arith.addi %add3A_336, %convert_element_type3A_357 : vector<16xi32>
            %mul3A_359 = arith.constant 8 : i32
            %mul3A_360 = arith.muli %scan3A_249, %mul3A_359 : i32
            %add3A_361 = arith.constant 5 : i32
            %add3A_362 = arith.addi %mul3A_360, %add3A_361 : i32
            %mul3A_363 = arith.constant 16 : i32
            %mul3A_364 = arith.muli %add3A_362, %mul3A_363 : i32
            %get3A_365 = arith.constant 0 : i32
            %get3A_366 = arith.constant 0 : i32
            %get3A_367 = tpu.memref_slice %arg4[%cond3A_184, %get3A_365, %get3A_366] : memref<2x8x4096xf32, #tpu.memory_space<vmem>> -> memref<1x8x4096xf32, #tpu.memory_space<vmem>>
            %get3A_368 = tpu.memref_squeeze %get3A_367 : memref<1x8x4096xf32, #tpu.memory_space<vmem>> -> memref<8x4096xf32, #tpu.memory_space<vmem>>
            %get3A_369 = arith.index_cast %scan3A_161 : i32 to index
            %get3A_370 = arith.index_cast %mul3A_364 : i32 to index
            %get3A_371 = tpu.vector_load %get3A_368[%get3A_369, %get3A_370] {strides = array<i32>} : memref<8x4096xf32, #tpu.memory_space<vmem>>, vector<16xf32>,
            %ge3A_372 = arith.constant 5.000000e-01 : f32
            %ge3A_373 = vector.broadcast %ge3A_372 : f32 to vector<16xf32>
            %ge3A_374 = arith.cmpf oge, %get3A_371, %ge3A_373 : vector<16xf32>
            %jit3A_375 = arith.constant 0.000000e+00 : f32
            %broadcast_in_dim3A_376 = vector.broadcast %jit3A_375 : f32 to vector<16xf32>
            %select_n3A_377 = arith.select %ge3A_374, %get3A_371, %broadcast_in_dim3A_376 : vector<16xi1>, vector<16xf32>
            %add3A_378 = arith.addf %add3A_356, %select_n3A_377 : vector<16xf32>
            %convert_element_type3A_379 = arith.extui %ge3A_374 : vector<16xi1> to vector<16xi32>
            %add3A_380 = arith.addi %add3A_358, %convert_element_type3A_379 : vector<16xi32>
            %mul3A_381 = arith.constant 8 : i32
            %mul3A_382 = arith.muli %scan3A_249, %mul3A_381 : i32
            %add3A_383 = arith.constant 6 : i32
            %add3A_384 = arith.addi %mul3A_382, %add3A_383 : i32
            %mul3A_385 = arith.constant 16 : i32
            %mul3A_386 = arith.muli %add3A_384, %mul3A_385 : i32
            %get3A_387 = arith.constant 0 : i32
            %get3A_388 = arith.constant 0 : i32
            %get3A_389 = tpu.memref_slice %arg4[%cond3A_184, %get3A_387, %get3A_388] : memref<2x8x4096xf32, #tpu.memory_space<vmem>> -> memref<1x8x4096xf32, #tpu.memory_space<vmem>>
            %get3A_390 = tpu.memref_squeeze %get3A_389 : memref<1x8x4096xf32, #tpu.memory_space<vmem>> -> memref<8x4096xf32, #tpu.memory_space<vmem>>
            %get3A_391 = arith.index_cast %scan3A_161 : i32 to index
            %get3A_392 = arith.index_cast %mul3A_386 : i32 to index
            %get3A_393 = tpu.vector_load %get3A_390[%get3A_391, %get3A_392] {strides = array<i32>} : memref<8x4096xf32, #tpu.memory_space<vmem>>, vector<16xf32>,
            %ge3A_394 = arith.constant 5.000000e-01 : f32
            %ge3A_395 = vector.broadcast %ge3A_394 : f32 to vector<16xf32>
            %ge3A_396 = arith.cmpf oge, %get3A_393, %ge3A_395 : vector<16xf32>
            %jit3A_397 = arith.constant 0.000000e+00 : f32
            %broadcast_in_dim3A_398 = vector.broadcast %jit3A_397 : f32 to vector<16xf32>
            %select_n3A_399 = arith.select %ge3A_396, %get3A_393, %broadcast_in_dim3A_398 : vector<16xi1>, vector<16xf32>
            %add3A_400 = arith.addf %add3A_378, %select_n3A_399 : vector<16xf32>
            %convert_element_type3A_401 = arith.extui %ge3A_396 : vector<16xi1> to vector<16xi32>
            %add3A_402 = arith.addi %add3A_380, %convert_element_type3A_401 : vector<16xi32>
            %mul3A_403 = arith.constant 8 : i32
            %mul3A_404 = arith.muli %scan3A_249, %mul3A_403 : i32
            %add3A_405 = arith.constant 7 : i32
            %add3A_406 = arith.addi %mul3A_404, %add3A_405 : i32
            %mul3A_407 = arith.constant 16 : i32
            %mul3A_408 = arith.muli %add3A_406, %mul3A_407 : i32
            %get3A_409 = arith.constant 0 : i32
            %get3A_410 = arith.constant 0 : i32
            %get3A_411 = tpu.memref_slice %arg4[%cond3A_184, %get3A_409, %get3A_410] : memref<2x8x4096xf32, #tpu.memory_space<vmem>> -> memref<1x8x4096xf32, #tpu.memory_space<vmem>>
            %get3A_412 = tpu.memref_squeeze %get3A_411 : memref<1x8x4096xf32, #tpu.memory_space<vmem>> -> memref<8x4096xf32, #tpu.memory_space<vmem>>
            %get3A_413 = arith.index_cast %scan3A_161 : i32 to index
            %get3A_414 = arith.index_cast %mul3A_408 : i32 to index
            %get3A_415 = tpu.vector_load %get3A_412[%get3A_413, %get3A_414] {strides = array<i32>} : memref<8x4096xf32, #tpu.memory_space<vmem>>, vector<16xf32>,
            %ge3A_416 = arith.constant 5.000000e-01 : f32
            %ge3A_417 = vector.broadcast %ge3A_416 : f32 to vector<16xf32>
            %ge3A_418 = arith.cmpf oge, %get3A_415, %ge3A_417 : vector<16xf32>
            %jit3A_419 = arith.constant 0.000000e+00 : f32
            %broadcast_in_dim3A_420 = vector.broadcast %jit3A_419 : f32 to vector<16xf32>
            %select_n3A_421 = arith.select %ge3A_418, %get3A_415, %broadcast_in_dim3A_420 : vector<16xi1>, vector<16xf32>
            %add3A_422 = arith.addf %add3A_400, %select_n3A_421 : vector<16xf32>
            %convert_element_type3A_423 = arith.extui %ge3A_418 : vector<16xi1> to vector<16xi32>
            %add3A_424 = arith.addi %add3A_402, %convert_element_type3A_423 : vector<16xi32>
            scf.yield %add3A_422, %add3A_424 : vector<16xf32>, vector<16xi32>
          }
          %scan3A_206 = arith.constant 32 : i32
          %reduce_sum3A = arith.constant true
          %reduce_sum3A_207 = vector.broadcast %reduce_sum3A : i1 to vector<16xi1>
          %reduce_sum3A_208 = tpu.scan <sum>, %scan3A_205#1 masked %reduce_sum3A_207 : vector<16xi32>, vector<16xi1> -> vector<16xi32>
          %reduce_sum3A_209 = vector.extract %reduce_sum3A_208[15] : i32 from vector<16xi32>
          %reduce_sum3A_210 = arith.constant true
          %reduce_sum3A_211 = vector.broadcast %reduce_sum3A_210 : i1 to vector<16xi1>
          %reduce_sum3A_212 = tpu.scan <sum>, %scan3A_205#0 masked %reduce_sum3A_211 : vector<16xf32>, vector<16xi1> -> vector<16xf32>
          %reduce_sum3A_213 = vector.extract %reduce_sum3A_212[15] : f32 from vector<16xf32>
          %lt3A_214 = arith.constant 64 : i32
          %lt3A_215 = arith.cmpi slt, %reduce_sum3A_209, %lt3A_214 : i32
          %scan3A_216 = arith.constant 1056964608 : i32
          %scan3A_217 = arith.constant 1065353215 : i32
          %scan3A_218 = arith.constant 0 : i32
          %scan3A_219 = arith.constant 23 : i32
          %scan3A_220 = arith.addi %scan3A_218, %scan3A_219 : i32
          %scan3A_221 = arith.constant 1 : i32
          %scan3A_222:2 = scf.for %scan3A_249 = %scan3A_218 to %scan3A_220 step %scan3A_221 iter_args(%scan3A_250 = %scan3A_216, %scan3A_251 = %scan3A_217) -> (i32, i32)  : i32 {
            %sub3A_252 = arith.subi %scan3A_251, %scan3A_250 : i32
            %add3A_253 = arith.constant 1 : i32
            %add3A_254 = arith.addi %sub3A_252, %add3A_253 : i32
            %shift_right_arithmetic3A_255 = arith.constant 1 : i32
            %shift_right_arithmetic3A_256 = arith.shrsi %add3A_254, %shift_right_arithmetic3A_255 : i32
            %add3A_257 = arith.addi %scan3A_250, %shift_right_arithmetic3A_256 : i32
            %broadcast_in_dim3A_258 = arith.constant 0 : i32
            %broadcast_in_dim3A_259 = vector.broadcast %broadcast_in_dim3A_258 : i32 to vector<16xi32>
            %scan3A_260 = arith.constant 0 : i32
            %scan3A_261 = arith.constant 32 : i32
            %scan3A_262 = arith.addi %scan3A_260, %scan3A_261 : i32
            %scan3A_263 = arith.constant 1 : i32
            %scan3A_264 = scf.for %scan3A_275 = %scan3A_260 to %scan3A_262 step %scan3A_263 iter_args(%scan3A_276 = %broadcast_in_dim3A_259) -> (vector<16xi32>)  : i32 {
              %mul3A_277 = arith.constant 8 : i32
              %mul3A_278 = arith.muli %scan3A_275, %mul3A_277 : i32
              %add3A_279 = arith.constant 0 : i32
              %add3A_280 = arith.addi %mul3A_278, %add3A_279 : i32
              %mul3A_281 = arith.constant 16 : i32
              %mul3A_282 = arith.muli %add3A_280, %mul3A_281 : i32
              %get3A = arith.constant 0 : i32
              %get3A_283 = arith.constant 0 : i32
              %get3A_284 = tpu.memref_slice %arg4[%cond3A_184, %get3A, %get3A_283] : memref<2x8x4096xf32, #tpu.memory_space<vmem>> -> memref<1x8x4096xf32, #tpu.memory_space<vmem>>
              %get3A_285 = tpu.memref_squeeze %get3A_284 : memref<1x8x4096xf32, #tpu.memory_space<vmem>> -> memref<8x4096xf32, #tpu.memory_space<vmem>>
              %get3A_286 = arith.index_cast %scan3A_161 : i32 to index
              %get3A_287 = arith.index_cast %mul3A_282 : i32 to index
              %get3A_288 = tpu.vector_load %get3A_285[%get3A_286, %get3A_287] {strides = array<i32>} : memref<8x4096xf32, #tpu.memory_space<vmem>>, vector<16xf32>,
              %bitcast_convert_type3A_289 = tpu.bitcast %get3A_288 : vector<16xf32> -> vector<16xi32>
              %ge3A_290 = vector.broadcast %add3A_257 : i32 to vector<16xi32>
              %ge3A_291 = arith.cmpi sge, %bitcast_convert_type3A_289, %ge3A_290 : vector<16xi32>
              %jit3A = arith.constant 1 : i32
              %jit3A_292 = arith.constant 0 : i32
              %broadcast_in_dim3A_293 = vector.broadcast %jit3A : i32 to vector<16xi32>
              %broadcast_in_dim3A_294 = vector.broadcast %jit3A_292 : i32 to vector<16xi32>
              %select_n3A_295 = arith.select %ge3A_291, %broadcast_in_dim3A_293, %broadcast_in_dim3A_294 : vector<16xi1>, vector<16xi32>
              %add3A_296 = arith.addi %scan3A_276, %select_n3A_295 : vector<16xi32>
              %mul3A_297 = arith.constant 8 : i32
              %mul3A_298 = arith.muli %scan3A_275, %mul3A_297 : i32
              %add3A_299 = arith.constant 1 : i32
              %add3A_300 = arith.addi %mul3A_298, %add3A_299 : i32
              %mul3A_301 = arith.constant 16 : i32
              %mul3A_302 = arith.muli %add3A_300, %mul3A_301 : i32
              %get3A_303 = arith.constant 0 : i32
              %get3A_304 = arith.constant 0 : i32
              %get3A_305 = tpu.memref_slice %arg4[%cond3A_184, %get3A_303, %get3A_304] : memref<2x8x4096xf32, #tpu.memory_space<vmem>> -> memref<1x8x4096xf32, #tpu.memory_space<vmem>>
              %get3A_306 = tpu.memref_squeeze %get3A_305 : memref<1x8x4096xf32, #tpu.memory_space<vmem>> -> memref<8x4096xf32, #tpu.memory_space<vmem>>
              %get3A_307 = arith.index_cast %scan3A_161 : i32 to index
              %get3A_308 = arith.index_cast %mul3A_302 : i32 to index
              %get3A_309 = tpu.vector_load %get3A_306[%get3A_307, %get3A_308] {strides = array<i32>} : memref<8x4096xf32, #tpu.memory_space<vmem>>, vector<16xf32>,
              %bitcast_convert_type3A_310 = tpu.bitcast %get3A_309 : vector<16xf32> -> vector<16xi32>
              %ge3A_311 = vector.broadcast %add3A_257 : i32 to vector<16xi32>
              %ge3A_312 = arith.cmpi sge, %bitcast_convert_type3A_310, %ge3A_311 : vector<16xi32>
              %jit3A_313 = arith.constant 1 : i32
              %jit3A_314 = arith.constant 0 : i32
              %broadcast_in_dim3A_315 = vector.broadcast %jit3A_313 : i32 to vector<16xi32>
              %broadcast_in_dim3A_316 = vector.broadcast %jit3A_314 : i32 to vector<16xi32>
              %select_n3A_317 = arith.select %ge3A_312, %broadcast_in_dim3A_315, %broadcast_in_dim3A_316 : vector<16xi1>, vector<16xi32>
              %add3A_318 = arith.addi %add3A_296, %select_n3A_317 : vector<16xi32>
              %mul3A_319 = arith.constant 8 : i32
              %mul3A_320 = arith.muli %scan3A_275, %mul3A_319 : i32
              %add3A_321 = arith.constant 2 : i32
              %add3A_322 = arith.addi %mul3A_320, %add3A_321 : i32
              %mul3A_323 = arith.constant 16 : i32
              %mul3A_324 = arith.muli %add3A_322, %mul3A_323 : i32
              %get3A_325 = arith.constant 0 : i32
              %get3A_326 = arith.constant 0 : i32
              %get3A_327 = tpu.memref_slice %arg4[%cond3A_184, %get3A_325, %get3A_326] : memref<2x8x4096xf32, #tpu.memory_space<vmem>> -> memref<1x8x4096xf32, #tpu.memory_space<vmem>>
              %get3A_328 = tpu.memref_squeeze %get3A_327 : memref<1x8x4096xf32, #tpu.memory_space<vmem>> -> memref<8x4096xf32, #tpu.memory_space<vmem>>
              %get3A_329 = arith.index_cast %scan3A_161 : i32 to index
              %get3A_330 = arith.index_cast %mul3A_324 : i32 to index
              %get3A_331 = tpu.vector_load %get3A_328[%get3A_329, %get3A_330] {strides = array<i32>} : memref<8x4096xf32, #tpu.memory_space<vmem>>, vector<16xf32>,
              %bitcast_convert_type3A_332 = tpu.bitcast %get3A_331 : vector<16xf32> -> vector<16xi32>
              %ge3A_333 = vector.broadcast %add3A_257 : i32 to vector<16xi32>
              %ge3A_334 = arith.cmpi sge, %bitcast_convert_type3A_332, %ge3A_333 : vector<16xi32>
              %jit3A_335 = arith.constant 1 : i32
              %jit3A_336 = arith.constant 0 : i32
              %broadcast_in_dim3A_337 = vector.broadcast %jit3A_335 : i32 to vector<16xi32>
              %broadcast_in_dim3A_338 = vector.broadcast %jit3A_336 : i32 to vector<16xi32>
              %select_n3A_339 = arith.select %ge3A_334, %broadcast_in_dim3A_337, %broadcast_in_dim3A_338 : vector<16xi1>, vector<16xi32>
              %add3A_340 = arith.addi %add3A_318, %select_n3A_339 : vector<16xi32>
              %mul3A_341 = arith.constant 8 : i32
              %mul3A_342 = arith.muli %scan3A_275, %mul3A_341 : i32
              %add3A_343 = arith.constant 3 : i32
              %add3A_344 = arith.addi %mul3A_342, %add3A_343 : i32
              %mul3A_345 = arith.constant 16 : i32
              %mul3A_346 = arith.muli %add3A_344, %mul3A_345 : i32
              %get3A_347 = arith.constant 0 : i32
              %get3A_348 = arith.constant 0 : i32
              %get3A_349 = tpu.memref_slice %arg4[%cond3A_184, %get3A_347, %get3A_348] : memref<2x8x4096xf32, #tpu.memory_space<vmem>> -> memref<1x8x4096xf32, #tpu.memory_space<vmem>>
              %get3A_350 = tpu.memref_squeeze %get3A_349 : memref<1x8x4096xf32, #tpu.memory_space<vmem>> -> memref<8x4096xf32, #tpu.memory_space<vmem>>
              %get3A_351 = arith.index_cast %scan3A_161 : i32 to index
              %get3A_352 = arith.index_cast %mul3A_346 : i32 to index
              %get3A_353 = tpu.vector_load %get3A_350[%get3A_351, %get3A_352] {strides = array<i32>} : memref<8x4096xf32, #tpu.memory_space<vmem>>, vector<16xf32>,
              %bitcast_convert_type3A_354 = tpu.bitcast %get3A_353 : vector<16xf32> -> vector<16xi32>
              %ge3A_355 = vector.broadcast %add3A_257 : i32 to vector<16xi32>
              %ge3A_356 = arith.cmpi sge, %bitcast_convert_type3A_354, %ge3A_355 : vector<16xi32>
              %jit3A_357 = arith.constant 1 : i32
              %jit3A_358 = arith.constant 0 : i32
              %broadcast_in_dim3A_359 = vector.broadcast %jit3A_357 : i32 to vector<16xi32>
              %broadcast_in_dim3A_360 = vector.broadcast %jit3A_358 : i32 to vector<16xi32>
              %select_n3A_361 = arith.select %ge3A_356, %broadcast_in_dim3A_359, %broadcast_in_dim3A_360 : vector<16xi1>, vector<16xi32>
              %add3A_362 = arith.addi %add3A_340, %select_n3A_361 : vector<16xi32>
              %mul3A_363 = arith.constant 8 : i32
              %mul3A_364 = arith.muli %scan3A_275, %mul3A_363 : i32
              %add3A_365 = arith.constant 4 : i32
              %add3A_366 = arith.addi %mul3A_364, %add3A_365 : i32
              %mul3A_367 = arith.constant 16 : i32
              %mul3A_368 = arith.muli %add3A_366, %mul3A_367 : i32
              %get3A_369 = arith.constant 0 : i32
              %get3A_370 = arith.constant 0 : i32
              %get3A_371 = tpu.memref_slice %arg4[%cond3A_184, %get3A_369, %get3A_370] : memref<2x8x4096xf32, #tpu.memory_space<vmem>> -> memref<1x8x4096xf32, #tpu.memory_space<vmem>>
              %get3A_372 = tpu.memref_squeeze %get3A_371 : memref<1x8x4096xf32, #tpu.memory_space<vmem>> -> memref<8x4096xf32, #tpu.memory_space<vmem>>
              %get3A_373 = arith.index_cast %scan3A_161 : i32 to index
              %get3A_374 = arith.index_cast %mul3A_368 : i32 to index
              %get3A_375 = tpu.vector_load %get3A_372[%get3A_373, %get3A_374] {strides = array<i32>} : memref<8x4096xf32, #tpu.memory_space<vmem>>, vector<16xf32>,
              %bitcast_convert_type3A_376 = tpu.bitcast %get3A_375 : vector<16xf32> -> vector<16xi32>
              %ge3A_377 = vector.broadcast %add3A_257 : i32 to vector<16xi32>
              %ge3A_378 = arith.cmpi sge, %bitcast_convert_type3A_376, %ge3A_377 : vector<16xi32>
              %jit3A_379 = arith.constant 1 : i32
              %jit3A_380 = arith.constant 0 : i32
              %broadcast_in_dim3A_381 = vector.broadcast %jit3A_379 : i32 to vector<16xi32>
              %broadcast_in_dim3A_382 = vector.broadcast %jit3A_380 : i32 to vector<16xi32>
              %select_n3A_383 = arith.select %ge3A_378, %broadcast_in_dim3A_381, %broadcast_in_dim3A_382 : vector<16xi1>, vector<16xi32>
              %add3A_384 = arith.addi %add3A_362, %select_n3A_383 : vector<16xi32>
              %mul3A_385 = arith.constant 8 : i32
              %mul3A_386 = arith.muli %scan3A_275, %mul3A_385 : i32
              %add3A_387 = arith.constant 5 : i32
              %add3A_388 = arith.addi %mul3A_386, %add3A_387 : i32
              %mul3A_389 = arith.constant 16 : i32
              %mul3A_390 = arith.muli %add3A_388, %mul3A_389 : i32
              %get3A_391 = arith.constant 0 : i32
              %get3A_392 = arith.constant 0 : i32
              %get3A_393 = tpu.memref_slice %arg4[%cond3A_184, %get3A_391, %get3A_392] : memref<2x8x4096xf32, #tpu.memory_space<vmem>> -> memref<1x8x4096xf32, #tpu.memory_space<vmem>>
              %get3A_394 = tpu.memref_squeeze %get3A_393 : memref<1x8x4096xf32, #tpu.memory_space<vmem>> -> memref<8x4096xf32, #tpu.memory_space<vmem>>
              %get3A_395 = arith.index_cast %scan3A_161 : i32 to index
              %get3A_396 = arith.index_cast %mul3A_390 : i32 to index
              %get3A_397 = tpu.vector_load %get3A_394[%get3A_395, %get3A_396] {strides = array<i32>} : memref<8x4096xf32, #tpu.memory_space<vmem>>, vector<16xf32>,
              %bitcast_convert_type3A_398 = tpu.bitcast %get3A_397 : vector<16xf32> -> vector<16xi32>
              %ge3A_399 = vector.broadcast %add3A_257 : i32 to vector<16xi32>
              %ge3A_400 = arith.cmpi sge, %bitcast_convert_type3A_398, %ge3A_399 : vector<16xi32>
              %jit3A_401 = arith.constant 1 : i32
              %jit3A_402 = arith.constant 0 : i32
              %broadcast_in_dim3A_403 = vector.broadcast %jit3A_401 : i32 to vector<16xi32>
              %broadcast_in_dim3A_404 = vector.broadcast %jit3A_402 : i32 to vector<16xi32>
              %select_n3A_405 = arith.select %ge3A_400, %broadcast_in_dim3A_403, %broadcast_in_dim3A_404 : vector<16xi1>, vector<16xi32>
              %add3A_406 = arith.addi %add3A_384, %select_n3A_405 : vector<16xi32>
              %mul3A_407 = arith.constant 8 : i32
              %mul3A_408 = arith.muli %scan3A_275, %mul3A_407 : i32
              %add3A_409 = arith.constant 6 : i32
              %add3A_410 = arith.addi %mul3A_408, %add3A_409 : i32
              %mul3A_411 = arith.constant 16 : i32
              %mul3A_412 = arith.muli %add3A_410, %mul3A_411 : i32
              %get3A_413 = arith.constant 0 : i32
              %get3A_414 = arith.constant 0 : i32
              %get3A_415 = tpu.memref_slice %arg4[%cond3A_184, %get3A_413, %get3A_414] : memref<2x8x4096xf32, #tpu.memory_space<vmem>> -> memref<1x8x4096xf32, #tpu.memory_space<vmem>>
              %get3A_416 = tpu.memref_squeeze %get3A_415 : memref<1x8x4096xf32, #tpu.memory_space<vmem>> -> memref<8x4096xf32, #tpu.memory_space<vmem>>
              %get3A_417 = arith.index_cast %scan3A_161 : i32 to index
              %get3A_418 = arith.index_cast %mul3A_412 : i32 to index
              %get3A_419 = tpu.vector_load %get3A_416[%get3A_417, %get3A_418] {strides = array<i32>} : memref<8x4096xf32, #tpu.memory_space<vmem>>, vector<16xf32>,
              %bitcast_convert_type3A_420 = tpu.bitcast %get3A_419 : vector<16xf32> -> vector<16xi32>
              %ge3A_421 = vector.broadcast %add3A_257 : i32 to vector<16xi32>
              %ge3A_422 = arith.cmpi sge, %bitcast_convert_type3A_420, %ge3A_421 : vector<16xi32>
              %jit3A_423 = arith.constant 1 : i32
              %jit3A_424 = arith.constant 0 : i32
              %broadcast_in_dim3A_425 = vector.broadcast %jit3A_423 : i32 to vector<16xi32>
              %broadcast_in_dim3A_426 = vector.broadcast %jit3A_424 : i32 to vector<16xi32>
              %select_n3A_427 = arith.select %ge3A_422, %broadcast_in_dim3A_425, %broadcast_in_dim3A_426 : vector<16xi1>, vector<16xi32>
              %add3A_428 = arith.addi %add3A_406, %select_n3A_427 : vector<16xi32>
              %mul3A_429 = arith.constant 8 : i32
              %mul3A_430 = arith.muli %scan3A_275, %mul3A_429 : i32
              %add3A_431 = arith.constant 7 : i32
              %add3A_432 = arith.addi %mul3A_430, %add3A_431 : i32
              %mul3A_433 = arith.constant 16 : i32
              %mul3A_434 = arith.muli %add3A_432, %mul3A_433 : i32
              %get3A_435 = arith.constant 0 : i32
              %get3A_436 = arith.constant 0 : i32
              %get3A_437 = tpu.memref_slice %arg4[%cond3A_184, %get3A_435, %get3A_436] : memref<2x8x4096xf32, #tpu.memory_space<vmem>> -> memref<1x8x4096xf32, #tpu.memory_space<vmem>>
              %get3A_438 = tpu.memref_squeeze %get3A_437 : memref<1x8x4096xf32, #tpu.memory_space<vmem>> -> memref<8x4096xf32, #tpu.memory_space<vmem>>
              %get3A_439 = arith.index_cast %scan3A_161 : i32 to index
              %get3A_440 = arith.index_cast %mul3A_434 : i32 to index
              %get3A_441 = tpu.vector_load %get3A_438[%get3A_439, %get3A_440] {strides = array<i32>} : memref<8x4096xf32, #tpu.memory_space<vmem>>, vector<16xf32>,
              %bitcast_convert_type3A_442 = tpu.bitcast %get3A_441 : vector<16xf32> -> vector<16xi32>
              %ge3A_443 = vector.broadcast %add3A_257 : i32 to vector<16xi32>
              %ge3A_444 = arith.cmpi sge, %bitcast_convert_type3A_442, %ge3A_443 : vector<16xi32>
              %jit3A_445 = arith.constant 1 : i32
              %jit3A_446 = arith.constant 0 : i32
              %broadcast_in_dim3A_447 = vector.broadcast %jit3A_445 : i32 to vector<16xi32>
              %broadcast_in_dim3A_448 = vector.broadcast %jit3A_446 : i32 to vector<16xi32>
              %select_n3A_449 = arith.select %ge3A_444, %broadcast_in_dim3A_447, %broadcast_in_dim3A_448 : vector<16xi1>, vector<16xi32>
              %add3A_450 = arith.addi %add3A_428, %select_n3A_449 : vector<16xi32>
              scf.yield %add3A_450 : vector<16xi32>
            }
            %scan3A_265 = arith.constant 32 : i32
            %reduce_sum3A_266 = arith.constant true
            %reduce_sum3A_267 = vector.broadcast %reduce_sum3A_266 : i1 to vector<16xi1>
            %reduce_sum3A_268 = tpu.scan <sum>, %scan3A_264 masked %reduce_sum3A_267 : vector<16xi32>, vector<16xi1> -> vector<16xi32>
            %reduce_sum3A_269 = vector.extract %reduce_sum3A_268[15] : i32 from vector<16xi32>
            %ge3A = arith.constant 64 : i32
            %ge3A_270 = arith.cmpi sge, %reduce_sum3A_269, %ge3A : i32
            %select_n3A_271 = arith.select %ge3A_270, %add3A_257, %scan3A_250 : i32
            %sub3A_272 = arith.constant 1 : i32
            %sub3A_273 = arith.subi %add3A_257, %sub3A_272 : i32
            %select_n3A_274 = arith.select %ge3A_270, %scan3A_251, %sub3A_273 : i32
            scf.yield %select_n3A_271, %select_n3A_274 : i32, i32
          }
          %scan3A_223 = arith.constant 23 : i32
          %bitcast_convert_type3A_224 = arith.bitcast %scan3A_222#0 : i32 to f32
          %broadcast_in_dim3A_225 = arith.constant 0.000000e+00 : f32
          %broadcast_in_dim3A_226 = vector.broadcast %broadcast_in_dim3A_225 : f32 to vector<16xf32>
          %broadcast_in_dim3A_227 = arith.constant 0 : i32
          %broadcast_in_dim3A_228 = vector.broadcast %broadcast_in_dim3A_227 : i32 to vector<16xi32>
          %scan3A_229 = arith.constant 0 : i32
          %scan3A_230 = arith.constant 32 : i32
          %scan3A_231 = arith.addi %scan3A_229, %scan3A_230 : i32
          %scan3A_232 = arith.constant 1 : i32
          %scan3A_233:2 = scf.for %scan3A_249 = %scan3A_229 to %scan3A_231 step %scan3A_232 iter_args(%scan3A_250 = %broadcast_in_dim3A_226, %scan3A_251 = %broadcast_in_dim3A_228) -> (vector<16xf32>, vector<16xi32>)  : i32 {
            %mul3A_252 = arith.constant 8 : i32
            %mul3A_253 = arith.muli %scan3A_249, %mul3A_252 : i32
            %add3A_254 = arith.constant 0 : i32
            %add3A_255 = arith.addi %mul3A_253, %add3A_254 : i32
            %mul3A_256 = arith.constant 16 : i32
            %mul3A_257 = arith.muli %add3A_255, %mul3A_256 : i32
            %get3A = arith.constant 0 : i32
            %get3A_258 = arith.constant 0 : i32
            %get3A_259 = tpu.memref_slice %arg4[%cond3A_184, %get3A, %get3A_258] : memref<2x8x4096xf32, #tpu.memory_space<vmem>> -> memref<1x8x4096xf32, #tpu.memory_space<vmem>>
            %get3A_260 = tpu.memref_squeeze %get3A_259 : memref<1x8x4096xf32, #tpu.memory_space<vmem>> -> memref<8x4096xf32, #tpu.memory_space<vmem>>
            %get3A_261 = arith.index_cast %scan3A_161 : i32 to index
            %get3A_262 = arith.index_cast %mul3A_257 : i32 to index
            %get3A_263 = tpu.vector_load %get3A_260[%get3A_261, %get3A_262] {strides = array<i32>} : memref<8x4096xf32, #tpu.memory_space<vmem>>, vector<16xf32>,
            %bitcast_convert_type3A_264 = tpu.bitcast %get3A_263 : vector<16xf32> -> vector<16xi32>
            %gt3A_265 = vector.broadcast %scan3A_222#0 : i32 to vector<16xi32>
            %gt3A_266 = arith.cmpi sgt, %bitcast_convert_type3A_264, %gt3A_265 : vector<16xi32>
            %jit3A = arith.constant 0.000000e+00 : f32
            %broadcast_in_dim3A_267 = vector.broadcast %jit3A : f32 to vector<16xf32>
            %select_n3A_268 = arith.select %gt3A_266, %get3A_263, %broadcast_in_dim3A_267 : vector<16xi1>, vector<16xf32>
            %add3A_269 = arith.addf %scan3A_250, %select_n3A_268 : vector<16xf32>
            %convert_element_type3A_270 = arith.extui %gt3A_266 : vector<16xi1> to vector<16xi32>
            %add3A_271 = arith.addi %scan3A_251, %convert_element_type3A_270 : vector<16xi32>
            %mul3A_272 = arith.constant 8 : i32
            %mul3A_273 = arith.muli %scan3A_249, %mul3A_272 : i32
            %add3A_274 = arith.constant 1 : i32
            %add3A_275 = arith.addi %mul3A_273, %add3A_274 : i32
            %mul3A_276 = arith.constant 16 : i32
            %mul3A_277 = arith.muli %add3A_275, %mul3A_276 : i32
            %get3A_278 = arith.constant 0 : i32
            %get3A_279 = arith.constant 0 : i32
            %get3A_280 = tpu.memref_slice %arg4[%cond3A_184, %get3A_278, %get3A_279] : memref<2x8x4096xf32, #tpu.memory_space<vmem>> -> memref<1x8x4096xf32, #tpu.memory_space<vmem>>
            %get3A_281 = tpu.memref_squeeze %get3A_280 : memref<1x8x4096xf32, #tpu.memory_space<vmem>> -> memref<8x4096xf32, #tpu.memory_space<vmem>>
            %get3A_282 = arith.index_cast %scan3A_161 : i32 to index
            %get3A_283 = arith.index_cast %mul3A_277 : i32 to index
            %get3A_284 = tpu.vector_load %get3A_281[%get3A_282, %get3A_283] {strides = array<i32>} : memref<8x4096xf32, #tpu.memory_space<vmem>>, vector<16xf32>,
            %bitcast_convert_type3A_285 = tpu.bitcast %get3A_284 : vector<16xf32> -> vector<16xi32>
            %gt3A_286 = vector.broadcast %scan3A_222#0 : i32 to vector<16xi32>
            %gt3A_287 = arith.cmpi sgt, %bitcast_convert_type3A_285, %gt3A_286 : vector<16xi32>
            %jit3A_288 = arith.constant 0.000000e+00 : f32
            %broadcast_in_dim3A_289 = vector.broadcast %jit3A_288 : f32 to vector<16xf32>
            %select_n3A_290 = arith.select %gt3A_287, %get3A_284, %broadcast_in_dim3A_289 : vector<16xi1>, vector<16xf32>
            %add3A_291 = arith.addf %add3A_269, %select_n3A_290 : vector<16xf32>
            %convert_element_type3A_292 = arith.extui %gt3A_287 : vector<16xi1> to vector<16xi32>
            %add3A_293 = arith.addi %add3A_271, %convert_element_type3A_292 : vector<16xi32>
            %mul3A_294 = arith.constant 8 : i32
            %mul3A_295 = arith.muli %scan3A_249, %mul3A_294 : i32
            %add3A_296 = arith.constant 2 : i32
            %add3A_297 = arith.addi %mul3A_295, %add3A_296 : i32
            %mul3A_298 = arith.constant 16 : i32
            %mul3A_299 = arith.muli %add3A_297, %mul3A_298 : i32
            %get3A_300 = arith.constant 0 : i32
            %get3A_301 = arith.constant 0 : i32
            %get3A_302 = tpu.memref_slice %arg4[%cond3A_184, %get3A_300, %get3A_301] : memref<2x8x4096xf32, #tpu.memory_space<vmem>> -> memref<1x8x4096xf32, #tpu.memory_space<vmem>>
            %get3A_303 = tpu.memref_squeeze %get3A_302 : memref<1x8x4096xf32, #tpu.memory_space<vmem>> -> memref<8x4096xf32, #tpu.memory_space<vmem>>
            %get3A_304 = arith.index_cast %scan3A_161 : i32 to index
            %get3A_305 = arith.index_cast %mul3A_299 : i32 to index
            %get3A_306 = tpu.vector_load %get3A_303[%get3A_304, %get3A_305] {strides = array<i32>} : memref<8x4096xf32, #tpu.memory_space<vmem>>, vector<16xf32>,
            %bitcast_convert_type3A_307 = tpu.bitcast %get3A_306 : vector<16xf32> -> vector<16xi32>
            %gt3A_308 = vector.broadcast %scan3A_222#0 : i32 to vector<16xi32>
            %gt3A_309 = arith.cmpi sgt, %bitcast_convert_type3A_307, %gt3A_308 : vector<16xi32>
            %jit3A_310 = arith.constant 0.000000e+00 : f32
            %broadcast_in_dim3A_311 = vector.broadcast %jit3A_310 : f32 to vector<16xf32>
            %select_n3A_312 = arith.select %gt3A_309, %get3A_306, %broadcast_in_dim3A_311 : vector<16xi1>, vector<16xf32>
            %add3A_313 = arith.addf %add3A_291, %select_n3A_312 : vector<16xf32>
            %convert_element_type3A_314 = arith.extui %gt3A_309 : vector<16xi1> to vector<16xi32>
            %add3A_315 = arith.addi %add3A_293, %convert_element_type3A_314 : vector<16xi32>
            %mul3A_316 = arith.constant 8 : i32
            %mul3A_317 = arith.muli %scan3A_249, %mul3A_316 : i32
            %add3A_318 = arith.constant 3 : i32
            %add3A_319 = arith.addi %mul3A_317, %add3A_318 : i32
            %mul3A_320 = arith.constant 16 : i32
            %mul3A_321 = arith.muli %add3A_319, %mul3A_320 : i32
            %get3A_322 = arith.constant 0 : i32
            %get3A_323 = arith.constant 0 : i32
            %get3A_324 = tpu.memref_slice %arg4[%cond3A_184, %get3A_322, %get3A_323] : memref<2x8x4096xf32, #tpu.memory_space<vmem>> -> memref<1x8x4096xf32, #tpu.memory_space<vmem>>
            %get3A_325 = tpu.memref_squeeze %get3A_324 : memref<1x8x4096xf32, #tpu.memory_space<vmem>> -> memref<8x4096xf32, #tpu.memory_space<vmem>>
            %get3A_326 = arith.index_cast %scan3A_161 : i32 to index
            %get3A_327 = arith.index_cast %mul3A_321 : i32 to index
            %get3A_328 = tpu.vector_load %get3A_325[%get3A_326, %get3A_327] {strides = array<i32>} : memref<8x4096xf32, #tpu.memory_space<vmem>>, vector<16xf32>,
            %bitcast_convert_type3A_329 = tpu.bitcast %get3A_328 : vector<16xf32> -> vector<16xi32>
            %gt3A_330 = vector.broadcast %scan3A_222#0 : i32 to vector<16xi32>
            %gt3A_331 = arith.cmpi sgt, %bitcast_convert_type3A_329, %gt3A_330 : vector<16xi32>
            %jit3A_332 = arith.constant 0.000000e+00 : f32
            %broadcast_in_dim3A_333 = vector.broadcast %jit3A_332 : f32 to vector<16xf32>
            %select_n3A_334 = arith.select %gt3A_331, %get3A_328, %broadcast_in_dim3A_333 : vector<16xi1>, vector<16xf32>
            %add3A_335 = arith.addf %add3A_313, %select_n3A_334 : vector<16xf32>
            %convert_element_type3A_336 = arith.extui %gt3A_331 : vector<16xi1> to vector<16xi32>
            %add3A_337 = arith.addi %add3A_315, %convert_element_type3A_336 : vector<16xi32>
            %mul3A_338 = arith.constant 8 : i32
            %mul3A_339 = arith.muli %scan3A_249, %mul3A_338 : i32
            %add3A_340 = arith.constant 4 : i32
            %add3A_341 = arith.addi %mul3A_339, %add3A_340 : i32
            %mul3A_342 = arith.constant 16 : i32
            %mul3A_343 = arith.muli %add3A_341, %mul3A_342 : i32
            %get3A_344 = arith.constant 0 : i32
            %get3A_345 = arith.constant 0 : i32
            %get3A_346 = tpu.memref_slice %arg4[%cond3A_184, %get3A_344, %get3A_345] : memref<2x8x4096xf32, #tpu.memory_space<vmem>> -> memref<1x8x4096xf32, #tpu.memory_space<vmem>>
            %get3A_347 = tpu.memref_squeeze %get3A_346 : memref<1x8x4096xf32, #tpu.memory_space<vmem>> -> memref<8x4096xf32, #tpu.memory_space<vmem>>
            %get3A_348 = arith.index_cast %scan3A_161 : i32 to index
            %get3A_349 = arith.index_cast %mul3A_343 : i32 to index
            %get3A_350 = tpu.vector_load %get3A_347[%get3A_348, %get3A_349] {strides = array<i32>} : memref<8x4096xf32, #tpu.memory_space<vmem>>, vector<16xf32>,
            %bitcast_convert_type3A_351 = tpu.bitcast %get3A_350 : vector<16xf32> -> vector<16xi32>
            %gt3A_352 = vector.broadcast %scan3A_222#0 : i32 to vector<16xi32>
            %gt3A_353 = arith.cmpi sgt, %bitcast_convert_type3A_351, %gt3A_352 : vector<16xi32>
            %jit3A_354 = arith.constant 0.000000e+00 : f32
            %broadcast_in_dim3A_355 = vector.broadcast %jit3A_354 : f32 to vector<16xf32>
            %select_n3A_356 = arith.select %gt3A_353, %get3A_350, %broadcast_in_dim3A_355 : vector<16xi1>, vector<16xf32>
            %add3A_357 = arith.addf %add3A_335, %select_n3A_356 : vector<16xf32>
            %convert_element_type3A_358 = arith.extui %gt3A_353 : vector<16xi1> to vector<16xi32>
            %add3A_359 = arith.addi %add3A_337, %convert_element_type3A_358 : vector<16xi32>
            %mul3A_360 = arith.constant 8 : i32
            %mul3A_361 = arith.muli %scan3A_249, %mul3A_360 : i32
            %add3A_362 = arith.constant 5 : i32
            %add3A_363 = arith.addi %mul3A_361, %add3A_362 : i32
            %mul3A_364 = arith.constant 16 : i32
            %mul3A_365 = arith.muli %add3A_363, %mul3A_364 : i32
            %get3A_366 = arith.constant 0 : i32
            %get3A_367 = arith.constant 0 : i32
            %get3A_368 = tpu.memref_slice %arg4[%cond3A_184, %get3A_366, %get3A_367] : memref<2x8x4096xf32, #tpu.memory_space<vmem>> -> memref<1x8x4096xf32, #tpu.memory_space<vmem>>
            %get3A_369 = tpu.memref_squeeze %get3A_368 : memref<1x8x4096xf32, #tpu.memory_space<vmem>> -> memref<8x4096xf32, #tpu.memory_space<vmem>>
            %get3A_370 = arith.index_cast %scan3A_161 : i32 to index
            %get3A_371 = arith.index_cast %mul3A_365 : i32 to index
            %get3A_372 = tpu.vector_load %get3A_369[%get3A_370, %get3A_371] {strides = array<i32>} : memref<8x4096xf32, #tpu.memory_space<vmem>>, vector<16xf32>,
            %bitcast_convert_type3A_373 = tpu.bitcast %get3A_372 : vector<16xf32> -> vector<16xi32>
            %gt3A_374 = vector.broadcast %scan3A_222#0 : i32 to vector<16xi32>
            %gt3A_375 = arith.cmpi sgt, %bitcast_convert_type3A_373, %gt3A_374 : vector<16xi32>
            %jit3A_376 = arith.constant 0.000000e+00 : f32
            %broadcast_in_dim3A_377 = vector.broadcast %jit3A_376 : f32 to vector<16xf32>
            %select_n3A_378 = arith.select %gt3A_375, %get3A_372, %broadcast_in_dim3A_377 : vector<16xi1>, vector<16xf32>
            %add3A_379 = arith.addf %add3A_357, %select_n3A_378 : vector<16xf32>
            %convert_element_type3A_380 = arith.extui %gt3A_375 : vector<16xi1> to vector<16xi32>
            %add3A_381 = arith.addi %add3A_359, %convert_element_type3A_380 : vector<16xi32>
            %mul3A_382 = arith.constant 8 : i32
            %mul3A_383 = arith.muli %scan3A_249, %mul3A_382 : i32
            %add3A_384 = arith.constant 6 : i32
            %add3A_385 = arith.addi %mul3A_383, %add3A_384 : i32
            %mul3A_386 = arith.constant 16 : i32
            %mul3A_387 = arith.muli %add3A_385, %mul3A_386 : i32
            %get3A_388 = arith.constant 0 : i32
            %get3A_389 = arith.constant 0 : i32
            %get3A_390 = tpu.memref_slice %arg4[%cond3A_184, %get3A_388, %get3A_389] : memref<2x8x4096xf32, #tpu.memory_space<vmem>> -> memref<1x8x4096xf32, #tpu.memory_space<vmem>>
            %get3A_391 = tpu.memref_squeeze %get3A_390 : memref<1x8x4096xf32, #tpu.memory_space<vmem>> -> memref<8x4096xf32, #tpu.memory_space<vmem>>
            %get3A_392 = arith.index_cast %scan3A_161 : i32 to index
            %get3A_393 = arith.index_cast %mul3A_387 : i32 to index
            %get3A_394 = tpu.vector_load %get3A_391[%get3A_392, %get3A_393] {strides = array<i32>} : memref<8x4096xf32, #tpu.memory_space<vmem>>, vector<16xf32>,
            %bitcast_convert_type3A_395 = tpu.bitcast %get3A_394 : vector<16xf32> -> vector<16xi32>
            %gt3A_396 = vector.broadcast %scan3A_222#0 : i32 to vector<16xi32>
            %gt3A_397 = arith.cmpi sgt, %bitcast_convert_type3A_395, %gt3A_396 : vector<16xi32>
            %jit3A_398 = arith.constant 0.000000e+00 : f32
            %broadcast_in_dim3A_399 = vector.broadcast %jit3A_398 : f32 to vector<16xf32>
            %select_n3A_400 = arith.select %gt3A_397, %get3A_394, %broadcast_in_dim3A_399 : vector<16xi1>, vector<16xf32>
            %add3A_401 = arith.addf %add3A_379, %select_n3A_400 : vector<16xf32>
            %convert_element_type3A_402 = arith.extui %gt3A_397 : vector<16xi1> to vector<16xi32>
            %add3A_403 = arith.addi %add3A_381, %convert_element_type3A_402 : vector<16xi32>
            %mul3A_404 = arith.constant 8 : i32
            %mul3A_405 = arith.muli %scan3A_249, %mul3A_404 : i32
            %add3A_406 = arith.constant 7 : i32
            %add3A_407 = arith.addi %mul3A_405, %add3A_406 : i32
            %mul3A_408 = arith.constant 16 : i32
            %mul3A_409 = arith.muli %add3A_407, %mul3A_408 : i32
            %get3A_410 = arith.constant 0 : i32
            %get3A_411 = arith.constant 0 : i32
            %get3A_412 = tpu.memref_slice %arg4[%cond3A_184, %get3A_410, %get3A_411] : memref<2x8x4096xf32, #tpu.memory_space<vmem>> -> memref<1x8x4096xf32, #tpu.memory_space<vmem>>
            %get3A_413 = tpu.memref_squeeze %get3A_412 : memref<1x8x4096xf32, #tpu.memory_space<vmem>> -> memref<8x4096xf32, #tpu.memory_space<vmem>>
            %get3A_414 = arith.index_cast %scan3A_161 : i32 to index
            %get3A_415 = arith.index_cast %mul3A_409 : i32 to index
            %get3A_416 = tpu.vector_load %get3A_413[%get3A_414, %get3A_415] {strides = array<i32>} : memref<8x4096xf32, #tpu.memory_space<vmem>>, vector<16xf32>,
            %bitcast_convert_type3A_417 = tpu.bitcast %get3A_416 : vector<16xf32> -> vector<16xi32>
            %gt3A_418 = vector.broadcast %scan3A_222#0 : i32 to vector<16xi32>
            %gt3A_419 = arith.cmpi sgt, %bitcast_convert_type3A_417, %gt3A_418 : vector<16xi32>
            %jit3A_420 = arith.constant 0.000000e+00 : f32
            %broadcast_in_dim3A_421 = vector.broadcast %jit3A_420 : f32 to vector<16xf32>
            %select_n3A_422 = arith.select %gt3A_419, %get3A_416, %broadcast_in_dim3A_421 : vector<16xi1>, vector<16xf32>
            %add3A_423 = arith.addf %add3A_401, %select_n3A_422 : vector<16xf32>
            %convert_element_type3A_424 = arith.extui %gt3A_419 : vector<16xi1> to vector<16xi32>
            %add3A_425 = arith.addi %add3A_403, %convert_element_type3A_424 : vector<16xi32>
            scf.yield %add3A_423, %add3A_425 : vector<16xf32>, vector<16xi32>
          }
          %scan3A_234 = arith.constant 32 : i32
          %reduce_sum3A_235 = arith.constant true
          %reduce_sum3A_236 = vector.broadcast %reduce_sum3A_235 : i1 to vector<16xi1>
          %reduce_sum3A_237 = tpu.scan <sum>, %scan3A_233#0 masked %reduce_sum3A_236 : vector<16xf32>, vector<16xi1> -> vector<16xf32>
          %reduce_sum3A_238 = vector.extract %reduce_sum3A_237[15] : f32 from vector<16xf32>
          %reduce_sum3A_239 = arith.constant true
          %reduce_sum3A_240 = vector.broadcast %reduce_sum3A_239 : i1 to vector<16xi1>
          %reduce_sum3A_241 = tpu.scan <sum>, %scan3A_233#1 masked %reduce_sum3A_240 : vector<16xi32>, vector<16xi1> -> vector<16xi32>
          %reduce_sum3A_242 = vector.extract %reduce_sum3A_241[15] : i32 from vector<16xi32>
          %sub3A_243 = arith.constant 64 : i32
          %sub3A_244 = arith.subi %sub3A_243, %reduce_sum3A_242 : i32
          %convert_element_type3A_245 = arith.sitofp %sub3A_244 : i32 to f32
          %mul3A_246 = arith.mulf %convert_element_type3A_245, %bitcast_convert_type3A_224 : f32
          %add3A_247 = arith.addf %reduce_sum3A_238, %mul3A_246 : f32
          %select_n3A_248 = arith.select %lt3A_215, %reduce_sum3A_213, %add3A_247 : f32
          scf.yield %select_n3A_248 : f32
        } else {
          %cond3A_197 = arith.constant 0.000000e+00 : f32
          scf.yield %cond3A_197 : f32
        }
        %add3A_188 = arith.constant 8 : i32
        %add3A_189 = arith.addi %add3A_188, %scan3A_161 : i32
        %eq3A = vector.broadcast %add3A_189 : i32 to vector<16xi32>
        %eq3A_190 = arith.cmpi eq, %iota3A, %eq3A : vector<16xi32>
        %broadcast_in_dim3A_191 = vector.broadcast %squeeze3A : i32 to vector<16xi32>
        %select_n3A_192 = arith.select %eq3A_190, %broadcast_in_dim3A_191, %scan3A_162 : vector<16xi1>, vector<16xi32>
        %eq3A_193 = vector.broadcast %add3A_189 : i32 to vector<16xi32>
        %eq3A_194 = arith.cmpi eq, %iota3A, %eq3A_193 : vector<16xi32>
        %broadcast_in_dim3A_195 = vector.broadcast %cond3A_187 : f32 to vector<16xf32>
        %select_n3A_196 = arith.select %eq3A_194, %broadcast_in_dim3A_195, %scan3A_163 : vector<16xi1>, vector<16xf32>
        scf.yield %select_n3A_192, %select_n3A_196 : vector<16xi32>, vector<16xf32>
      }
      %scan3A_96 = arith.constant 8 : i32
      %add3A_97 = arith.constant 1 : i32
      %add3A_98 = arith.addi %scan3A_41, %add3A_97 : i32
      %lt3A_99 = arith.constant 8 : i32
      %lt3A_100 = arith.cmpi slt, %add3A_98, %lt3A_99 : i32
      %convert_element_type3A_101 = arith.extui %lt3A_100 : i1 to i32
      %cond3A_102 = arith.constant 0 : i32
      %cond3A_103 = arith.cmpi ne, %convert_element_type3A_101, %cond3A_102 : i32
      scf.if %cond3A_103 {
        %add3A_161 = arith.constant 16 : i32
        %add3A_162 = arith.addi %add3A_45, %add3A_161 : i32
        %add3A_163 = arith.constant 8 : i32
        %add3A_164 = arith.addi %add3A_162, %add3A_163 : i32
        %dma_start3A_165 = arith.constant 1 : i32
        %dma_start3A_166 = arith.constant 0 : i32
        %dma_start3A_167 = arith.constant 0 : i32
        %dma_start3A_168 = tpu.memref_slice %arg4[%dma_start3A_165, %dma_start3A_166, %dma_start3A_167] : memref<2x8x4096xf32, #tpu.memory_space<vmem>> -> memref<1x8x4096xf32, #tpu.memory_space<vmem>>
        %dma_start3A_169 = tpu.memref_squeeze %dma_start3A_168 : memref<1x8x4096xf32, #tpu.memory_space<vmem>> -> memref<8x4096xf32, #tpu.memory_space<vmem>>
        %dma_start3A_170 = arith.constant 0 : i32
        %dma_start3A_171 = tpu.memref_slice %arg2[%add3A_164, %dma_start3A_170] : memref<8192x4096xf32, #tpu.memory_space<hbm>> -> memref<8x4096xf32, #tpu.memory_space<hbm>>
        %dma_start3A_172 = arith.constant 0 : i32
        %dma_start3A_173 = arith.constant 0 : i32
        %dma_start3A_174 = tpu.memref_slice %arg4[%dma_start3A_165, %dma_start3A_172, %dma_start3A_173] : memref<2x8x4096xf32, #tpu.memory_space<vmem>> -> memref<1x8x4096xf32, #tpu.memory_space<vmem>>
        %dma_start3A_175 = tpu.memref_squeeze %dma_start3A_174 : memref<1x8x4096xf32, #tpu.memory_space<vmem>> -> memref<8x4096xf32, #tpu.memory_space<vmem>>
        %dma_start3A_176 = arith.constant 0 : i32
        %dma_start3A_177 = tpu.memref_slice %arg2[%add3A_164, %dma_start3A_176] : memref<8192x4096xf32, #tpu.memory_space<hbm>> -> memref<8x4096xf32, #tpu.memory_space<hbm>>
        tpu.enqueue_dma source(%dma_start3A_177 : memref<8x4096xf32, #tpu.memory_space<hbm>>) target(%dma_start3A_175 : memref<8x4096xf32, #tpu.memory_space<vmem>>) target_semaphore(%arg8 : memref<!tpu.dma_semaphore, #tpu.memory_space<semaphore_mem>>)
      } else {
      }
      %reduce_max3A = arith.constant true
      %reduce_max3A_104 = vector.broadcast %reduce_max3A : i1 to vector<16xi1>
      %reduce_max3A_105 = arith.constant -2147483648 : i32
      %reduce_max3A_106 = vector.broadcast %reduce_max3A_105 : i32 to vector<16xi32>
      %reduce_max3A_107 = arith.xori %scan3A_95#0, %reduce_max3A_106 : vector<16xi32>
      %reduce_max3A_108 = tpu.scan <max>, %reduce_max3A_107 masked %reduce_max3A_104 : vector<16xi32>, vector<16xi1> -> vector<16xi32>
      %reduce_max3A_109 = arith.xori %reduce_max3A_108, %reduce_max3A_106 : vector<16xi32>
      %reduce_max3A_110 = vector.extract %reduce_max3A_109[15] : i32 from vector<16xi32>
      %min3A = arith.constant 256 : i32
      %min3A_111 = arith.minsi %reduce_max3A_110, %min3A : i32
      %add3A_112 = arith.constant 7 : i32
      %add3A_113 = arith.addi %min3A_111, %add3A_112 : i32
      %shift_right_arithmetic3A = arith.constant 3 : i32
      %shift_right_arithmetic3A_114 = arith.shrsi %add3A_113, %shift_right_arithmetic3A : i32
      %broadcast_in_dim3A_115 = arith.constant 1064828928 : i32
      %broadcast_in_dim3A_116 = vector.broadcast %broadcast_in_dim3A_115 : i32 to vector<16xi32>
      %broadcast_in_dim3A_117 = arith.constant 1065353215 : i32
      %broadcast_in_dim3A_118 = vector.broadcast %broadcast_in_dim3A_117 : i32 to vector<16xi32>
      %scan3A_119 = arith.constant 0 : i32
      %scan3A_120 = arith.constant 19 : i32
      %scan3A_121 = arith.addi %scan3A_119, %scan3A_120 : i32
      %scan3A_122 = arith.constant 1 : i32
      %scan3A_123:2 = scf.for %scan3A_161 = %scan3A_119 to %scan3A_121 step %scan3A_122 iter_args(%scan3A_162 = %broadcast_in_dim3A_116, %scan3A_163 = %broadcast_in_dim3A_118) -> (vector<16xi32>, vector<16xi32>)  : i32 {
        %sub3A_164 = arith.subi %scan3A_163, %scan3A_162 : vector<16xi32>
        %add3A_165 = arith.constant 1 : i32
        %add3A_166 = vector.broadcast %add3A_165 : i32 to vector<16xi32>
        %add3A_167 = arith.addi %sub3A_164, %add3A_166 : vector<16xi32>
        %shift_right_arithmetic3A_168 = arith.constant 1 : i32
        %shift_right_arithmetic3A_169 = vector.broadcast %shift_right_arithmetic3A_168 : i32 to vector<16xi32>
        %shift_right_arithmetic3A_170 = arith.shrsi %add3A_167, %shift_right_arithmetic3A_169 : vector<16xi32>
        %add3A_171 = arith.addi %scan3A_162, %shift_right_arithmetic3A_170 : vector<16xi32>
        %broadcast_in_dim3A_172 = arith.constant 0 : i32
        %broadcast_in_dim3A_173 = vector.broadcast %broadcast_in_dim3A_172 : i32 to vector<16xi32>
        %parallel_loop3A_174 = arith.constant 0 : i32
        %parallel_loop3A_175 = arith.constant 1 : i32
        %parallel_loop3A_176:8 = scf.for %parallel_loop3A_191 = %parallel_loop3A_174 to %shift_right_arithmetic3A_114 step %parallel_loop3A_175 iter_args(%parallel_loop3A_192 = %broadcast_in_dim3A_173, %parallel_loop3A_193 = %broadcast_in_dim3A_173, %parallel_loop3A_194 = %broadcast_in_dim3A_173, %parallel_loop3A_195 = %broadcast_in_dim3A_173, %parallel_loop3A_196 = %broadcast_in_dim3A_173, %parallel_loop3A_197 = %broadcast_in_dim3A_173, %parallel_loop3A_198 = %broadcast_in_dim3A_173, %parallel_loop3A_199 = %broadcast_in_dim3A_173) -> (vector<16xi32>, vector<16xi32>, vector<16xi32>, vector<16xi32>, vector<16xi32>, vector<16xi32>, vector<16xi32>, vector<16xi32>)  : i32 {
          %parallel_loop3A_200 = arith.constant 8 : i32
          %parallel_loop3A_201 = arith.muli %parallel_loop3A_191, %parallel_loop3A_200 : i32
          %parallel_loop3A_202 = arith.constant 0 : i32
          %parallel_loop3A_203 = arith.addi %parallel_loop3A_201, %parallel_loop3A_202 : i32
          %parallel_loop3A_204 = arith.index_cast %parallel_loop3A_203 : i32 to index
          %parallel_loop3A_205 = arith.constant 0 : index
          %parallel_loop3A_206 = tpu.vector_load %arg5[%parallel_loop3A_204, %parallel_loop3A_205] {strides = array<i32>} : memref<256x16xf32, #tpu.memory_space<vmem>>, vector<16xf32>,
          %parallel_loop3A_207 = tpu.bitcast %parallel_loop3A_206 : vector<16xf32> -> vector<16xi32>
          %parallel_loop3A_208 = arith.cmpi sge, %parallel_loop3A_207, %add3A_171 : vector<16xi32>
          %parallel_loop3A_209 = arith.constant 1 : i32
          %parallel_loop3A_210 = arith.constant 0 : i32
          %parallel_loop3A_211 = vector.broadcast %parallel_loop3A_209 : i32 to vector<16xi32>
          %parallel_loop3A_212 = vector.broadcast %parallel_loop3A_210 : i32 to vector<16xi32>
          %parallel_loop3A_213 = arith.select %parallel_loop3A_208, %parallel_loop3A_211, %parallel_loop3A_212 : vector<16xi1>, vector<16xi32>
          %parallel_loop3A_214 = arith.addi %parallel_loop3A_192, %parallel_loop3A_213 : vector<16xi32>
          %parallel_loop3A_215 = arith.constant 8 : i32
          %parallel_loop3A_216 = arith.muli %parallel_loop3A_191, %parallel_loop3A_215 : i32
          %parallel_loop3A_217 = arith.constant 1 : i32
          %parallel_loop3A_218 = arith.addi %parallel_loop3A_216, %parallel_loop3A_217 : i32
          %parallel_loop3A_219 = arith.index_cast %parallel_loop3A_218 : i32 to index
          %parallel_loop3A_220 = arith.constant 0 : index
          %parallel_loop3A_221 = tpu.vector_load %arg5[%parallel_loop3A_219, %parallel_loop3A_220] {strides = array<i32>} : memref<256x16xf32, #tpu.memory_space<vmem>>, vector<16xf32>,
          %parallel_loop3A_222 = tpu.bitcast %parallel_loop3A_221 : vector<16xf32> -> vector<16xi32>
          %parallel_loop3A_223 = arith.cmpi sge, %parallel_loop3A_222, %add3A_171 : vector<16xi32>
          %parallel_loop3A_224 = arith.constant 1 : i32
          %parallel_loop3A_225 = arith.constant 0 : i32
          %parallel_loop3A_226 = vector.broadcast %parallel_loop3A_224 : i32 to vector<16xi32>
          %parallel_loop3A_227 = vector.broadcast %parallel_loop3A_225 : i32 to vector<16xi32>
          %parallel_loop3A_228 = arith.select %parallel_loop3A_223, %parallel_loop3A_226, %parallel_loop3A_227 : vector<16xi1>, vector<16xi32>
          %parallel_loop3A_229 = arith.addi %parallel_loop3A_193, %parallel_loop3A_228 : vector<16xi32>
          %parallel_loop3A_230 = arith.constant 8 : i32
          %parallel_loop3A_231 = arith.muli %parallel_loop3A_191, %parallel_loop3A_230 : i32
          %parallel_loop3A_232 = arith.constant 2 : i32
          %parallel_loop3A_233 = arith.addi %parallel_loop3A_231, %parallel_loop3A_232 : i32
          %parallel_loop3A_234 = arith.index_cast %parallel_loop3A_233 : i32 to index
          %parallel_loop3A_235 = arith.constant 0 : index
          %parallel_loop3A_236 = tpu.vector_load %arg5[%parallel_loop3A_234, %parallel_loop3A_235] {strides = array<i32>} : memref<256x16xf32, #tpu.memory_space<vmem>>, vector<16xf32>,
          %parallel_loop3A_237 = tpu.bitcast %parallel_loop3A_236 : vector<16xf32> -> vector<16xi32>
          %parallel_loop3A_238 = arith.cmpi sge, %parallel_loop3A_237, %add3A_171 : vector<16xi32>
          %parallel_loop3A_239 = arith.constant 1 : i32
          %parallel_loop3A_240 = arith.constant 0 : i32
          %parallel_loop3A_241 = vector.broadcast %parallel_loop3A_239 : i32 to vector<16xi32>
          %parallel_loop3A_242 = vector.broadcast %parallel_loop3A_240 : i32 to vector<16xi32>
          %parallel_loop3A_243 = arith.select %parallel_loop3A_238, %parallel_loop3A_241, %parallel_loop3A_242 : vector<16xi1>, vector<16xi32>
          %parallel_loop3A_244 = arith.addi %parallel_loop3A_194, %parallel_loop3A_243 : vector<16xi32>
          %parallel_loop3A_245 = arith.constant 8 : i32
          %parallel_loop3A_246 = arith.muli %parallel_loop3A_191, %parallel_loop3A_245 : i32
          %parallel_loop3A_247 = arith.constant 3 : i32
          %parallel_loop3A_248 = arith.addi %parallel_loop3A_246, %parallel_loop3A_247 : i32
          %parallel_loop3A_249 = arith.index_cast %parallel_loop3A_248 : i32 to index
          %parallel_loop3A_250 = arith.constant 0 : index
          %parallel_loop3A_251 = tpu.vector_load %arg5[%parallel_loop3A_249, %parallel_loop3A_250] {strides = array<i32>} : memref<256x16xf32, #tpu.memory_space<vmem>>, vector<16xf32>,
          %parallel_loop3A_252 = tpu.bitcast %parallel_loop3A_251 : vector<16xf32> -> vector<16xi32>
          %parallel_loop3A_253 = arith.cmpi sge, %parallel_loop3A_252, %add3A_171 : vector<16xi32>
          %parallel_loop3A_254 = arith.constant 1 : i32
          %parallel_loop3A_255 = arith.constant 0 : i32
          %parallel_loop3A_256 = vector.broadcast %parallel_loop3A_254 : i32 to vector<16xi32>
          %parallel_loop3A_257 = vector.broadcast %parallel_loop3A_255 : i32 to vector<16xi32>
          %parallel_loop3A_258 = arith.select %parallel_loop3A_253, %parallel_loop3A_256, %parallel_loop3A_257 : vector<16xi1>, vector<16xi32>
          %parallel_loop3A_259 = arith.addi %parallel_loop3A_195, %parallel_loop3A_258 : vector<16xi32>
          %parallel_loop3A_260 = arith.constant 8 : i32
          %parallel_loop3A_261 = arith.muli %parallel_loop3A_191, %parallel_loop3A_260 : i32
          %parallel_loop3A_262 = arith.constant 4 : i32
          %parallel_loop3A_263 = arith.addi %parallel_loop3A_261, %parallel_loop3A_262 : i32
          %parallel_loop3A_264 = arith.index_cast %parallel_loop3A_263 : i32 to index
          %parallel_loop3A_265 = arith.constant 0 : index
          %parallel_loop3A_266 = tpu.vector_load %arg5[%parallel_loop3A_264, %parallel_loop3A_265] {strides = array<i32>} : memref<256x16xf32, #tpu.memory_space<vmem>>, vector<16xf32>,
          %parallel_loop3A_267 = tpu.bitcast %parallel_loop3A_266 : vector<16xf32> -> vector<16xi32>
          %parallel_loop3A_268 = arith.cmpi sge, %parallel_loop3A_267, %add3A_171 : vector<16xi32>
          %parallel_loop3A_269 = arith.constant 1 : i32
          %parallel_loop3A_270 = arith.constant 0 : i32
          %parallel_loop3A_271 = vector.broadcast %parallel_loop3A_269 : i32 to vector<16xi32>
          %parallel_loop3A_272 = vector.broadcast %parallel_loop3A_270 : i32 to vector<16xi32>
          %parallel_loop3A_273 = arith.select %parallel_loop3A_268, %parallel_loop3A_271, %parallel_loop3A_272 : vector<16xi1>, vector<16xi32>
          %parallel_loop3A_274 = arith.addi %parallel_loop3A_196, %parallel_loop3A_273 : vector<16xi32>
          %parallel_loop3A_275 = arith.constant 8 : i32
          %parallel_loop3A_276 = arith.muli %parallel_loop3A_191, %parallel_loop3A_275 : i32
          %parallel_loop3A_277 = arith.constant 5 : i32
          %parallel_loop3A_278 = arith.addi %parallel_loop3A_276, %parallel_loop3A_277 : i32
          %parallel_loop3A_279 = arith.index_cast %parallel_loop3A_278 : i32 to index
          %parallel_loop3A_280 = arith.constant 0 : index
          %parallel_loop3A_281 = tpu.vector_load %arg5[%parallel_loop3A_279, %parallel_loop3A_280] {strides = array<i32>} : memref<256x16xf32, #tpu.memory_space<vmem>>, vector<16xf32>,
          %parallel_loop3A_282 = tpu.bitcast %parallel_loop3A_281 : vector<16xf32> -> vector<16xi32>
          %parallel_loop3A_283 = arith.cmpi sge, %parallel_loop3A_282, %add3A_171 : vector<16xi32>
          %parallel_loop3A_284 = arith.constant 1 : i32
          %parallel_loop3A_285 = arith.constant 0 : i32
          %parallel_loop3A_286 = vector.broadcast %parallel_loop3A_284 : i32 to vector<16xi32>
          %parallel_loop3A_287 = vector.broadcast %parallel_loop3A_285 : i32 to vector<16xi32>
          %parallel_loop3A_288 = arith.select %parallel_loop3A_283, %parallel_loop3A_286, %parallel_loop3A_287 : vector<16xi1>, vector<16xi32>
          %parallel_loop3A_289 = arith.addi %parallel_loop3A_197, %parallel_loop3A_288 : vector<16xi32>
          %parallel_loop3A_290 = arith.constant 8 : i32
          %parallel_loop3A_291 = arith.muli %parallel_loop3A_191, %parallel_loop3A_290 : i32
          %parallel_loop3A_292 = arith.constant 6 : i32
          %parallel_loop3A_293 = arith.addi %parallel_loop3A_291, %parallel_loop3A_292 : i32
          %parallel_loop3A_294 = arith.index_cast %parallel_loop3A_293 : i32 to index
          %parallel_loop3A_295 = arith.constant 0 : index
          %parallel_loop3A_296 = tpu.vector_load %arg5[%parallel_loop3A_294, %parallel_loop3A_295] {strides = array<i32>} : memref<256x16xf32, #tpu.memory_space<vmem>>, vector<16xf32>,
          %parallel_loop3A_297 = tpu.bitcast %parallel_loop3A_296 : vector<16xf32> -> vector<16xi32>
          %parallel_loop3A_298 = arith.cmpi sge, %parallel_loop3A_297, %add3A_171 : vector<16xi32>
          %parallel_loop3A_299 = arith.constant 1 : i32
          %parallel_loop3A_300 = arith.constant 0 : i32
          %parallel_loop3A_301 = vector.broadcast %parallel_loop3A_299 : i32 to vector<16xi32>
          %parallel_loop3A_302 = vector.broadcast %parallel_loop3A_300 : i32 to vector<16xi32>
          %parallel_loop3A_303 = arith.select %parallel_loop3A_298, %parallel_loop3A_301, %parallel_loop3A_302 : vector<16xi1>, vector<16xi32>
          %parallel_loop3A_304 = arith.addi %parallel_loop3A_198, %parallel_loop3A_303 : vector<16xi32>
          %parallel_loop3A_305 = arith.constant 8 : i32
          %parallel_loop3A_306 = arith.muli %parallel_loop3A_191, %parallel_loop3A_305 : i32
          %parallel_loop3A_307 = arith.constant 7 : i32
          %parallel_loop3A_308 = arith.addi %parallel_loop3A_306, %parallel_loop3A_307 : i32
          %parallel_loop3A_309 = arith.index_cast %parallel_loop3A_308 : i32 to index
          %parallel_loop3A_310 = arith.constant 0 : index
          %parallel_loop3A_311 = tpu.vector_load %arg5[%parallel_loop3A_309, %parallel_loop3A_310] {strides = array<i32>} : memref<256x16xf32, #tpu.memory_space<vmem>>, vector<16xf32>,
          %parallel_loop3A_312 = tpu.bitcast %parallel_loop3A_311 : vector<16xf32> -> vector<16xi32>
          %parallel_loop3A_313 = arith.cmpi sge, %parallel_loop3A_312, %add3A_171 : vector<16xi32>
          %parallel_loop3A_314 = arith.constant 1 : i32
          %parallel_loop3A_315 = arith.constant 0 : i32
          %parallel_loop3A_316 = vector.broadcast %parallel_loop3A_314 : i32 to vector<16xi32>
          %parallel_loop3A_317 = vector.broadcast %parallel_loop3A_315 : i32 to vector<16xi32>
          %parallel_loop3A_318 = arith.select %parallel_loop3A_313, %parallel_loop3A_316, %parallel_loop3A_317 : vector<16xi1>, vector<16xi32>
          %parallel_loop3A_319 = arith.addi %parallel_loop3A_199, %parallel_loop3A_318 : vector<16xi32>
          scf.yield %parallel_loop3A_214, %parallel_loop3A_229, %parallel_loop3A_244, %parallel_loop3A_259, %parallel_loop3A_274, %parallel_loop3A_289, %parallel_loop3A_304, %parallel_loop3A_319 : vector<16xi32>, vector<16xi32>, vector<16xi32>, vector<16xi32>, vector<16xi32>, vector<16xi32>, vector<16xi32>, vector<16xi32>
        } {sc.loop_unroll_factor = 2 : i64, sc.parallel_access}
        %add3A_177 = arith.addi %parallel_loop3A_176#0, %parallel_loop3A_176#1 : vector<16xi32>
        %add3A_178 = arith.addi %add3A_177, %parallel_loop3A_176#2 : vector<16xi32>
        %add3A_179 = arith.addi %add3A_178, %parallel_loop3A_176#3 : vector<16xi32>
        %add3A_180 = arith.addi %add3A_179, %parallel_loop3A_176#4 : vector<16xi32>
        %add3A_181 = arith.addi %add3A_180, %parallel_loop3A_176#5 : vector<16xi32>
        %add3A_182 = arith.addi %add3A_181, %parallel_loop3A_176#6 : vector<16xi32>
        %add3A_183 = arith.addi %add3A_182, %parallel_loop3A_176#7 : vector<16xi32>
        %ge3A = arith.constant 64 : i32
        %ge3A_184 = vector.broadcast %ge3A : i32 to vector<16xi32>
        %ge3A_185 = arith.cmpi sge, %add3A_183, %ge3A_184 : vector<16xi32>
        %select_n3A_186 = arith.select %ge3A_185, %add3A_171, %scan3A_162 : vector<16xi1>, vector<16xi32>
        %sub3A_187 = arith.constant 1 : i32
        %sub3A_188 = vector.broadcast %sub3A_187 : i32 to vector<16xi32>
        %sub3A_189 = arith.subi %add3A_171, %sub3A_188 : vector<16xi32>
        %select_n3A_190 = arith.select %ge3A_185, %scan3A_163, %sub3A_189 : vector<16xi1>, vector<16xi32>
        scf.yield %select_n3A_186, %select_n3A_190 : vector<16xi32>, vector<16xi32>
      }
      %scan3A_124 = arith.constant 19 : i32
      %bitcast_convert_type3A_125 = tpu.bitcast %scan3A_123#0 : vector<16xi32> -> vector<16xf32>
      %broadcast_in_dim3A_126 = arith.constant 0.000000e+00 : f32
      %broadcast_in_dim3A_127 = vector.broadcast %broadcast_in_dim3A_126 : f32 to vector<16xf32>
      %broadcast_in_dim3A_128 = arith.constant 0 : i32
      %broadcast_in_dim3A_129 = vector.broadcast %broadcast_in_dim3A_128 : i32 to vector<16xi32>
      %parallel_loop3A_130 = arith.constant 0 : i32
      %parallel_loop3A_131 = arith.constant 1 : i32
      %parallel_loop3A_132:16 = scf.for %parallel_loop3A_161 = %parallel_loop3A_130 to %shift_right_arithmetic3A_114 step %parallel_loop3A_131 iter_args(%parallel_loop3A_162 = %broadcast_in_dim3A_127, %parallel_loop3A_163 = %broadcast_in_dim3A_129, %parallel_loop3A_164 = %broadcast_in_dim3A_127, %parallel_loop3A_165 = %broadcast_in_dim3A_129, %parallel_loop3A_166 = %broadcast_in_dim3A_127, %parallel_loop3A_167 = %broadcast_in_dim3A_129, %parallel_loop3A_168 = %broadcast_in_dim3A_127, %parallel_loop3A_169 = %broadcast_in_dim3A_129, %parallel_loop3A_170 = %broadcast_in_dim3A_127, %parallel_loop3A_171 = %broadcast_in_dim3A_129, %parallel_loop3A_172 = %broadcast_in_dim3A_127, %parallel_loop3A_173 = %broadcast_in_dim3A_129, %parallel_loop3A_174 = %broadcast_in_dim3A_127, %parallel_loop3A_175 = %broadcast_in_dim3A_129, %parallel_loop3A_176 = %broadcast_in_dim3A_127, %parallel_loop3A_177 = %broadcast_in_dim3A_129) -> (vector<16xf32>, vector<16xi32>, vector<16xf32>, vector<16xi32>, vector<16xf32>, vector<16xi32>, vector<16xf32>, vector<16xi32>, vector<16xf32>, vector<16xi32>, vector<16xf32>, vector<16xi32>, vector<16xf32>, vector<16xi32>, vector<16xf32>, vector<16xi32>)  : i32 {
        %parallel_loop3A_178 = arith.constant 8 : i32
        %parallel_loop3A_179 = arith.muli %parallel_loop3A_161, %parallel_loop3A_178 : i32
        %parallel_loop3A_180 = arith.constant 0 : i32
        %parallel_loop3A_181 = arith.addi %parallel_loop3A_179, %parallel_loop3A_180 : i32
        %parallel_loop3A_182 = arith.index_cast %parallel_loop3A_181 : i32 to index
        %parallel_loop3A_183 = arith.constant 0 : index
        %parallel_loop3A_184 = tpu.vector_load %arg5[%parallel_loop3A_182, %parallel_loop3A_183] {strides = array<i32>} : memref<256x16xf32, #tpu.memory_space<vmem>>, vector<16xf32>,
        %parallel_loop3A_185 = tpu.bitcast %parallel_loop3A_184 : vector<16xf32> -> vector<16xi32>
        %parallel_loop3A_186 = arith.cmpi sgt, %parallel_loop3A_185, %scan3A_123#0 : vector<16xi32>
        %parallel_loop3A_187 = arith.constant 0.000000e+00 : f32
        %parallel_loop3A_188 = vector.broadcast %parallel_loop3A_187 : f32 to vector<16xf32>
        %parallel_loop3A_189 = arith.select %parallel_loop3A_186, %parallel_loop3A_184, %parallel_loop3A_188 : vector<16xi1>, vector<16xf32>
        %parallel_loop3A_190 = arith.addf %parallel_loop3A_162, %parallel_loop3A_189 : vector<16xf32>
        %parallel_loop3A_191 = arith.extui %parallel_loop3A_186 : vector<16xi1> to vector<16xi32>
        %parallel_loop3A_192 = arith.addi %parallel_loop3A_163, %parallel_loop3A_191 : vector<16xi32>
        %parallel_loop3A_193 = arith.constant 8 : i32
        %parallel_loop3A_194 = arith.muli %parallel_loop3A_161, %parallel_loop3A_193 : i32
        %parallel_loop3A_195 = arith.constant 1 : i32
        %parallel_loop3A_196 = arith.addi %parallel_loop3A_194, %parallel_loop3A_195 : i32
        %parallel_loop3A_197 = arith.index_cast %parallel_loop3A_196 : i32 to index
        %parallel_loop3A_198 = arith.constant 0 : index
        %parallel_loop3A_199 = tpu.vector_load %arg5[%parallel_loop3A_197, %parallel_loop3A_198] {strides = array<i32>} : memref<256x16xf32, #tpu.memory_space<vmem>>, vector<16xf32>,
        %parallel_loop3A_200 = tpu.bitcast %parallel_loop3A_199 : vector<16xf32> -> vector<16xi32>
        %parallel_loop3A_201 = arith.cmpi sgt, %parallel_loop3A_200, %scan3A_123#0 : vector<16xi32>
        %parallel_loop3A_202 = arith.constant 0.000000e+00 : f32
        %parallel_loop3A_203 = vector.broadcast %parallel_loop3A_202 : f32 to vector<16xf32>
        %parallel_loop3A_204 = arith.select %parallel_loop3A_201, %parallel_loop3A_199, %parallel_loop3A_203 : vector<16xi1>, vector<16xf32>
        %parallel_loop3A_205 = arith.addf %parallel_loop3A_164, %parallel_loop3A_204 : vector<16xf32>
        %parallel_loop3A_206 = arith.extui %parallel_loop3A_201 : vector<16xi1> to vector<16xi32>
        %parallel_loop3A_207 = arith.addi %parallel_loop3A_165, %parallel_loop3A_206 : vector<16xi32>
        %parallel_loop3A_208 = arith.constant 8 : i32
        %parallel_loop3A_209 = arith.muli %parallel_loop3A_161, %parallel_loop3A_208 : i32
        %parallel_loop3A_210 = arith.constant 2 : i32
        %parallel_loop3A_211 = arith.addi %parallel_loop3A_209, %parallel_loop3A_210 : i32
        %parallel_loop3A_212 = arith.index_cast %parallel_loop3A_211 : i32 to index
        %parallel_loop3A_213 = arith.constant 0 : index
        %parallel_loop3A_214 = tpu.vector_load %arg5[%parallel_loop3A_212, %parallel_loop3A_213] {strides = array<i32>} : memref<256x16xf32, #tpu.memory_space<vmem>>, vector<16xf32>,
        %parallel_loop3A_215 = tpu.bitcast %parallel_loop3A_214 : vector<16xf32> -> vector<16xi32>
        %parallel_loop3A_216 = arith.cmpi sgt, %parallel_loop3A_215, %scan3A_123#0 : vector<16xi32>
        %parallel_loop3A_217 = arith.constant 0.000000e+00 : f32
        %parallel_loop3A_218 = vector.broadcast %parallel_loop3A_217 : f32 to vector<16xf32>
        %parallel_loop3A_219 = arith.select %parallel_loop3A_216, %parallel_loop3A_214, %parallel_loop3A_218 : vector<16xi1>, vector<16xf32>
        %parallel_loop3A_220 = arith.addf %parallel_loop3A_166, %parallel_loop3A_219 : vector<16xf32>
        %parallel_loop3A_221 = arith.extui %parallel_loop3A_216 : vector<16xi1> to vector<16xi32>
        %parallel_loop3A_222 = arith.addi %parallel_loop3A_167, %parallel_loop3A_221 : vector<16xi32>
        %parallel_loop3A_223 = arith.constant 8 : i32
        %parallel_loop3A_224 = arith.muli %parallel_loop3A_161, %parallel_loop3A_223 : i32
        %parallel_loop3A_225 = arith.constant 3 : i32
        %parallel_loop3A_226 = arith.addi %parallel_loop3A_224, %parallel_loop3A_225 : i32
        %parallel_loop3A_227 = arith.index_cast %parallel_loop3A_226 : i32 to index
        %parallel_loop3A_228 = arith.constant 0 : index
        %parallel_loop3A_229 = tpu.vector_load %arg5[%parallel_loop3A_227, %parallel_loop3A_228] {strides = array<i32>} : memref<256x16xf32, #tpu.memory_space<vmem>>, vector<16xf32>,
        %parallel_loop3A_230 = tpu.bitcast %parallel_loop3A_229 : vector<16xf32> -> vector<16xi32>
        %parallel_loop3A_231 = arith.cmpi sgt, %parallel_loop3A_230, %scan3A_123#0 : vector<16xi32>
        %parallel_loop3A_232 = arith.constant 0.000000e+00 : f32
        %parallel_loop3A_233 = vector.broadcast %parallel_loop3A_232 : f32 to vector<16xf32>
        %parallel_loop3A_234 = arith.select %parallel_loop3A_231, %parallel_loop3A_229, %parallel_loop3A_233 : vector<16xi1>, vector<16xf32>
        %parallel_loop3A_235 = arith.addf %parallel_loop3A_168, %parallel_loop3A_234 : vector<16xf32>
        %parallel_loop3A_236 = arith.extui %parallel_loop3A_231 : vector<16xi1> to vector<16xi32>
        %parallel_loop3A_237 = arith.addi %parallel_loop3A_169, %parallel_loop3A_236 : vector<16xi32>
        %parallel_loop3A_238 = arith.constant 8 : i32
        %parallel_loop3A_239 = arith.muli %parallel_loop3A_161, %parallel_loop3A_238 : i32
        %parallel_loop3A_240 = arith.constant 4 : i32
        %parallel_loop3A_241 = arith.addi %parallel_loop3A_239, %parallel_loop3A_240 : i32
        %parallel_loop3A_242 = arith.index_cast %parallel_loop3A_241 : i32 to index
        %parallel_loop3A_243 = arith.constant 0 : index
        %parallel_loop3A_244 = tpu.vector_load %arg5[%parallel_loop3A_242, %parallel_loop3A_243] {strides = array<i32>} : memref<256x16xf32, #tpu.memory_space<vmem>>, vector<16xf32>,
        %parallel_loop3A_245 = tpu.bitcast %parallel_loop3A_244 : vector<16xf32> -> vector<16xi32>
        %parallel_loop3A_246 = arith.cmpi sgt, %parallel_loop3A_245, %scan3A_123#0 : vector<16xi32>
        %parallel_loop3A_247 = arith.constant 0.000000e+00 : f32
        %parallel_loop3A_248 = vector.broadcast %parallel_loop3A_247 : f32 to vector<16xf32>
        %parallel_loop3A_249 = arith.select %parallel_loop3A_246, %parallel_loop3A_244, %parallel_loop3A_248 : vector<16xi1>, vector<16xf32>
        %parallel_loop3A_250 = arith.addf %parallel_loop3A_170, %parallel_loop3A_249 : vector<16xf32>
        %parallel_loop3A_251 = arith.extui %parallel_loop3A_246 : vector<16xi1> to vector<16xi32>
        %parallel_loop3A_252 = arith.addi %parallel_loop3A_171, %parallel_loop3A_251 : vector<16xi32>
        %parallel_loop3A_253 = arith.constant 8 : i32
        %parallel_loop3A_254 = arith.muli %parallel_loop3A_161, %parallel_loop3A_253 : i32
        %parallel_loop3A_255 = arith.constant 5 : i32
        %parallel_loop3A_256 = arith.addi %parallel_loop3A_254, %parallel_loop3A_255 : i32
        %parallel_loop3A_257 = arith.index_cast %parallel_loop3A_256 : i32 to index
        %parallel_loop3A_258 = arith.constant 0 : index
        %parallel_loop3A_259 = tpu.vector_load %arg5[%parallel_loop3A_257, %parallel_loop3A_258] {strides = array<i32>} : memref<256x16xf32, #tpu.memory_space<vmem>>, vector<16xf32>,
        %parallel_loop3A_260 = tpu.bitcast %parallel_loop3A_259 : vector<16xf32> -> vector<16xi32>
        %parallel_loop3A_261 = arith.cmpi sgt, %parallel_loop3A_260, %scan3A_123#0 : vector<16xi32>
        %parallel_loop3A_262 = arith.constant 0.000000e+00 : f32
        %parallel_loop3A_263 = vector.broadcast %parallel_loop3A_262 : f32 to vector<16xf32>
        %parallel_loop3A_264 = arith.select %parallel_loop3A_261, %parallel_loop3A_259, %parallel_loop3A_263 : vector<16xi1>, vector<16xf32>
        %parallel_loop3A_265 = arith.addf %parallel_loop3A_172, %parallel_loop3A_264 : vector<16xf32>
        %parallel_loop3A_266 = arith.extui %parallel_loop3A_261 : vector<16xi1> to vector<16xi32>
        %parallel_loop3A_267 = arith.addi %parallel_loop3A_173, %parallel_loop3A_266 : vector<16xi32>
        %parallel_loop3A_268 = arith.constant 8 : i32
        %parallel_loop3A_269 = arith.muli %parallel_loop3A_161, %parallel_loop3A_268 : i32
        %parallel_loop3A_270 = arith.constant 6 : i32
        %parallel_loop3A_271 = arith.addi %parallel_loop3A_269, %parallel_loop3A_270 : i32
        %parallel_loop3A_272 = arith.index_cast %parallel_loop3A_271 : i32 to index
        %parallel_loop3A_273 = arith.constant 0 : index
        %parallel_loop3A_274 = tpu.vector_load %arg5[%parallel_loop3A_272, %parallel_loop3A_273] {strides = array<i32>} : memref<256x16xf32, #tpu.memory_space<vmem>>, vector<16xf32>,
        %parallel_loop3A_275 = tpu.bitcast %parallel_loop3A_274 : vector<16xf32> -> vector<16xi32>
        %parallel_loop3A_276 = arith.cmpi sgt, %parallel_loop3A_275, %scan3A_123#0 : vector<16xi32>
        %parallel_loop3A_277 = arith.constant 0.000000e+00 : f32
        %parallel_loop3A_278 = vector.broadcast %parallel_loop3A_277 : f32 to vector<16xf32>
        %parallel_loop3A_279 = arith.select %parallel_loop3A_276, %parallel_loop3A_274, %parallel_loop3A_278 : vector<16xi1>, vector<16xf32>
        %parallel_loop3A_280 = arith.addf %parallel_loop3A_174, %parallel_loop3A_279 : vector<16xf32>
        %parallel_loop3A_281 = arith.extui %parallel_loop3A_276 : vector<16xi1> to vector<16xi32>
        %parallel_loop3A_282 = arith.addi %parallel_loop3A_175, %parallel_loop3A_281 : vector<16xi32>
        %parallel_loop3A_283 = arith.constant 8 : i32
        %parallel_loop3A_284 = arith.muli %parallel_loop3A_161, %parallel_loop3A_283 : i32
        %parallel_loop3A_285 = arith.constant 7 : i32
        %parallel_loop3A_286 = arith.addi %parallel_loop3A_284, %parallel_loop3A_285 : i32
        %parallel_loop3A_287 = arith.index_cast %parallel_loop3A_286 : i32 to index
        %parallel_loop3A_288 = arith.constant 0 : index
        %parallel_loop3A_289 = tpu.vector_load %arg5[%parallel_loop3A_287, %parallel_loop3A_288] {strides = array<i32>} : memref<256x16xf32, #tpu.memory_space<vmem>>, vector<16xf32>,
        %parallel_loop3A_290 = tpu.bitcast %parallel_loop3A_289 : vector<16xf32> -> vector<16xi32>
        %parallel_loop3A_291 = arith.cmpi sgt, %parallel_loop3A_290, %scan3A_123#0 : vector<16xi32>
        %parallel_loop3A_292 = arith.constant 0.000000e+00 : f32
        %parallel_loop3A_293 = vector.broadcast %parallel_loop3A_292 : f32 to vector<16xf32>
        %parallel_loop3A_294 = arith.select %parallel_loop3A_291, %parallel_loop3A_289, %parallel_loop3A_293 : vector<16xi1>, vector<16xf32>
        %parallel_loop3A_295 = arith.addf %parallel_loop3A_176, %parallel_loop3A_294 : vector<16xf32>
        %parallel_loop3A_296 = arith.extui %parallel_loop3A_291 : vector<16xi1> to vector<16xi32>
        %parallel_loop3A_297 = arith.addi %parallel_loop3A_177, %parallel_loop3A_296 : vector<16xi32>
        scf.yield %parallel_loop3A_190, %parallel_loop3A_192, %parallel_loop3A_205, %parallel_loop3A_207, %parallel_loop3A_220, %parallel_loop3A_222, %parallel_loop3A_235, %parallel_loop3A_237, %parallel_loop3A_250, %parallel_loop3A_252, %parallel_loop3A_265, %parallel_loop3A_267, %parallel_loop3A_280, %parallel_loop3A_282, %parallel_loop3A_295, %parallel_loop3A_297 : vector<16xf32>, vector<16xi32>, vector<16xf32>, vector<16xi32>, vector<16xf32>, vector<16xi32>, vector<16xf32>, vector<16xi32>, vector<16xf32>, vector<16xi32>, vector<16xf32>, vector<16xi32>, vector<16xf32>, vector<16xi32>, vector<16xf32>, vector<16xi32>
      } {sc.loop_unroll_factor = 2 : i64, sc.parallel_access}
      %add3A_133 = arith.addf %parallel_loop3A_132#0, %parallel_loop3A_132#2 : vector<16xf32>
      %add3A_134 = arith.addi %parallel_loop3A_132#1, %parallel_loop3A_132#3 : vector<16xi32>
      %add3A_135 = arith.addf %add3A_133, %parallel_loop3A_132#4 : vector<16xf32>
      %add3A_136 = arith.addi %add3A_134, %parallel_loop3A_132#5 : vector<16xi32>
      %add3A_137 = arith.addf %add3A_135, %parallel_loop3A_132#6 : vector<16xf32>
      %add3A_138 = arith.addi %add3A_136, %parallel_loop3A_132#7 : vector<16xi32>
      %add3A_139 = arith.addf %add3A_137, %parallel_loop3A_132#8 : vector<16xf32>
      %add3A_140 = arith.addi %add3A_138, %parallel_loop3A_132#9 : vector<16xi32>
      %add3A_141 = arith.addf %add3A_139, %parallel_loop3A_132#10 : vector<16xf32>
      %add3A_142 = arith.addi %add3A_140, %parallel_loop3A_132#11 : vector<16xi32>
      %add3A_143 = arith.addf %add3A_141, %parallel_loop3A_132#12 : vector<16xf32>
      %add3A_144 = arith.addi %add3A_142, %parallel_loop3A_132#13 : vector<16xi32>
      %add3A_145 = arith.addf %add3A_143, %parallel_loop3A_132#14 : vector<16xf32>
      %add3A_146 = arith.addi %add3A_144, %parallel_loop3A_132#15 : vector<16xi32>
      %sub3A = arith.constant 64 : i32
      %sub3A_147 = vector.broadcast %sub3A : i32 to vector<16xi32>
      %sub3A_148 = arith.subi %sub3A_147, %add3A_146 : vector<16xi32>
      %convert_element_type3A_149 = arith.sitofp %sub3A_148 : vector<16xi32> to vector<16xf32>
      %mul3A_150 = arith.mulf %convert_element_type3A_149, %bitcast_convert_type3A_125 : vector<16xf32>
      %add3A_151 = arith.addf %add3A_145, %mul3A_150 : vector<16xf32>
      %lt3A_152 = arith.constant 64 : i32
      %lt3A_153 = vector.broadcast %lt3A_152 : i32 to vector<16xi32>
      %lt3A_154 = arith.cmpi slt, %scan3A_95#0, %lt3A_153 : vector<16xi32>
      %gt3A = arith.constant 256 : i32
      %gt3A_155 = vector.broadcast %gt3A : i32 to vector<16xi32>
      %gt3A_156 = arith.cmpi sgt, %scan3A_95#0, %gt3A_155 : vector<16xi32>
      %or3A = arith.ori %lt3A_154, %gt3A_156 : vector<16xi1>
      %select_n3A = arith.select %or3A, %scan3A_95#1, %add3A_151 : vector<16xi1>, vector<16xf32>
      %mul3A_157 = arith.constant 16 : i32
      %mul3A_158 = arith.muli %scan3A_41, %mul3A_157 : i32
      %swap3A = arith.index_cast %mul3A_158 : i32 to index
      %swap3A_159 = tpu.vector_load %arg6[%swap3A] {strides = array<i32>} : memref<128xf32, #tpu.memory_space<vmem>>, vector<16xf32>,
      tpu.vector_store %arg6[%swap3A], %select_n3A {strides = array<i32>} : memref<128xf32, #tpu.memory_space<vmem>>, vector<16xf32>,
      %scan3A_160 = arith.constant 0 : i32
      scf.yield %scan3A_160 : i32
    }
    %scan3A_38 = arith.constant 8 : i32
    %mul3A_39 = arith.constant 128 : i32
    %mul3A_40 = arith.muli %add3A, %mul3A_39 : i32
    "tpu.region"() ({
      %run_scoped3A = tpu.sem_alloc : memref<!tpu.dma_semaphore, #tpu.memory_space<semaphore_mem>>
      %dma_start3A_41 = tpu.memref_slice %arg3[%mul3A_40] : memref<4096xf32, #tpu.memory_space<hbm>> -> memref<128xf32, #tpu.memory_space<hbm>>
      %dma_start3A_42 = tpu.memref_slice %arg3[%mul3A_40] : memref<4096xf32, #tpu.memory_space<hbm>> -> memref<128xf32, #tpu.memory_space<hbm>>
      tpu.enqueue_dma source(%arg6 : memref<128xf32, #tpu.memory_space<vmem>>) target(%dma_start3A_42 : memref<128xf32, #tpu.memory_space<hbm>>) target_semaphore(%run_scoped3A : memref<!tpu.dma_semaphore, #tpu.memory_space<semaphore_mem>>)
      %dma_wait3A = tpu.memref_slice %arg3[%mul3A_40] : memref<4096xf32, #tpu.memory_space<hbm>> -> memref<128xf32, #tpu.memory_space<hbm>>
      %dma_wait3A_43 = tpu.memref_slice %arg3[%mul3A_40] : memref<4096xf32, #tpu.memory_space<hbm>> -> memref<128xf32, #tpu.memory_space<hbm>>
      tpu.wait_dma2 semaphore(%run_scoped3A : memref<!tpu.dma_semaphore, #tpu.memory_space<semaphore_mem>>) src(%arg6 : memref<128xf32, #tpu.memory_space<vmem>>) dst(%dma_wait3A_43 : memref<128xf32, #tpu.memory_space<hbm>>)
      tpu.yield
    }) : () -> ()
    return
  }
}

module attributes {stable_mosaic.version = 14 : i64} {
  func.func @_nor_deg_kernel(%arg0: i32, %arg1: memref<1x256x4096xf32, #tpu.memory_space<vmem>>, %arg2: memref<1x1x256xf32, #tpu.memory_space<vmem>>) attributes {dimension_semantics = [#tpu.dimension_semantics<arbitrary>], iteration_bounds = array<i64: 16>, scalar_prefetch = 0 : i64, scratch_operands = 0 : i64, tpu.core_type = #tpu.core_type<tc>, window_params = [{transform_indices = @transform_0, window_bounds = array<i64: 1, 256, 4096>}, {transform_indices = @transform_1, window_bounds = array<i64: 1, 1, 256>}]} {
    %get3A = arith.constant 0 : index
    %get3A_0 = arith.constant 0 : index
    %get3A_1 = arith.constant 0 : index
    %get3A_2 = vector.load %arg1[%get3A, %get3A_0, %get3A_1] : memref<1x256x4096xf32, #tpu.memory_space<vmem>>, vector<1x256x4096xf32>
    %get3A_3 = vector.shape_cast %get3A_2 : vector<1x256x4096xf32> to vector<256x4096xf32>
    %ge3A = arith.constant 5.000000e-01 : f32
    %ge3A_4 = vector.broadcast %ge3A : f32 to vector<256x4096xf32>
    %ge3A_5 = arith.cmpf oge, %get3A_3, %ge3A_4 : vector<256x4096xf32>
    %jit3A = arith.constant 0.000000e+00 : f32
    %broadcast_in_dim3A = vector.broadcast %jit3A : f32 to vector<256x4096xf32>
    %select_n3A = arith.select %ge3A_5, %get3A_3, %broadcast_in_dim3A : vector<256x4096xi1>, vector<256x4096xf32>
    %reduce_sum3A = arith.constant dense<0.000000e+00> : vector<256xf32>
    %reduce_sum3A_6 = vector.multi_reduction <add>, %select_n3A, %reduce_sum3A [1] : vector<256x4096xf32> to vector<256xf32>
    %swap3A = arith.constant 0 : index
    %swap3A_7 = arith.constant 0 : index
    %swap3A_8 = arith.constant 0 : index
    %swap3A_9 = vector.load %arg2[%swap3A, %swap3A_7, %swap3A_8] : memref<1x1x256xf32, #tpu.memory_space<vmem>>, vector<1x1x256xf32>
    %swap3A_10 = vector.shape_cast %swap3A_9 : vector<1x1x256xf32> to vector<256xf32>
    %swap3A_11 = vector.shape_cast %reduce_sum3A_6 : vector<256xf32> to vector<1x1x256xf32>
    tpu.vector_store %arg2[%swap3A, %swap3A_7, %swap3A_8], %swap3A_11 {strides = array<i32>} : memref<1x1x256xf32, #tpu.memory_space<vmem>>, vector<1x1x256xf32>,
    return
  }
  func.func @transform_0(%arg0: i32) -> (i32, i32, i32) {
    %c0_i32 = arith.constant 0 : i32
    %c0_i32_0 = arith.constant 0 : i32
    %c0_i32_1 = arith.constant 0 : i32
    return %arg0, %c0_i32, %c0_i32_0 : i32, i32, i32
  }
  func.func @transform_1(%arg0: i32) -> (i32, i32, i32) {
    %c0_i32 = arith.constant 0 : i32
    %c0_i32_0 = arith.constant 0 : i32
    %c0_i32_1 = arith.constant 0 : i32
    return %arg0, %c0_i32, %c0_i32_0 : i32, i32, i32
  }
}

module attributes {stable_mosaic.version = 14 : i64} {
  func.func @_loss_kernel(%arg0: memref<16x256xf32, #tpu.memory_space<vmem>>, %arg1: memref<16x256xf32, #tpu.memory_space<vmem>>, %arg2: memref<1x1xf32, #tpu.memory_space<vmem>>) attributes {dimension_semantics = [], scalar_prefetch = 0 : i64, scratch_operands = 0 : i64, tpu.core_type = #tpu.core_type<tc>} {
    %get3A = arith.constant 0 : index
    %get3A_0 = arith.constant 0 : index
    %get3A_1 = vector.load %arg0[%get3A, %get3A_0] : memref<16x256xf32, #tpu.memory_space<vmem>>, vector<16x256xf32>
    %reduce_sum3A = arith.constant dense<0.000000e+00> : vector<16xf32>
    %reduce_sum3A_2 = vector.multi_reduction <add>, %get3A_1, %reduce_sum3A [1] : vector<16x256xf32> to vector<16xf32>
    %broadcast_in_dim3A = vector.shape_cast %reduce_sum3A_2 : vector<16xf32> to vector<16x1xf32>
    %div3A = arith.constant 2.560000e+02 : f32
    %div3A_3 = vector.broadcast %div3A : f32 to vector<16x1xf32>
    %div3A_4 = arith.divf %broadcast_in_dim3A, %div3A_3 : vector<16x1xf32>
    %sub3A = vector.broadcast %div3A_4 : vector<16x1xf32> to vector<16x256xf32>
    %sub3A_5 = arith.subf %get3A_1, %sub3A : vector<16x256xf32>
    %mul3A = arith.mulf %sub3A_5, %sub3A_5 : vector<16x256xf32>
    %reduce_sum3A_6 = arith.constant dense<0.000000e+00> : vector<16xf32>
    %reduce_sum3A_7 = vector.multi_reduction <add>, %mul3A, %reduce_sum3A_6 [1] : vector<16x256xf32> to vector<16xf32>
    %broadcast_in_dim3A_8 = vector.shape_cast %reduce_sum3A_7 : vector<16xf32> to vector<16x1xf32>
    %div3A_9 = arith.constant 2.550000e+02 : f32
    %div3A_10 = vector.broadcast %div3A_9 : f32 to vector<16x1xf32>
    %div3A_11 = arith.divf %broadcast_in_dim3A_8, %div3A_10 : vector<16x1xf32>
    %get3A_12 = arith.constant 0 : index
    %get3A_13 = arith.constant 0 : index
    %get3A_14 = vector.load %arg1[%get3A_12, %get3A_13] : memref<16x256xf32, #tpu.memory_space<vmem>>, vector<16x256xf32>
    %reduce_sum3A_15 = arith.constant dense<0.000000e+00> : vector<16xf32>
    %reduce_sum3A_16 = vector.multi_reduction <add>, %get3A_14, %reduce_sum3A_15 [1] : vector<16x256xf32> to vector<16xf32>
    %broadcast_in_dim3A_17 = vector.shape_cast %reduce_sum3A_16 : vector<16xf32> to vector<16x1xf32>
    %div3A_18 = arith.constant 2.560000e+02 : f32
    %div3A_19 = vector.broadcast %div3A_18 : f32 to vector<16x1xf32>
    %div3A_20 = arith.divf %broadcast_in_dim3A_17, %div3A_19 : vector<16x1xf32>
    %sub3A_21 = vector.broadcast %div3A_20 : vector<16x1xf32> to vector<16x256xf32>
    %sub3A_22 = arith.subf %get3A_14, %sub3A_21 : vector<16x256xf32>
    %mul3A_23 = arith.mulf %sub3A_22, %sub3A_22 : vector<16x256xf32>
    %reduce_sum3A_24 = arith.constant dense<0.000000e+00> : vector<16xf32>
    %reduce_sum3A_25 = vector.multi_reduction <add>, %mul3A_23, %reduce_sum3A_24 [1] : vector<16x256xf32> to vector<16xf32>
    %broadcast_in_dim3A_26 = vector.shape_cast %reduce_sum3A_25 : vector<16xf32> to vector<16x1xf32>
    %div3A_27 = arith.constant 2.550000e+02 : f32
    %div3A_28 = vector.broadcast %div3A_27 : f32 to vector<16x1xf32>
    %div3A_29 = arith.divf %broadcast_in_dim3A_26, %div3A_28 : vector<16x1xf32>
    %reduce_sum3A_30 = vector.shape_cast %div3A_11 : vector<16x1xf32> to vector<1x16x1xf32>
    %reduce_sum3A_31 = arith.constant dense<0.000000e+00> : vector<1xf32>
    %reduce_sum3A_32 = vector.multi_reduction <add>, %reduce_sum3A_30, %reduce_sum3A_31 [1, 2] : vector<1x16x1xf32> to vector<1xf32>
    %reduce_sum3A_33 = vector.shape_cast %reduce_sum3A_32 : vector<1xf32> to vector<1x1x1xf32>
    %reduce_sum3A_34 = vector.extract %reduce_sum3A_33[0, 0, 0] : f32 from vector<1x1x1xf32>
    %broadcast_in_dim3A_35 = vector.broadcast %reduce_sum3A_34 : f32 to vector<1x1xf32>
    %reduce_sum3A_36 = vector.shape_cast %div3A_29 : vector<16x1xf32> to vector<1x16x1xf32>
    %reduce_sum3A_37 = arith.constant dense<0.000000e+00> : vector<1xf32>
    %reduce_sum3A_38 = vector.multi_reduction <add>, %reduce_sum3A_36, %reduce_sum3A_37 [1, 2] : vector<1x16x1xf32> to vector<1xf32>
    %reduce_sum3A_39 = vector.shape_cast %reduce_sum3A_38 : vector<1xf32> to vector<1x1x1xf32>
    %reduce_sum3A_40 = vector.extract %reduce_sum3A_39[0, 0, 0] : f32 from vector<1x1x1xf32>
    %broadcast_in_dim3A_41 = vector.broadcast %reduce_sum3A_40 : f32 to vector<1x1xf32>
    %sub3A_42 = arith.subf %broadcast_in_dim3A_35, %broadcast_in_dim3A_41 : vector<1x1xf32>
    %div3A_43 = arith.constant 1.600000e+01 : f32
    %div3A_44 = vector.broadcast %div3A_43 : f32 to vector<1x1xf32>
    %div3A_45 = arith.divf %sub3A_42, %div3A_44 : vector<1x1xf32>
    %swap3A = arith.constant 0 : index
    %swap3A_46 = arith.constant 0 : index
    %swap3A_47 = vector.load %arg2[%swap3A, %swap3A_46] : memref<1x1xf32, #tpu.memory_space<vmem>>, vector<1x1xf32>
    tpu.vector_store %arg2[%swap3A, %swap3A_46], %div3A_45 {strides = array<i32>} : memref<1x1xf32, #tpu.memory_space<vmem>>, vector<1x1xf32>,
    return
  }
}

</mosaic_0001>

<sc_bundles>
// kernel: kernel.5.cloned.1.call-start
scs
__scs_entry_jumppad:
0x0: {  	(pc) =	sbr.rel $0x88, $3  }
0x1: {  	(tag) =	ssettag $0x0;
	lr =	simm.s32 $0x1  }
0x2: {  	[smem:$0x3FA0] =	sst lr;
	_ =	strace $0xD0000000  }
0x3: {  	_ = 	snop  }
0x4: {  	_ = 	snop  }
0x5: {  	_ = 	snop  }
0x6: {  	_ = 	snop  }
0x7: {  	_ = 	snop  }
__scs_overlays_trampoline_lowered:
0x8: {  	[smem:$0x3FAF] =	sst s0  }
0x9: {  	[smem:$0x3FB0] =	sst s1  }
0xa: {  	[smem:$0x3FB1] =	sst s2  }
0xb: {  	[smem:$0x3FB2] =	sst s3  }
0xc: {  	[smem:$0x3FB3] =	sst s4  }
0xd: {  	[smem:$0x3FB4] =	sst s5  }
0xe: {  	[smem:$0x3FB5] =	sst s6  }
0xf: {  	[smem:$0x3FB6] =	sst s7  }
0x10: {  	[smem:$0x3FB7] =	sst s8  }
0x11: {  	[smem:$0x3FB8] =	sst s9;
	s0 =	simm.s32 @!p0 $0x0  }
0x12: {  	s1 =	sld [smem:$0x3F9E];
	s0 =	simm.s32 @p0 $0x1  }
0x13: {  	[smem:$0x3FB9] =	sst s0;
	s0 =	simm.s32 @!p1 $0x0  }
0x14: {  	s2 =	sld [smem:$0x3F9D];
	s0 =	simm.s32 @p1 $0x1  }
0x15: {  	[smem:$0x3FBA] =	sst s0;
	s0 =	simm.s32 @!p2 $0x0  }
0x16: {  	s3 =	sld [smem:$0x3FDB];
	s0 =	simm.s32 @p2 $0x1  }
0x17: {  	s4 =	simm.s32 $0x1BF5;
	[smem:$0x3FBC] =	sst s0  }
0x18: {  	s0 =	sld [smem:$0x3F9F];
	_ =	swait.ge [sflag:s4], $0x0  }
0x19: {  	s7 =	sld [smem:$0x3FA0]  }
0x1a: {  	s8 =	sadd.s32 $0xFFFFE003, lr  }
0x1b: {  	s9 =	sadd.s32 $0xFFFFFEF7, lr;
	s5 =	simm.s32 $0xFFFFFFFF;
	p2 =	slt.u32 s8, $0xFFFFF086  }
0x1c: {  	p1 =	slt.u32 s9, $0xF7A;
	s5 =	simm.s32 @!p2 $0x0  }
0x1d: {  	s5 =	simm.s32 @p1 $0x1;
	p0 =	seq.s32 s7, s2  }
0x1e: {  	s7 =	smul.u32 @!p0 $0xF7A, s2;
	p2 =	seq.s32 @!p0 s5, $0x0  }
0x1f: {  	s9 =	smul.u32 $0xF7A, s1;
	s8 =	simm.s32 @!p0 $0x1BF5;
	p2 =	por !p2, p0  }
0x20: {  	[sflag:s8] =	ssyncset.s32 @!p0 $0xFFFFF086;
	s6 =	sadd.s32 @!p0 s3, s7;
	s7 =	simm.s32 @!p0 $0x108  }
0x21: {  	s3 =	sadd.s32 s3, s9;
	s6 =	sadd.s32 @!p0 $0x88, s6;
	s7 =	simm.s32 @p2 $0x1082  }
0x22: {  	[simem:s7], [sflag:s8] =	dma.local @!p0 [hbm:s6], $0xF7A  }
0x23: {  	s9 =	sor.u32 $0xD0000000, s2;
	s6 =	simm.s32 $0x108;
	_ =	swait.ge @!p0 [sflag:s8], $0x0  }
0x24: {  	s3 =	sadd.s32 $0x88, s3;
	s6 =	simm.s32 @!p1 $0x1082;
	[sflag:s4] =	ssyncset.s32 $0xFFFFF086  }
0x25: {  	[simem:s6], [sflag:s4] =	dma.local [hbm:s3], $0xF7A  }
0x26: {  	[smem:$0x3FA0] =	sst s1;
	(tag) =	ssettag s2;
	_ =	strace s9  }
0x27: {  	s1 =	sld [smem:$0x3FB0]  }
0x28: {  	s2 =	sld [smem:$0x3FB1]  }
0x29: {  	s4 =	sld [smem:$0x3FB3]  }
0x2a: {  	p0 =	seq.s32 s5, $0x0;
	s5 =	sld [smem:$0x3FB4]  }
0x2b: {  	s6 =	sld [smem:$0x3FB5]  }
0x2c: {  	s7 =	sld [smem:$0x3FB6]  }
0x2d: {  	s3 =	simm.s32 $0x108;
	s8 =	sld [smem:$0x3FB7]  }
0x2e: {  	s3 =	simm.s32 @!p0 $0x1082;
	s9 =	sld [smem:$0x3FB8]  }
0x2f: {  	lr =	sadd.s32 s0, s3;
	s0 =	sld [smem:$0x3FAF]  }
0x30: {  	s3 =	sld [smem:$0x3FB2]  }
0x31: {  	[smem:$0x3FBB] =	sst s10  }
0x32: {  	s10 =	sld [smem:$0x3FB9];
	_ =	sdelay $0x3  }
0x33: {  	p0 =	seq.s32 s10, $0x1;
	s10 =	sld [smem:$0x3FBB];
	_ =	sdelay $0x3  }
0x34: {  	[smem:$0x3FBB] =	sst s10  }
0x35: {  	s10 =	sld [smem:$0x3FBA];
	_ =	sdelay $0x3  }
0x36: {  	p1 =	seq.s32 s10, $0x1;
	s10 =	sld [smem:$0x3FBB];
	_ =	sdelay $0x3  }
0x37: {  	[smem:$0x3FBB] =	sst s10  }
0x38: {  	s10 =	sld [smem:$0x3FBC]  }
0x39: {  	_ = 	snop;
	(pc) =	sbr.ind lr, $3  }
0x3a: {  	_ = 	snop  }
0x3b: {  	_ = 	snop  }
0x3c: {  	p2 =	seq.s32 s10, $0x1;
	s10 =	sld [smem:$0x3FBB]  }
0x3d: {  	_ =	shalt  }
0x3e: {  	_ =	shalt  }
0x3f: {  	_ =	shalt  }
0x40: {  	_ =	shalt  }
0x41: {  	_ =	shalt  }
0x42: {  	_ =	shalt  }
0x43: {  	_ =	shalt  }
0x44: {  	_ =	shalt  }
0x45: {  	_ =	shalt  }
0x46: {  	_ =	shalt  }
0x47: {  	_ =	shalt  }
0x48: {  	_ =	shalt  }
0x49: {  	_ =	shalt  }
0x4a: {  	_ =	shalt  }
0x4b: {  	_ =	shalt  }
0x4c: {  	_ =	shalt  }
0x4d: {  	_ =	shalt  }
0x4e: {  	_ =	shalt  }
0x4f: {  	_ =	shalt  }
0x50: {  	_ =	shalt  }
0x51: {  	_ =	shalt  }
0x52: {  	_ =	shalt  }
0x53: {  	_ =	shalt  }
0x54: {  	_ =	shalt  }
0x55: {  	_ =	shalt  }
0x56: {  	_ =	shalt  }
0x57: {  	_ =	shalt  }
0x58: {  	_ =	shalt  }
0x59: {  	_ =	shalt  }
0x5a: {  	_ =	shalt  }
0x5b: {  	_ =	shalt  }
0x5c: {  	_ =	shalt  }
0x5d: {  	_ =	shalt  }
0x5e: {  	_ =	shalt  }
0x5f: {  	_ =	shalt  }
0x60: {  	_ =	shalt  }
0x61: {  	_ =	shalt  }
0x62: {  	_ =	shalt  }
0x63: {  	_ =	shalt  }
0x64: {  	_ =	shalt  }
0x65: {  	_ =	shalt  }
0x66: {  	_ =	shalt  }
0x67: {  	_ =	shalt  }
0x68: {  	_ =	shalt  }
0x69: {  	_ =	shalt  }
0x6a: {  	_ =	shalt  }
0x6b: {  	_ =	shalt  }
0x6c: {  	_ =	shalt  }
0x6d: {  	_ =	shalt  }
0x6e: {  	_ =	shalt  }
0x6f: {  	_ =	shalt  }
0x70: {  	_ =	shalt  }
0x71: {  	_ =	shalt  }
0x72: {  	_ =	shalt  }
0x73: {  	_ =	shalt  }
0x74: {  	_ =	shalt  }
0x75: {  	_ =	shalt  }
0x76: {  	_ =	shalt  }
0x77: {  	_ =	shalt  }
0x78: {  	_ =	shalt  }
0x79: {  	_ =	shalt  }
0x7a: {  	_ =	shalt  }
0x7b: {  	_ =	shalt  }
0x7c: {  	_ =	shalt  }
0x7d: {  	_ =	shalt  }
0x7e: {  	_ =	shalt  }
0x7f: {  	_ =	shalt  }
0x80: {  	_ =	shalt  }
0x81: {  	_ =	shalt  }
0x82: {  	_ =	shalt  }
0x83: {  	_ =	shalt  }
0x84: {  	_ =	shalt  }
0x85: {  	_ =	shalt  }
0x86: {  	_ =	shalt  }
0x87: {  	_ =	shalt  }
.Lfunc_end0:
.L_simem_size_0:
called_computation_lowered:
.L_overlay_start_0:
0x88: {  	s2 =	sld [smem:$0x3FD9]  }
0x89: {  	s3 =	sld [smem:$0x3FFE];
	_ =	sdelay $0x1  }
0x8a: {  	s1 =	srdreg.scid  }
0x8b: {  	s0 =	sand.u32 $0x1, s1  }
0x8c: {  	s17 =	sshll.u32 s0, $0xA;
	s2 =	sadd.s32 s3, s2  }
0x8d: {  	s2 =	sadd.s32 s2, s17  }
0x8e: {  	[smem:$0x3FC7] =	sst s2  }
0x8f: {  	_ = 	snop  }
0x90: {  	s2 =	sld [smem:$0x3FC9];
	(tm) =	ssettm $0x1  }
0x91: {  	s18 =	sld [smem:$0x3FFB];
	_ =	sdelay $0x3  }
0x92: {  	_ =	strace s18  }
0x93: {  	s3 =	sld [smem:$0x3FFC];
	_ =	sdelay $0x3  }
0x94: {  	_ =	strace s3  }
0x95: {  	s3 =	sld [smem:$0x3FFD];
	_ =	sdelay $0x3  }
0x96: {  	_ =	strace s3  }
0x97: {  	_ =	strace $0x8FFFFFFF  }
0x98: {  	s19 =	sld [smem:$0x3FDB];
	_ =	sdelay $0x1  }
0x99: {  	s4 =	simm.s32 $_scs_section_size  }
0x9a: {  	s5 =	simm.s32 $_size__tile_overlayer_lowered;
	s6 =	simm.s32 $_tile_overlayer_lowered  }
0x9b: {  	s22 =	simm.s32 $0x1BFF;
	s21 =	sshll.u32 s6, $0x1;
	s3 =	sadd.s32 s4, s19  }
0x9c: {  	s7 =	simm.s32 $0x0;
	s20 =	sshll.u32 s5, $0x1;
	s5 =	sadd.s32 s21, s3  }
0x9d: {  	[timem:s7], [sflag:s22] =	dma.local [hbm:s5], s20  }
0x9e: {  	_ =	swait.ge [sflag:s22], s20  }
0x9f: {  	s4 =	ssub.s32 $0x0, s20;
	[sflag:s22] =	ssyncset.done $0x0  }
0xa0: {  	[sflag:s22] =	ssyncadd.s32 s4;
	_ =	sdelay $0x1  }
0xa1: {  	s23 =	simm.s32 $0x1B8B  }
0xa2: {  	_ =	swait.ge [sflag:s23], $0x1  }
0xa3: {  	[sflag:s23] =	ssyncset.done $0x0  }
0xa4: {  	s25 =	simm.s32 $0x1B8E;
	s24 =	sld [smem:$0x3FFE];
	[sflag:s23] =	ssyncadd.s32 $0xFFFFFFFF  }
0xa5: {  	s26 =	simm.s32 $execute0_lowered;
	[smem:$0x3FD2] =	sst s25  }
0xa6: {  	s5 =	sshll.u32 s26, $0x1;
	_ =	strace $0x80000046;
	[dreg:$0x1] =	wrdreg $0xFFFFFFFF  }
0xa7: {  	s28 =	simm.s32 $_size_execute0_lowered;
	s3 =	sadd.s32 s3, s5;
	[dreg:$0x0] =	wrdreg $0x0  }
0xa8: {  	s5 =	sshll.u32 s28, $0x1;
	[dreg:$0x2] =	wrdreg s3  }
0xa9: {  	[dreg:$0x3] =	wrdreg s5  }
0xaa: {  	[dreg:$0x4] =	wrdreg $0xC0  }
0xab: {  	_ =	task [dreg:s7], $0x5FFFF  }
0xac: {  	[dreg:$0x1] =	wrdreg $0xFFFFFFFF  }
0xad: {  	[dreg:$0x0] =	wrdreg $0x60  }
0xae: {  	[dreg:$0x2] =	wrdreg s2  }
0xaf: {  	[dreg:$0x3] =	wrdreg s24  }
0xb0: {  	[dreg:$0x4] =	wrdreg $0x9  }
0xb1: {  	_ =	task.clear_ibuf [dreg:s7], $0x5FFFF;
	_ =	strace $0x90000046  }
0xb2: {  	s29 =	simm.s32 $0x9;
	_ =	strace $0x80000048  }
0xb3: {  	_ =	swait.ge [sflag:s29], $0x1  }
0xb4: {  	[sflag:s29] =	ssyncadd.s32 $0xFFFFFFFF  }
0xb5: {  	_ =	strace $0x90000048  }
0xb6: {  	_ =	sfence  }
0xb7: {  	s30 =	sld [smem:$0x0];
	_ =	sdelay $0x2  }
0xb8: {  	s31 =	sshll.u32 s1, $0xD;
	s1 =	sshrl.u32 s1, $0x2  }
0xb9: {  	s3 =	sand.u32 $0x4000, s31;
	s1 =	sadd.s32 s1, s30  }
0xba: {  	s0 =	sor.u32 s3, s0;
	s1 =	sshll.u32 s1, $0x11  }
0xbb: {  	s0 =	sor.u32 s1, s0  }
0xbc: {  	s0 =	sadd.s32 $0x8F2B, s0  }
0xbd: {  	[sflag:s0] =	ssyncadd.remote.s32 $0x1  }
0xbe: {  	_ =	sfence.sel $0xFFFF  }
0xbf: {  	[dreg:$0x0] =	wrdreg $0xFFFFFFFF;
	(pc) =	sbr.abs _section_cstart, $3  }
0xc0: {  	[dreg:$0x1] =	wrdreg $0xFFFFFFFF  }
0xc1: {  	_ =	task.clear_ibuf [dreg:s7], $0x2FFFF;
	_ =	strace $0x9FFFFFFF  }
0xc2: {  	(tm) =	ssettm $0x7FFFFFFF  }
0xc3: {  	_ =	shalt  }
tec
execute0_lowered:
.L_overlay_start_1:
0x0: {  	(tag) =	ssettag $0x1  }
0x1: {  	s7 =	rddreg [dreg:$0x0]  }
0x2: {  	s3 =	rddreg [dreg:$0x1];
	s2 =	srdreg.scid  }
0x3: {  	s0 =	rddreg [dreg:$0x2];
	s1 =	stileid.u32;
	s11 =	simm.s32 $0x1  }
0x4: {  	s12 =	simm.s32 $0x10000;
	s13 =	simm.s32 $0x2;
	s14 =	simm.s32 $0x18000  }
0x5: {  	s15 =	simm.s32 $0x3;
	s16 =	simm.s32 $0x0;
	s30 =	simm.s32 $0x0  }
0x6: {  	s4 =	sand.u32 $0x1, s2;
	s2 =	simm.s32 $0x0;
	s5 =	sshll.u32 s1, $0x8  }
0x7: {  	s6 =	sshll.u32 s4, $0x7;
	[smem:$0x7FF] =	sst s2;
	s4 =	ssub.s32 $0x2, s4  }
0x8: {  	s5 =	sor.u32 s6, s5;
	_ =	strace $0x80000047;
	s31 =	sshrl.u32 s4, $0x1  }
.Ltmp0:
0x9: {  	s6 =	sshrl.u32 s5, $0x3;
	s10 =	ssub.s32 s4, s31;
	(pc) =	sbr.rel .LBB2_1-.Ltmp0, $4  }
0xa: {  	s8 =	sadd.s32 s6, s3;
	s3 =	sor.u32 $0x1000, s5;
	s5 =	sshll.u32 s5, $0x9  }
0xb: {  	s6 =	sadd.s32 $0x2000, s7;
	s9 =	sshll.u32 s3, $0x9;
	s5 =	sadd.s32 s5, s7  }
0xc: {  	s8 =	sadd.s32 $0x400, s8;
	s4 =	sadd.s32 s7, s9;
	s5 =	sadd.s32 $0x201000, s5  }
0xd: {  	v0 =	vimm.f32 $0.0e+00;
	v1 =	vimm.s32 $0x0;
	v2 =	vlaneseq.u32;
	s7 =	sadd.s32 $0x3000, s7;
	s9 =	smax.u32 s10, $0x1;
	s10 =	simm.s32 $0x8000  }
.LBB2_39:
0xe: {  	s16 =	sadd.s32 $0x1, s16  }
0xf: {  	p0 =	sne.s32 s16, s9  }
.Ltmp1:
0x10: {  	_ = 	snop;
	(pc) =	sbr.rel @!p0 .LBB2_40-.Ltmp1, $4  }
0x11: {  	[hbm4b:s8+s2] =	stream.linear.scatter [tilespmem:s14], [sflag:$0x3], $0x80, $0x38;
	[tilespmem:$0x18080] =	vst v63  }
0x12: {  	_ =	swait.ge [sflag:s15], $0x80  }
0x13: {  	[sflag:s15] =	ssyncset.done $0x0  }
0x14: {  	[sflag:s15] =	ssyncadd.s32 $0xFFFFFF80  }
.LBB2_1:
.Ltmp2:
0x15: {  	(pc) =	sbr.rel .LBB2_2-.Ltmp2, $4  }
0x16: {  	_ = 	snop  }
0x17: {  	[tilespmem:s2], [sflag:$0x1] =	stream.linear.gather [hbm4b:s4+s2], $0x8000, $0x38;
	[tilespmem:$0x18080] =	vst v63  }
0x18: {  	s18 =	simm.s32 $0x0  }
0x19: {  	[tilespmem:s10], [sflag:$0x2] =	stream.linear.gather [hbm4b:s5+s2], $0x8000, $0x38;
	[tilespmem:$0x18080] =	vst v63  }
.LBB2_37:
0x1a: {  	v12 =	vimm.s32 $0x0  }
0x1b: {  	v8 =	vimm.f32 $0.0e+00;
	v6 =	vimm.f32 $0.0e+00;
	v10 =	vimm.s32 $0x0  }
0x1c: {  	v16 =	vimm.f32 $0.0e+00;
	v9 =	vimm.s32 $0x0;
	v15 =	vimm.f32 $0.0e+00  }
0x1d: {  	v14 =	vimm.s32 $0x0;
	v7 =	vimm.f32 $0.0e+00;
	v11 =	vimm.s32 $0x0  }
0x1e: {  	v13 =	vimm.f32 $0.0e+00;
	v17 =	vimm.s32 $0x0;
	v18 =	vimm.f32 $0.0e+00  }
0x1f: {  	v19 =	vimm.s32 $0x0;
	v21 =	vimm.f32 $0.0e+00;
	v20 =	vimm.s32 $0x0  }
.LBB2_38:
0x20: {  	v22 =	vld @!p0 [tilespmem:s19+$0x10380]  }
0x21: {  	v23 =	vld @!p0 [tilespmem:s19+$0x10300];
	_ =	sdelay $0x1  }
0x22: {  	v24 =	vld @!p0 [tilespmem:s19+$0x10280]  }
0x23: {  	v26 =	vld @!p0 [tilespmem:s19+$0x10200]  }
0x24: {  	v25 =	vimm.s32 @!p0 $0x0;
	vm0 =	vlt.s32 @!p0 v5, v22  }
0x25: {  	v28 =	vld @!p0 [tilespmem:s19+$0x10180];
	v27 =	vsel @!p0 vm0, $0x1, v25;
	v22 =	vnsel @!p0 vm0, $0x0, v22;
	vm0 =	vlt.s32 @!p0 v5, v23  }
0x26: {  	v29 =	vadd.f32 @!p0 v22, v21;
	v22 =	vsel @!p0 vm0, $0x1, v25;
	v23 =	vnsel @!p0 vm0, $0x0, v23  }
0x27: {  	v30 =	vld @!p0 [tilespmem:s19+$0x10100];
	vm0 =	vlt.s32 @!p0 v5, v24;
	v31 =	vadd.s32 @!p0 v22, v19;
	v32 =	vadd.f32 @!p0 v23, v18  }
0x28: {  	v22 =	vld @!p0 [tilespmem:s19+$0x10080];
	v23 =	vsel @!p0 vm0, $0x1, v25;
	v24 =	vnsel @!p0 vm0, $0x0, v24;
	vm0 =	vlt.s32 @!p0 v5, v26  }
0x29: {  	v33 =	vld @!p0 [tilespmem:s19+$0x10000];
	v34 =	vadd.s32 @!p0 v23, v17;
	v23 =	vsel @!p0 vm0, $0x1, v25  }
0x2a: {  	v36 =	vadd.s32 @!p0 v23, v11;
	v23 =	vnsel @!p0 vm0, $0x0, v26;
	vm0 =	vlt.s32 @!p0 v5, v28  }
0x2b: {  	v35 =	vadd.f32 @!p0 v24, v13;
	v24 =	vsel @!p0 vm0, $0x1, v25  }
0x2c: {  	v26 =	vnsel @!p0 vm0, $0x0, v28;
	vm0 =	vlt.s32 @!p0 v5, v30;
	v38 =	vadd.f32 @!p0 v23, v7  }
0x2d: {  	v28 =	vsel @!p0 vm0, $0x1, v25;
	v30 =	vnsel @!p0 vm0, $0x0, v30;
	vm0 =	vlt.s32 @!p0 v5, v22  }
0x2e: {  	v37 =	vsel @!p0 vm0, $0x1, v25;
	v22 =	vnsel @!p0 vm0, $0x0, v22;
	vm0 =	vlt.s32 @!p0 v5, v33  }
0x2f: {  	v39 =	vadd.s32 @!p0 v24, v14;
	v24 =	vadd.f32 @!p0 v30, v16;
	v23 =	vnsel @!p0 vm0, $0x0, v33  }
0x30: {  	v30 =	vadd.f32 @!p0 v22, v6;
	v23 =	vadd.f32 @!p0 v23, v8  }
0x31: {  	v58 =	vpsel p0, v19, v31;
	v26 =	vadd.f32 @!p0 v26, v15;
	v28 =	vadd.s32 @!p0 v28, v9  }
0x32: {  	v22 =	vsel @!p0 vm0, $0x1, v25;
	v52 =	vpsel p0, v6, v30;
	v50 =	vpsel p0, v8, v23  }
0x33: {  	v25 =	vadd.s32 @!p0 v37, v10;
	v33 =	vadd.s32 @!p0 v22, v12;
	v61 =	vadd.f32 v52, v50  }
0x34: {  	v24 =	vpsel p0, v16, v24;
	v10 =	vpsel p0, v10, v25;
	v51 =	vpsel p0, v12, v33  }
0x35: {  	v53 =	vpsel p0, v9, v28;
	v8 =	vadd.s32 v10, v51;
	v19 =	vadd.f32 v24, v61  }
0x36: {  	v14 =	vpsel p0, v14, v39;
	v15 =	vpsel p0, v15, v26;
	v8 =	vadd.s32 v53, v8  }
0x37: {  	v11 =	vpsel p0, v11, v36;
	v8 =	vadd.s32 v14, v8;
	v62 =	vadd.f32 v15, v19  }
0x38: {  	v56 =	vpsel p0, v17, v34;
	v54 =	vpsel p0, v7, v38;
	v8 =	vadd.s32 v11, v8  }
0x39: {  	v27 =	vadd.s32 @!p0 v27, v20;
	v8 =	vadd.s32 v56, v8;
	v10 =	vadd.f32 v54, v62  }
0x3a: {  	v60 =	vpsel p0, v20, v27;
	v55 =	vpsel p0, v13, v35;
	v8 =	vadd.s32 v58, v8  }
0x3b: {  	v8 =	vadd.s32 v60, v8;
	v9 =	vadd.f32 v55, v10  }
0x3c: {  	v57 =	vpsel p0, v18, v32;
	v8 =	vsub.s32 $0x40, v8  }
0x3d: {  	v8 =	vcvt.s32.f32 v8;
	v6 =	vadd.f32 v57, v9  }
0x3e: {  	v59 =	vpsel p0, v21, v29  }
0x3f: {  	p0 =	sne.s32 s18, $0x8;
	v63 =	vmul.f32 v8, v5;
	v6 =	vadd.f32 v59, v6  }
.Ltmp3:
0x40: {  	_ = 	snop;
	(pc) =	sbr.rel @!p0 .LBB2_39-.Ltmp3, $4  }
0x41: {  	v4 =	vadd.s32 $0xFFFFFEFF, v4;
	v5 =	vadd.f32 v63, v6  }
0x42: {  	vm15 =	vlt.u32 v4, $0xFFFFFF3F  }
0x43: {  	v3 =	vsel vm15, v3, v5  }
0x44: {  	[tilespmem:s17+$0x18000] =	vst v3  }
.LBB2_2:
0x45: {  	s17 =	simm.s32 $0x10200  }
0x46: {  	[tilespmem:s17+$0xFFFFFE00] =	vst v0  }
0x47: {  	[tilespmem:s17+$0x180] =	vst v0  }
0x48: {  	[tilespmem:s17+$0x100] =	vst v0  }
0x49: {  	[tilespmem:s17+$0x80] =	vst v0  }
0x4a: {  	[tilespmem:s17+$0x0] =	vst v0  }
0x4b: {  	[tilespmem:s17+$0xFFFFFF80] =	vst v0  }
0x4c: {  	s19 =	simm.s32 $0x0;
	[tilespmem:s17+$0xFFFFFF00] =	vst v0  }
.LBB2_3:
0x4d: {  	s19 =	sadd.s32 $0x8, s19;
	[tilespmem:s17+$0xFFFFFE80] =	vst v0;
	s17 =	sadd.s32 $0x400, s17  }
0x4e: {  	[tilespmem:s17+$0xFFFFFE00] =	vst v0;
	p0 =	slt.u32 s19, $0xF8  }
0x4f: {  	[tilespmem:s17+$0x180] =	vst v0  }
.Ltmp4:
0x50: {  	[tilespmem:s17+$0x100] =	vst v0;
	(pc) =	sbr.rel @p0 .LBB2_3-.Ltmp4, $4  }
0x51: {  	[tilespmem:s17+$0x80] =	vst v0  }
0x52: {  	[tilespmem:s17+$0x0] =	vst v0  }
0x53: {  	[tilespmem:s17+$0xFFFFFF80] =	vst v0  }
0x54: {  	[tilespmem:s17+$0xFFFFFF00] =	vst v0  }
.Ltmp5:
0x55: {  	(pc) =	sbr.rel .LBB2_5-.Ltmp5, $4  }
0x56: {  	[tilespmem:s17+$0xFFFFFE80] =	vst v0  }
0x57: {  	_ =	swait.ge [sflag:s11], $0x8000  }
0x58: {  	[sflag:s11] =	ssyncset.done $0x0  }
0x59: {  	s17 =	simm.s32 $0x0;
	v5 =	vimm.s32 $0x0;
	v3 =	vimm.f32 $0.0e+00;
	s19 =	simm.s32 $0x40;
	v4 =	vimm.s32 $0x0;
	[sflag:s11] =	ssyncadd.s32 $0xFFFF8000  }
.LBB2_17:
0x5a: {  	s17 =	sadd.s32 $0x1, s17  }
0x5b: {  	p0 =	sne.s32 s17, $0x8  }
.Ltmp6:
0x5c: {  	_ = 	snop;
	(pc) =	sbr.rel @!p0 .LBB2_18-.Ltmp6, $4  }
0x5d: {  	_ = 	snop  }
0x5e: {  	v7 =	vbroadcast v7, $0x0  }
0x5f: {  	vm0 =	veq.s32 v6, v2  }
0x60: {  	s19 =	sadd.s32 $0x80, s19;
	v3 =	vsel vm0, s20, v3;
	v4 =	vsel vm0, v7, v4  }
.LBB2_5:
0x61: {  	v13 =	vld [tilespmem:s19+$0xFFFFFFC0]  }
0x62: {  	v9 =	vld [tilespmem:s19+$0xFFFFFFD0]  }
0x63: {  	v10 =	vld [tilespmem:s19+$0xFFFFFFE0]  }
0x64: {  	v11 =	vld [tilespmem:s19+$0xFFFFFFF0]  }
0x65: {  	v12 =	vld [tilespmem:s19+$0x0];
	_ =	sdelay $0x2  }
0x66: {  	vm8 =	vge.f32 v13, $9.687500000e-01  }
0x67: {  	v15 =	vld [tilespmem:s19+$0x20];
	vm13 =	vge.f32 v9, $9.687500000e-01;
	vm1 =	vge.f32 v10, $9.687500000e-01;
	v6 =	vmpcnt.ones.xlane vm8  }
0x68: {  	v8 =	vld [tilespmem:s19+$0x10];
	vm2 =	vge.f32 v11, $9.687500000e-01;
	vm3 =	vge.f32 v12, $9.687500000e-01;
	v16 =	vmpcnt.ones.xlane vm13  }
0x69: {  	v7 =	vsel vm8, $0x1, v1;
	v21 =	vadd.s32 v5, v6;
	v6 =	vmpcnt.ones.xlane vm1  }
0x6a: {  	v17 =	vsel vm13, $0x1, v1;
	(xrf0) =	vadd.scan.msk.s32 $0xffff, v7;
	v7 =	vmpcnt.ones.xlane vm2;
	v16 =	vadd.s32 v21, v16  }
0x6b: {  	(xrf0) =	vadd.scan.msk.s32 $0xffff, v17;
	v17 =	vmpcnt.ones.xlane vm3;
	v24 =	vadd.s32 v16, v6  }
0x6c: {  	v14 =	vld [tilespmem:s19+$0x30];
	vm5 =	vge.f32 v15, $9.687500000e-01;
	v25 =	vadd.s32 v24, v7  }
0x6d: {  	vm4 =	vge.f32 v8, $9.687500000e-01;
	v18 =	vadd.s32 v25, v17;
	v17 =	vmpcnt.ones.xlane vm5  }
0x6e: {  	v7 =	vmpcnt.ones.xlane vm4  }
0x6f: {  	v20 =	vsel vm1, $0x1, v1  }
0x70: {  	v23 =	vsel vm2, $0x1, v1;
	v19 =	vadd.s32 v18, v7;
	v22, _, _ =	vpop (xrf0);
	(xrf0) =	vadd.scan.msk.s32 $0xffff, v20  }
0x71: {  	vm6 =	vge.f32 v14, $9.687500000e-01;
	v26 =	vsel vm3, $0x1, v1;
	v20 =	vadd.s32 v19, v17;
	v17, _, _ =	vpop (xrf0);
	(xrf0) =	vadd.scan.msk.s32 $0xffff, v23  }
0x72: {  	v27 =	vsel vm4, $0x1, v1;
	v28 =	vsel vm5, $0x1, v1;
	v22 =	vadd.s32 v22, v5  }
0x73: {  	v6 =	vmov s17;
	v7 =	vmpcnt.ones.xlane vm6;
	v22 =	vadd.s32 $0xFFFFFFFF, v22  }
0x74: {  	vm9 =	vlt.s32 v22, $0x100;
	vm7 =	vgt.s32 v22, $0x0;
	v17 =	vadd.s32 v17, v21;
	(xrf0) =	vadd.scan.msk.s32 $0xffff, v26  }
0x75: {  	v21 =	vsel vm6, $0x1, v1;
	v22 =	vnsel vm7, $0x0, v22;
	v17 =	vadd.s32 $0xFFFFFFFF, v17;
	(xrf0) =	vadd.scan.msk.s32 $0xffff, v27  }
0x76: {  	v22 =	vmin.u32 v22, $0xFF;
	vm10 =	vgt.s32 v17, $0x0;
	vm7 =	vlt.s32 v17, $0x100;
	v23, _, _ =	vpop (xrf0)  }
0x77: {  	v22 =	vshll.u32 v22, $0x7;
	(xrf0) =	vadd.scan.msk.s32 $0xffff, v28;
	v17 =	vnsel vm10, $0x0, v17;
	v16 =	vadd.s32 v23, v16;
	v26, _, _ =	vpop (xrf0)  }
0x78: {  	v23 =	vadd.s32 v6, v22;
	v22 =	vadd.s32 $0xFFFFFFFF, v16;
	(xrf0) =	vadd.scan.msk.s32 $0xffff, v21;
	v16 =	vadd.s32 v26, v24  }
0x79: {  	v17 =	vmin.u32 v17, $0xFF  }
0x7a: {  	v7 =	vadd.s32 v20, v7;
	vm8 =	vmand vm8, vm9;
	v17 =	vshll.u32 v17, $0x7;
	v24, _, _ =	vpop (xrf0)  }
0x7b: {  	s20 =	simm.s32 $0x0;
	s21 =	smov.u32 s19;
	vm9 =	vgt.s32 v22, $0x0;
	v21 =	vadd.s32 $0xFFFFFFFF, v16;
	v24 =	vadd.s32 v24, v25;
	v16, _, _ =	vpop (xrf0)  }
.LBB2_6:
0x7c: {  	vm10 =	vgt.s32 v21, $0x0  }
0x7d: {  	s20 =	sadd.s32 $0x8, s20;
	v24 =	vadd.s32 $0xFFFFFFFF, v24;
	v27 =	vadd.s32 v16, v18;
	v18, _, _ =	vpop (xrf0);
	vm0 =	vmmov vm13  }
0x7e: {  	p0 =	slt.u32 s20, $0xF8;
	vm11 =	vgt.s32 v24, $0x0;
	v25 =	vadd.s32 $0xFFFFFFFF, v27;
	v27 =	vadd.s32 v18, v19;
	v18, _, _ =	vpop (xrf0)  }
0x7f: {  	v16 =	vmovc v15;
	v26 =	vmovc v7;
	vm12 =	vgt.s32 v25, $0x0;
	v19 =	vadd.s32 $0xFFFFFFFF, v27;
	v18 =	vadd.s32 v18, v20  }
0x80: {  	[tilespmem:v23+s12+$0x0] =	vst.idx.msk vm8, v13;
	v13 =	vnsel vm9, $0x0, v22;
	vm8 =	vgt.s32 v19, $0x0;
	v15 =	vadd.s32 $0xFFFFFFFF, v18  }
0x81: {  	v20 =	vnsel vm11, $0x0, v24;
	v18 =	vnsel vm10, $0x0, v21;
	vm9 =	vgt.s32 v15, $0x0  }
0x82: {  	v23 =	vnsel vm12, $0x0, v25;
	v27 =	vnsel vm8, $0x0, v19;
	v28 =	vnsel vm9, $0x0, v15  }
0x83: {  	v13 =	vmin.u32 v13, $0xFF;
	v18 =	vmin.u32 v18, $0xFF;
	v28 =	vmin.u32 v28, $0xFF  }
0x84: {  	v20 =	vmin.u32 v20, $0xFF;
	v23 =	vmin.u32 v23, $0xFF;
	v27 =	vmin.u32 v27, $0xFF  }
0x85: {  	v29 =	vshll.u32 v13, $0x7;
	v18 =	vshll.u32 v18, $0x7;
	v28 =	vshll.u32 v28, $0x7  }
0x86: {  	v20 =	vshll.u32 v20, $0x7;
	v23 =	vshll.u32 v23, $0x7;
	v27 =	vshll.u32 v27, $0x7  }
0x87: {  	s21 =	sadd.s32 $0x400, s21;
	vm8 =	vlt.s32 v22, $0x100;
	vm10 =	vlt.s32 v15, $0x100;
	vm9 =	vlt.s32 v21, $0x100  }
0x88: {  	vm13 =	vlt.s32 v24, $0x100;
	vm14 =	vlt.s32 v25, $0x100;
	vm15 =	vlt.s32 v19, $0x100;
	v13 =	vld [tilespmem:s21+$0xFFFFFFC0]  }
0x89: {  	v17 =	vadd.s32 v6, v17;
	v21 =	vadd.s32 v6, v29;
	v22 =	vadd.s32 v6, v28;
	v19 =	vld [tilespmem:s21+$0xFFFFFFD0]  }
0x8a: {  	v20 =	vadd.s32 v6, v20;
	v25 =	vadd.s32 v6, v18;
	v23 =	vadd.s32 v6, v23;
	v24 =	vld [tilespmem:s21+$0xFFFFFFE0]  }
0x8b: {  	vm12 =	vmand vm0, vm7;
	vm0 =	vmand vm6, vm10;
	v27 =	vadd.s32 v6, v27;
	v28 =	vld [tilespmem:s21+$0xFFFFFFF0]  }
0x8c: {  	vm6 =	vmand vm1, vm8;
	vm10 =	vmand vm3, vm13;
	vm11 =	vmand vm2, vm9;
	v29 =	vld [tilespmem:s21+$0x0]  }
0x8d: {  	vm7 =	vmand vm4, vm14;
	vm9 =	vmand vm5, vm15;
	vm8 =	vge.f32 v13, $9.687500000e-01;
	v30 =	vld [tilespmem:s21+$0x10]  }
0x8e: {  	v18 =	vmpcnt.ones.xlane vm8;
	v31 =	vsel vm8, $0x1, v1;
	vm13 =	vge.f32 v19, $9.687500000e-01;
	v15 =	vld [tilespmem:s21+$0x20]  }
0x8f: {  	v32 =	vmpcnt.ones.xlane vm13;
	v33 =	vsel vm13, $0x1, v1;
	vm1 =	vge.f32 v24, $9.687500000e-01;
	v34 =	vld [tilespmem:s21+$0x30];
	(xrf0) =	vadd.scan.msk.s32 $0xffff, v31  }
0x90: {  	v31 =	vadd.s32 v7, v18;
	v7 =	vmpcnt.ones.xlane vm1;
	vm2 =	vge.f32 v28, $9.687500000e-01;
	(xrf0) =	vadd.scan.msk.s32 $0xffff, v33  }
0x91: {  	v32 =	vadd.s32 v31, v32;
	v18 =	vmpcnt.ones.xlane vm2;
	vm3 =	vge.f32 v29, $9.687500000e-01;
	[tilespmem:v22+s12+$0x0] =	vst.idx.msk vm0, v14  }
0x92: {  	v33 =	vadd.s32 v32, v7;
	v7 =	vmpcnt.ones.xlane vm3;
	vm4 =	vge.f32 v30, $9.687500000e-01;
	[tilespmem:v17+s12+$0x0] =	vst.idx.msk vm12, v9;
	v9 =	vmovc v19  }
0x93: {  	v35 =	vadd.s32 v33, v18;
	v14 =	vmpcnt.ones.xlane vm4;
	vm5 =	vge.f32 v15, $9.687500000e-01;
	[tilespmem:v21+s12+$0x0] =	vst.idx.msk vm6, v10;
	v10 =	vmovc v24  }
0x94: {  	v18 =	vadd.s32 v35, v7;
	v7 =	vmpcnt.ones.xlane vm5;
	vm6 =	vge.f32 v34, $9.687500000e-01;
	[tilespmem:v25+s12+$0x0] =	vst.idx.msk vm11, v11;
	v11 =	vmovc v28  }
0x95: {  	v17 =	vsel vm1, $0x1, v1;
	v19 =	vadd.s32 v18, v14;
	v36 =	vmpcnt.ones.xlane vm6;
	v21, _, _ =	vpop (xrf0);
	[tilespmem:v20+s12+$0x0] =	vst.idx.msk vm10, v12  }
0x96: {  	v22 =	vsel vm3, $0x1, v1;
	v28 =	vsel vm2, $0x1, v1;
	v20 =	vadd.s32 v19, v7;
	v24, _, _ =	vpop (xrf0);
	(xrf0) =	vadd.scan.msk.s32 $0xffff, v17  }
0x97: {  	v25 =	vsel vm5, $0x1, v1;
	v12 =	vmovc v29;
	v17 =	vsel vm4, $0x1, v1;
	v7 =	vadd.s32 v20, v36;
	(xrf0) =	vadd.scan.msk.s32 $0xffff, v28  }
0x98: {  	v21 =	vadd.s32 v21, v26;
	v26 =	vsel vm6, $0x1, v1;
	v24 =	vadd.s32 v24, v31;
	v14 =	vmovc v34;
	(xrf0) =	vadd.scan.msk.s32 $0xffff, v22  }
0x99: {  	v21 =	vadd.s32 $0xFFFFFFFF, v21;
	v22 =	vadd.s32 $0xFFFFFFFF, v24;
	(xrf0) =	vadd.scan.msk.s32 $0xffff, v17;
	[tilespmem:v23+s12+$0x0] =	vst.idx.msk vm7, v8;
	v8 =	vmovc v30  }
0x9a: {  	vm0 =	vlt.s32 v21, $0x100;
	vm7 =	vgt.s32 v21, $0x0;
	vm10 =	vgt.s32 v22, $0x0;
	(xrf0) =	vadd.scan.msk.s32 $0xffff, v25  }
.Ltmp7:
0x9b: {  	v17 =	vnsel vm7, $0x0, v21;
	vm7 =	vlt.s32 v22, $0x100;
	v21 =	vnsel vm10, $0x0, v22;
	(xrf0) =	vadd.scan.msk.s32 $0xffff, v26;
	(pc) =	sbr.rel @p0 .LBB2_6-.Ltmp7, $4  }
0x9c: {  	vm8 =	vmand vm8, vm0;
	v17 =	vmin.u32 v17, $0xFF;
	v21 =	vmin.u32 v21, $0xFF;
	v22, _, _ =	vpop (xrf0);
	[tilespmem:v27+s12+$0x0] =	vst.idx.msk vm9, v16  }
0x9d: {  	v26 =	vshll.u32 v17, $0x7;
	v17 =	vshll.u32 v21, $0x7;
	v21 =	vadd.s32 v22, v32;
	v24, _, _ =	vpop (xrf0)  }
0x9e: {  	v23 =	vadd.s32 v6, v26;
	v22 =	vadd.s32 $0xFFFFFFFF, v21;
	v25 =	vadd.s32 v24, v33;
	v24, _, _ =	vpop (xrf0)  }
0x9f: {  	vm9 =	vgt.s32 v22, $0x0;
	v21 =	vadd.s32 $0xFFFFFFFF, v25;
	v24 =	vadd.s32 v24, v35;
	v16, _, _ =	vpop (xrf0)  }
0xa0: {  	vm0 =	vgt.s32 v21, $0x0;
	(v2sf) =	vpush v7, $0x0  }
0xa1: {  	v24 =	vadd.s32 $0xFFFFFFFF, v24;
	v16 =	vadd.s32 v16, v18;
	v55 =	vnsel vm9, $0x0, v22  }
0xa2: {  	v25, _, _ =	vpop (xrf0);
	vm15 =	vlt.s32 v22, $0x100;
	vm7 =	vmand vm13, vm7;
	v17 =	vadd.s32 v6, v17  }
0xa3: {  	vm10 =	vgt.s32 v24, $0x0;
	v16 =	vadd.s32 $0xFFFFFFFF, v16;
	v19 =	vadd.s32 v25, v19  }
0xa4: {  	v26, _, _ =	vpop (xrf0);
	v56 =	vnsel vm0, $0x0, v21;
	vm0 =	vmand vm1, vm15;
	vm13 =	vlt.s32 v24, $0x100  }
0xa5: {  	v53 =	vadd.s32 v26, v20;
	vm11 =	vgt.s32 v16, $0x0;
	v19 =	vadd.s32 $0xFFFFFFFF, v19  }
0xa6: {  	v57 =	vnsel vm10, $0x0, v24;
	v25 =	vmin.u32 v56, $0xFF;
	vm1 =	vmand vm3, vm13  }
0xa7: {  	v18 =	vadd.s32 $0xFFFFFFFF, v53;
	vm14 =	vgt.s32 v19, $0x0;
	v27 =	vnsel vm11, $0x0, v16  }
0xa8: {  	v26 =	vmin.u32 v57, $0xFF;
	vm15 =	vlt.s32 v19, $0x100;
	vm12 =	vgt.s32 v18, $0x0  }
0xa9: {  	v58 =	vnsel vm14, $0x0, v19;
	v27 =	vmin.u32 v27, $0xFF;
	v26 =	vshll.u32 v26, $0x7  }
0xaa: {  	vm14 =	vlt.s32 v16, $0x100;
	vm3 =	vmand vm5, vm15;
	v54 =	vnsel vm12, $0x0, v18  }
0xab: {  	vm12 =	vlt.s32 v18, $0x100;
	v18 =	vmin.u32 v55, $0xFF;
	v22 =	vmin.u32 v58, $0xFF  }
0xac: {  	v27 =	vshll.u32 v27, $0x7;
	v60 =	vadd.s32 v6, v26;
	vm4 =	vmand vm4, vm14  }
0xad: {  	vm6 =	vmand vm6, vm12;
	v18 =	vshll.u32 v18, $0x7;
	v62 =	vadd.s32 v6, v27  }
0xae: {  	v20 =	vmin.u32 v54, $0xFF;
	v61 =	vshll.u32 v22, $0x7;
	v18 =	vadd.s32 v6, v18  }
0xaf: {  	[tilespmem:v23+s12+$0x0] =	vst.idx.msk vm8, v13;
	vm12 =	vlt.s32 v21, $0x100;
	v20 =	vshll.u32 v20, $0x7;
	v63 =	vadd.s32 v6, v61;
	s20 =	spop (v2sf)  }
0xb0: {  	v25 =	vshll.u32 v25, $0x7;
	[tilespmem:v17+s12+$0x0] =	vst.idx.msk vm7, v9;
	vm2 =	vmand vm2, vm12;
	v20 =	vadd.s32 v6, v20;
	s20 =	sadd.s32 $0xFFFFFEFF, s20  }
0xb1: {  	v59 =	vadd.s32 v6, v25;
	[tilespmem:v60+s12+$0x0] =	vst.idx.msk vm1, v12;
	p0 =	sgt.u32 s20, $0xFFFFFF3E  }
.Ltmp8:
0xb2: {  	[tilespmem:v62+s12+$0x0] =	vst.idx.msk vm4, v8;
	(pc) =	sbr.rel @p0 .LBB2_17-.Ltmp8, $4  }
0xb3: {  	[tilespmem:v18+s12+$0x0] =	vst.idx.msk vm0, v10  }
0xb4: {  	[tilespmem:v63+s12+$0x0] =	vst.idx.msk vm3, v15  }
0xb5: {  	[tilespmem:v20+s12+$0x0] =	vst.idx.msk vm6, v14  }
0xb6: {  	[tilespmem:v59+s12+$0x0] =	vst.idx.msk vm2, v11;
	s20 =	simm.f32 $0.0e+00  }
0xb7: {  	v8 =	vmov s19;
	_ =	sdelay $0x3  }
0xb8: {  	s20 =	simm.s32 $0x0  }
0xb9: {  	v11 =	vld.idx.msk [tilespmem:v8+s20+$0xFFFFFFC0 ss:$0x1], $0xffff;
	_ =	sdelay $0x1  }
0xba: {  	v12 =	vld.idx.msk [tilespmem:v8+s20+$0xFFFFFFD0 ss:$0x1], $0xffff  }
0xbb: {  	v9 =	vld.idx.msk [tilespmem:v8+s20+$0x30 ss:$0x1], $0xffff  }
0xbc: {  	v13 =	vld.idx.msk [tilespmem:v8+s20+$0xFFFFFFE0 ss:$0x1], $0xffff  }
0xbd: {  	v15 =	vld.idx.msk [tilespmem:v8+s20+$0xFFFFFFF0 ss:$0x1], $0xffff;
	vm5 =	vge.f32 v11, $5.000000000e-01  }
0xbe: {  	v14 =	vimm.f32 $0.0e+00;
	v10 =	vld.idx.msk [tilespmem:v8+s20+$0x20 ss:$0x1], $0xffff;
	v16 =	vnsel vm5, $0x0, v11  }
0xbf: {  	vm6 =	vge.f32 v12, $5.000000000e-01;
	v11 =	vld.idx.msk [tilespmem:v8+s20+$0x10 ss:$0x1], $0xffff;
	v14 =	vadd.f32 v16, v14  }
0xc0: {  	v12 =	vnsel vm6, $0x0, v12;
	v16 =	vld.idx.msk [tilespmem:v8+s20+$0x0 ss:$0x1], $0xffff  }
0xc1: {  	vm3 =	vge.f32 v13, $5.000000000e-01;
	v12 =	vadd.f32 v12, v14  }
0xc2: {  	vm4 =	vge.f32 v15, $5.000000000e-01;
	v13 =	vnsel vm3, $0x0, v13  }
0xc3: {  	vm0 =	vge.f32 v9, $5.000000000e-01;
	vm1 =	vge.f32 v10, $5.000000000e-01;
	v12 =	vadd.f32 v13, v12  }
0xc4: {  	v14 =	vimm.s32 $0x0;
	v13 =	vnsel vm4, $0x0, v15;
	vm2 =	vge.f32 v11, $5.000000000e-01  }
0xc5: {  	v15 =	vsel vm5, $0x1, v1;
	vm5 =	vge.f32 v16, $5.000000000e-01;
	v12 =	vadd.f32 v13, v12  }
0xc6: {  	s21 =	simm.s32 $0x0;
	s22 =	simm.s32 $0x2000;
	s20 =	simm.s32 $0x400;
	v13 =	vadd.s32 v15, v14;
	v14 =	vsel vm6, $0x1, v1;
	v15 =	vnsel vm5, $0x0, v16  }
.LBB2_9:
0xc7: {  	p0 =	sne.s32 s22, $0x1F000;
	v16 =	vld.idx.msk [tilespmem:v8+s20+$0xFFFFFFC0 ss:$0x1], $0xffff;
	v13 =	vadd.s32 v14, v13;
	v14 =	vsel vm3, $0x1, v1;
	v12 =	vadd.f32 v15, v12  }
0xc8: {  	v11 =	vnsel vm2, $0x0, v11;
	v13 =	vadd.s32 v14, v13;
	v14 =	vsel vm4, $0x1, v1  }
0xc9: {  	v15 =	vld.idx.msk [tilespmem:v8+s20+$0xFFFFFFD0 ss:$0x1], $0xffff;
	v13 =	vadd.s32 v14, v13;
	v14 =	vsel vm5, $0x1, v1;
	v11 =	vadd.f32 v11, v12  }
0xca: {  	v10 =	vnsel vm1, $0x0, v10;
	v12 =	vld.idx.msk [tilespmem:v8+s20+$0x30 ss:$0x1], $0xffff;
	v13 =	vadd.s32 v14, v13;
	v14 =	vsel vm2, $0x1, v1  }
0xcb: {  	v17 =	vld.idx.msk [tilespmem:v8+s20+$0xFFFFFFE0 ss:$0x1], $0xffff;
	v13 =	vadd.s32 v14, v13;
	v11 =	vadd.f32 v10, v11;
	v14 =	vsel vm1, $0x1, v1  }
0xcc: {  	v9 =	vnsel vm0, $0x0, v9;
	v10 =	vld.idx.msk [tilespmem:v8+s20+$0x20 ss:$0x1], $0xffff;
	v13 =	vadd.s32 v14, v13;
	v14 =	vsel vm0, $0x1, v1  }
0xcd: {  	vm5 =	vge.f32 v16, $5.000000000e-01;
	v18 =	vld.idx.msk [tilespmem:v8+s20+$0xFFFFFFF0 ss:$0x1], $0xffff;
	v19 =	vadd.f32 v9, v11;
	v13 =	vadd.s32 v14, v13  }
0xce: {  	v14 =	vnsel vm5, $0x0, v16;
	v11 =	vld.idx.msk [tilespmem:v8+s20+$0x10 ss:$0x1], $0xffff  }
0xcf: {  	vm6 =	vge.f32 v15, $5.000000000e-01;
	v14 =	vadd.f32 v14, v19;
	v16 =	vld.idx.msk [tilespmem:v8+s20+$0x0 ss:$0x1], $0xffff  }
0xd0: {  	v15 =	vnsel vm6, $0x0, v15;
	v9 =	vmov v12  }
0xd1: {  	vm3 =	vge.f32 v17, $5.000000000e-01;
	v12 =	vadd.f32 v15, v14  }
.Ltmp9:
0xd2: {  	v14 =	vnsel vm3, $0x0, v17;
	(pc) =	sbr.rel @p0 .LBB2_9-.Ltmp9, $4  }
0xd3: {  	vm0 =	vge.f32 v9, $5.000000000e-01;
	vm4 =	vge.f32 v18, $5.000000000e-01;
	v12 =	vadd.f32 v14, v12  }
0xd4: {  	vm1 =	vge.f32 v10, $5.000000000e-01;
	v14 =	vnsel vm4, $0x0, v18;
	vm2 =	vge.f32 v11, $5.000000000e-01  }
0xd5: {  	v15 =	vsel vm5, $0x1, v1;
	vm5 =	vge.f32 v16, $5.000000000e-01;
	v12 =	vadd.f32 v14, v12  }
0xd6: {  	s20 =	sshra.s32 s22, $0x2;
	s22 =	sadd.s32 $0x1000, s22;
	v13 =	vadd.s32 v15, v13;
	v14 =	vsel vm6, $0x1, v1;
	v15 =	vnsel vm5, $0x0, v16  }
0xd7: {  	_ =	sdelay $0x2  }
0xd8: {  	v12 =	vadd.f32 v15, v12  }
0xd9: {  	v47 =	vld.idx.msk [tilespmem:v8+s20+$0xFFFFFFC0 ss:$0x1], $0xffff;
	v11 =	vnsel vm2, $0x0, v11  }
0xda: {  	v13 =	vadd.s32 v14, v13;
	v51 =	vld.idx.msk [tilespmem:v8+s20+$0xFFFFFFD0 ss:$0x1], $0xffff;
	v11 =	vadd.f32 v11, v12  }
0xdb: {  	v48 =	vsel vm3, $0x1, v1;
	v50 =	vsel vm4, $0x1, v1;
	v10 =	vnsel vm1, $0x0, v10;
	v16 =	vld.idx.msk [tilespmem:v8+s20+$0x30 ss:$0x1], $0xffff  }
0xdc: {  	v52 =	vsel vm5, $0x1, v1;
	v53 =	vld.idx.msk [tilespmem:v8+s20+$0xFFFFFFE0 ss:$0x1], $0xffff;
	v49 =	vadd.s32 v48, v13;
	v10 =	vadd.f32 v10, v11  }
0xdd: {  	v9 =	vnsel vm0, $0x0, v9;
	v54 =	vsel vm2, $0x1, v1;
	v17 =	vld.idx.msk [tilespmem:v8+s20+$0x20 ss:$0x1], $0xffff;
	v12 =	vadd.s32 v50, v49  }
0xde: {  	v18 =	vld.idx.msk [tilespmem:v8+s20+$0x10 ss:$0x1], $0xffff;
	v11 =	vadd.s32 v52, v12;
	vm9 =	vge.f32 v47, $5.000000000e-01;
	v9 =	vadd.f32 v9, v10  }
0xdf: {  	v10 =	vadd.s32 v54, v11;
	v11 =	vld.idx.msk [tilespmem:v8+s20+$0xFFFFFFF0 ss:$0x1], $0xffff;
	v55 =	vnsel vm9, $0x0, v47  }
0xe0: {  	v57 =	vld.idx.msk [tilespmem:v8+s20+$0x0 ss:$0x1], $0xffff;
	vm10 =	vge.f32 v51, $5.000000000e-01;
	v9 =	vadd.f32 v55, v9  }
0xe1: {  	v56 =	vsel vm1, $0x1, v1;
	v14 =	vnsel vm10, $0x0, v51  }
0xe2: {  	v58 =	vsel vm0, $0x1, v1;
	vm11 =	vge.f32 v53, $5.000000000e-01;
	v9 =	vadd.f32 v14, v9  }
0xe3: {  	vm13 =	vge.f32 v16, $5.000000000e-01;
	vm14 =	vge.f32 v18, $5.000000000e-01;
	v12 =	vnsel vm11, $0x0, v53  }
0xe4: {  	vm6 =	vge.f32 v17, $5.000000000e-01;
	vm12 =	vge.f32 v11, $5.000000000e-01;
	v9 =	vadd.f32 v12, v9  }
0xe5: {  	vm15 =	vge.f32 v57, $5.000000000e-01;
	v10 =	vadd.s32 v56, v10;
	v11 =	vnsel vm12, $0x0, v11  }
0xe6: {  	v59 =	vsel vm9, $0x1, v1;
	v10 =	vadd.s32 v58, v10;
	v9 =	vadd.f32 v11, v9  }
0xe7: {  	v60 =	vnsel vm15, $0x0, v57;
	v10 =	vadd.s32 v59, v10;
	v11 =	vsel vm10, $0x1, v1  }
0xe8: {  	v10 =	vadd.s32 v11, v10;
	v11 =	vsel vm11, $0x1, v1;
	v9 =	vadd.f32 v60, v9  }
0xe9: {  	v61 =	vnsel vm14, $0x0, v18;
	v10 =	vadd.s32 v11, v10;
	v11 =	vsel vm12, $0x1, v1  }
0xea: {  	v10 =	vadd.s32 v11, v10;
	v11 =	vsel vm15, $0x1, v1;
	v9 =	vadd.f32 v61, v9  }
0xeb: {  	v62 =	vnsel vm6, $0x0, v17;
	v10 =	vadd.s32 v11, v10;
	v11 =	vsel vm14, $0x1, v1  }
0xec: {  	v10 =	vadd.s32 v11, v10;
	v11 =	vsel vm6, $0x1, v1;
	v9 =	vadd.f32 v62, v9  }
0xed: {  	v63 =	vsel vm13, $0x1, v1;
	v11 =	vadd.s32 v11, v10;
	v10 =	vnsel vm13, $0x0, v16  }
0xee: {  	s22 =	simm.s32 $0x3F7FFFFF;
	s20 =	simm.s32 $0x3F000000;
	v10 =	vadd.f32 v10, v9;
	v9 =	vadd.s32 v63, v11  }
.LBB2_11:
0xef: {  	_ =	sdelay $0x2  }
0xf0: {  	s26 =	simm.s32 $0x0  }
0xf1: {  	v12 =	vld.idx.msk [tilespmem:v8+s26+$0xFFFFFFC0 ss:$0x1], $0xffff  }
0xf2: {  	s23 =	ssub.s32 s22, s20;
	v15 =	vld.idx.msk [tilespmem:v8+s26+$0xFFFFFFD0 ss:$0x1], $0xffff  }
0xf3: {  	s23 =	sadd.s32 $0x1, s23;
	v17 =	vld.idx.msk [tilespmem:v8+s26+$0xFFFFFFE0 ss:$0x1], $0xffff  }
0xf4: {  	v16 =	vld.idx.msk [tilespmem:v8+s26+$0xFFFFFFF0 ss:$0x1], $0xffff;
	s23 =	sshra.s32 s23, $0x1  }
0xf5: {  	v14 =	vld.idx.msk [tilespmem:v8+s26+$0x0 ss:$0x1], $0xffff;
	s23 =	sadd.s32 s20, s23  }
0xf6: {  	v13 =	vld.idx.msk [tilespmem:v8+s26+$0x10 ss:$0x1], $0xffff;
	v11 =	vmov s23  }
0xf7: {  	vm0 =	vge.s32 v12, v11;
	v12 =	vld.idx.msk [tilespmem:v8+s26+$0x20 ss:$0x1], $0xffff  }
0xf8: {  	v19 =	vimm.s32 $0x0;
	s24 =	simm.s32 $0x400;
	s25 =	simm.s32 $0x2000;
	v18 =	vsel vm0, $0x1, v1;
	vm0 =	vge.s32 v15, v11;
	v15 =	vld.idx.msk [tilespmem:v8+s26+$0x30 ss:$0x1], $0xffff  }
.LBB2_12:
0xf9: {  	p0 =	sne.s32 s25, $0x1F000;
	v20 =	vld.idx.msk [tilespmem:v8+s24+$0xFFFFFFC0 ss:$0x1], $0xffff;
	v18 =	vadd.s32 v18, v19;
	v19 =	vsel vm0, $0x1, v1;
	vm0 =	vge.s32 v17, v11  }
0xfa: {  	v21 =	vld.idx.msk [tilespmem:v8+s24+$0xFFFFFFD0 ss:$0x1], $0xffff;
	v18 =	vadd.s32 v19, v18;
	v19 =	vsel vm0, $0x1, v1;
	vm0 =	vge.s32 v16, v11  }
0xfb: {  	v17 =	vld.idx.msk [tilespmem:v8+s24+$0xFFFFFFE0 ss:$0x1], $0xffff;
	v18 =	vadd.s32 v19, v18;
	v19 =	vsel vm0, $0x1, v1;
	vm0 =	vge.s32 v14, v11  }
.Ltmp10:
0xfc: {  	v16 =	vld.idx.msk [tilespmem:v8+s24+$0xFFFFFFF0 ss:$0x1], $0xffff;
	v18 =	vadd.s32 v19, v18;
	v19 =	vsel vm0, $0x1, v1;
	vm0 =	vge.s32 v13, v11;
	(pc) =	sbr.rel @p0 .LBB2_12-.Ltmp10, $4  }
0xfd: {  	v14 =	vld.idx.msk [tilespmem:v8+s24+$0x0 ss:$0x1], $0xffff;
	v18 =	vadd.s32 v19, v18;
	v19 =	vsel vm0, $0x1, v1;
	vm0 =	vge.s32 v12, v11  }
0xfe: {  	v13 =	vld.idx.msk [tilespmem:v8+s24+$0x10 ss:$0x1], $0xffff;
	v18 =	vadd.s32 v19, v18;
	v19 =	vsel vm0, $0x1, v1;
	vm0 =	vge.s32 v15, v11  }
0xff: {  	vm1 =	vge.s32 v20, v11;
	v12 =	vld.idx.msk [tilespmem:v8+s24+$0x20 ss:$0x1], $0xffff;
	v19 =	vadd.s32 v19, v18;
	v20 =	vsel vm0, $0x1, v1  }
0x100: {  	v18 =	vsel vm1, $0x1, v1;
	vm0 =	vge.s32 v21, v11;
	v15 =	vld.idx.msk [tilespmem:v8+s24+$0x30 ss:$0x1], $0xffff;
	s24 =	sshra.s32 s25, $0x2;
	s25 =	sadd.s32 $0x1000, s25;
	v19 =	vadd.s32 v20, v19  }
0x101: {  	_ =	sdelay $0x2  }
0x102: {  	v18 =	vadd.s32 v18, v19;
	v37 =	vsel vm0, $0x1, v1;
	vm15 =	vge.s32 v17, v11  }
0x103: {  	v38 =	vld.idx.msk [tilespmem:v8+s24+$0xFFFFFFC0 ss:$0x1], $0xffff;
	vm4 =	vge.s32 v16, v11;
	v18 =	vadd.s32 v37, v18;
	v39 =	vsel vm15, $0x1, v1  }
0x104: {  	v40 =	vld.idx.msk [tilespmem:v8+s24+$0xFFFFFFD0 ss:$0x1], $0xffff;
	v41 =	vsel vm4, $0x1, v1;
	vm5 =	vge.s32 v14, v11;
	v18 =	vadd.s32 v39, v18  }
0x105: {  	v42 =	vld.idx.msk [tilespmem:v8+s24+$0xFFFFFFE0 ss:$0x1], $0xffff;
	v43 =	vsel vm5, $0x1, v1;
	vm6 =	vge.s32 v13, v11;
	v18 =	vadd.s32 v41, v18  }
0x106: {  	v44 =	vld.idx.msk [tilespmem:v8+s24+$0xFFFFFFF0 ss:$0x1], $0xffff;
	v45 =	vsel vm6, $0x1, v1;
	vm7 =	vge.s32 v12, v11;
	v18 =	vadd.s32 v43, v18  }
0x107: {  	v46 =	vld.idx.msk [tilespmem:v8+s24+$0x0 ss:$0x1], $0xffff;
	v47 =	vsel vm7, $0x1, v1;
	vm8 =	vge.s32 v15, v11;
	v18 =	vadd.s32 v45, v18  }
0x108: {  	v48 =	vld.idx.msk [tilespmem:v8+s24+$0x10 ss:$0x1], $0xffff;
	vm1 =	vge.s32 v38, v11;
	v50 =	vsel vm8, $0x1, v1;
	v49 =	vadd.s32 v47, v18  }
0x109: {  	v51 =	vld.idx.msk [tilespmem:v8+s24+$0x20 ss:$0x1], $0xffff;
	vm9 =	vge.s32 v40, v11;
	v20 =	vsel vm1, $0x1, v1;
	v52 =	vadd.s32 v50, v49  }
0x10a: {  	v53 =	vld.idx.msk [tilespmem:v8+s24+$0x30 ss:$0x1], $0xffff;
	vm10 =	vge.s32 v42, v11;
	v54 =	vsel vm9, $0x1, v1;
	v16 =	vadd.s32 v20, v52  }
0x10b: {  	vm11 =	vge.s32 v44, v11;
	v56 =	vsel vm10, $0x1, v1;
	v55 =	vadd.s32 v54, v16  }
0x10c: {  	vm12 =	vge.s32 v46, v11;
	v58 =	vsel vm11, $0x1, v1;
	v57 =	vadd.s32 v56, v55  }
0x10d: {  	vm13 =	vge.s32 v48, v11;
	v60 =	vsel vm12, $0x1, v1;
	v59 =	vadd.s32 v58, v57  }
0x10e: {  	vm14 =	vge.s32 v51, v11;
	v61 =	vsel vm13, $0x1, v1;
	v12 =	vadd.s32 v60, v59  }
0x10f: {  	vm15 =	vge.s32 v53, v11;
	v62 =	vsel vm14, $0x1, v1;
	v12 =	vadd.s32 v61, v12  }
0x110: {  	v63 =	vsel vm15, $0x1, v1;
	v11 =	vadd.s32 v62, v12  }
0x111: {  	v11 =	vadd.s32 v63, v11  }
0x112: {  	(xrf0) =	vadd.scan.msk.s32 $0xffff, v11;
	_ =	sdelay $0x5  }
0x113: {  	v11, _, _ =	vpop (xrf0)  }
0x114: {  	(v2sf) =	vpush v11, $0xF;
	_ =	sdelay $0xb  }
0x115: {  	s21 =	sadd.s32 $0x1, s21  }
0x116: {  	p1 =	sne.s32 s21, $0x17  }
.Ltmp11:
0x117: {  	_ = 	snop;
	(pc) =	sbr.rel @p1 .LBB2_11-.Ltmp11, $4  }
0x118: {  	s31 =	spop (v2sf)  }
0x119: {  	s24 =	sadd.s32 $0xFFFFFFFF, s23;
	p0 =	sgt.s32 s31, $0x3F  }
0x11a: {  	s24 =	smov.u32 @p0 s22  }
0x11b: {  	s20 =	smov.u32 @p0 s23;
	s22 =	smov.u32 s24  }
0x11c: {  	_ =	sdelay $0x2  }
0x11d: {  	s21 =	simm.s32 $0x0  }
0x11e: {  	v14 =	vld.idx.msk [tilespmem:v8+s21+$0xFFFFFFC0 ss:$0x1], $0xffff;
	_ =	sdelay $0x1  }
0x11f: {  	v15 =	vld.idx.msk [tilespmem:v8+s21+$0xFFFFFFD0 ss:$0x1], $0xffff  }
0x120: {  	v13 =	vld.idx.msk [tilespmem:v8+s21+$0x30 ss:$0x1], $0xffff  }
0x121: {  	v11 =	vmov s20;
	v16 =	vld.idx.msk [tilespmem:v8+s21+$0xFFFFFFE0 ss:$0x1], $0xffff  }
0x122: {  	v18 =	vld.idx.msk [tilespmem:v8+s21+$0xFFFFFFF0 ss:$0x1], $0xffff;
	vm5 =	vlt.s32 v11, v14  }
0x123: {  	v17 =	vimm.f32 $0.0e+00;
	v12 =	vld.idx.msk [tilespmem:v8+s21+$0x20 ss:$0x1], $0xffff;
	v19 =	vnsel vm5, $0x0, v14  }
0x124: {  	vm6 =	vlt.s32 v11, v15;
	v14 =	vld.idx.msk [tilespmem:v8+s21+$0x10 ss:$0x1], $0xffff;
	v17 =	vadd.f32 v19, v17  }
0x125: {  	v15 =	vnsel vm6, $0x0, v15;
	v19 =	vld.idx.msk [tilespmem:v8+s21+$0x0 ss:$0x1], $0xffff  }
0x126: {  	vm4 =	vlt.s32 v11, v16;
	v15 =	vadd.f32 v15, v17  }
0x127: {  	vm3 =	vlt.s32 v11, v18;
	v16 =	vnsel vm4, $0x0, v16  }
0x128: {  	vm0 =	vlt.s32 v11, v13;
	vm1 =	vlt.s32 v11, v12;
	v15 =	vadd.f32 v16, v15  }
0x129: {  	v17 =	vimm.s32 $0x0;
	v16 =	vnsel vm3, $0x0, v18;
	vm2 =	vlt.s32 v11, v14  }
0x12a: {  	v18 =	vsel vm5, $0x1, v1;
	vm5 =	vlt.s32 v11, v19;
	v16 =	vadd.f32 v16, v15  }
0x12b: {  	s22 =	simm.s32 $0x2000;
	s21 =	simm.s32 $0x400;
	v15 =	vadd.s32 v18, v17;
	v17 =	vsel vm6, $0x1, v1;
	v18 =	vnsel vm5, $0x0, v19  }
.LBB2_15:
0x12c: {  	p0 =	sne.s32 s22, $0x1F000;
	v19 =	vld.idx.msk [tilespmem:v8+s21+$0xFFFFFFC0 ss:$0x1], $0xffff;
	v15 =	vadd.s32 v17, v15;
	v17 =	vsel vm4, $0x1, v1;
	v16 =	vadd.f32 v18, v16  }
0x12d: {  	v14 =	vnsel vm2, $0x0, v14;
	v15 =	vadd.s32 v17, v15;
	v17 =	vsel vm3, $0x1, v1  }
0x12e: {  	v18 =	vld.idx.msk [tilespmem:v8+s21+$0xFFFFFFD0 ss:$0x1], $0xffff;
	v15 =	vadd.s32 v17, v15;
	v17 =	vsel vm5, $0x1, v1;
	v14 =	vadd.f32 v14, v16  }
0x12f: {  	v12 =	vnsel vm1, $0x0, v12;
	v16 =	vld.idx.msk [tilespmem:v8+s21+$0x30 ss:$0x1], $0xffff;
	v15 =	vadd.s32 v17, v15;
	v17 =	vsel vm2, $0x1, v1  }
0x130: {  	v20 =	vld.idx.msk [tilespmem:v8+s21+$0xFFFFFFE0 ss:$0x1], $0xffff;
	v15 =	vadd.s32 v17, v15;
	v14 =	vadd.f32 v12, v14;
	v17 =	vsel vm1, $0x1, v1  }
0x131: {  	v13 =	vnsel vm0, $0x0, v13;
	v12 =	vld.idx.msk [tilespmem:v8+s21+$0x20 ss:$0x1], $0xffff;
	v15 =	vadd.s32 v17, v15;
	v17 =	vsel vm0, $0x1, v1  }
0x132: {  	vm5 =	vlt.s32 v11, v19;
	v21 =	vld.idx.msk [tilespmem:v8+s21+$0xFFFFFFF0 ss:$0x1], $0xffff;
	v22 =	vadd.f32 v13, v14;
	v15 =	vadd.s32 v17, v15  }
0x133: {  	v17 =	vnsel vm5, $0x0, v19;
	v14 =	vld.idx.msk [tilespmem:v8+s21+$0x10 ss:$0x1], $0xffff  }
0x134: {  	vm6 =	vlt.s32 v11, v18;
	v17 =	vadd.f32 v17, v22;
	v19 =	vld.idx.msk [tilespmem:v8+s21+$0x0 ss:$0x1], $0xffff  }
0x135: {  	v18 =	vnsel vm6, $0x0, v18;
	v13 =	vmov v16  }
0x136: {  	vm4 =	vlt.s32 v11, v20;
	v16 =	vadd.f32 v18, v17  }
.Ltmp12:
0x137: {  	v17 =	vnsel vm4, $0x0, v20;
	(pc) =	sbr.rel @p0 .LBB2_15-.Ltmp12, $4  }
0x138: {  	vm0 =	vlt.s32 v11, v13;
	vm3 =	vlt.s32 v11, v21;
	v16 =	vadd.f32 v17, v16  }
0x139: {  	vm1 =	vlt.s32 v11, v12;
	v17 =	vnsel vm3, $0x0, v21;
	vm2 =	vlt.s32 v11, v14  }
0x13a: {  	v18 =	vsel vm5, $0x1, v1;
	vm5 =	vlt.s32 v11, v19;
	v16 =	vadd.f32 v17, v16  }
0x13b: {  	s21 =	sshra.s32 s22, $0x2;
	s22 =	sadd.s32 $0x1000, s22;
	v15 =	vadd.s32 v18, v15;
	v17 =	vsel vm6, $0x1, v1;
	v18 =	vnsel vm5, $0x0, v19  }
0x13c: {  	_ =	sdelay $0x2  }
0x13d: {  	v16 =	vadd.f32 v18, v16  }
0x13e: {  	v34 =	vld.idx.msk [tilespmem:v8+s21+$0xFFFFFFC0 ss:$0x1], $0xffff;
	v14 =	vnsel vm2, $0x0, v14  }
0x13f: {  	v14 =	vadd.f32 v14, v16  }
0x140: {  	v35 =	vld.idx.msk [tilespmem:v8+s21+$0xFFFFFFD0 ss:$0x1], $0xffff;
	v12 =	vnsel vm1, $0x0, v12  }
0x141: {  	v12 =	vadd.f32 v12, v14  }
0x142: {  	v36 =	vld.idx.msk [tilespmem:v8+s21+$0xFFFFFFE0 ss:$0x1], $0xffff;
	v13 =	vnsel vm0, $0x0, v13  }
0x143: {  	vm6 =	vlt.s32 v11, v34;
	v12 =	vadd.f32 v13, v12  }
0x144: {  	v38 =	vld.idx.msk [tilespmem:v8+s21+$0xFFFFFFF0 ss:$0x1], $0xffff;
	v39 =	vnsel vm6, $0x0, v34  }
0x145: {  	vm9 =	vlt.s32 v11, v35;
	v12 =	vadd.f32 v39, v12  }
0x146: {  	v41 =	vld.idx.msk [tilespmem:v8+s21+$0x0 ss:$0x1], $0xffff;
	v16 =	vnsel vm9, $0x0, v35  }
0x147: {  	vm10 =	vlt.s32 v11, v36;
	v12 =	vadd.f32 v16, v12  }
0x148: {  	v37 =	vadd.s32 v17, v15;
	v43 =	vld.idx.msk [tilespmem:v8+s21+$0x10 ss:$0x1], $0xffff;
	v14 =	vnsel vm10, $0x0, v36  }
0x149: {  	v40 =	vsel vm4, $0x1, v1;
	vm11 =	vlt.s32 v11, v38;
	v12 =	vadd.f32 v14, v12  }
0x14a: {  	v42 =	vsel vm3, $0x1, v1;
	v44 =	vsel vm5, $0x1, v1;
	v45 =	vld.idx.msk [tilespmem:v8+s21+$0x20 ss:$0x1], $0xffff;
	v15 =	vnsel vm11, $0x0, v38  }
0x14b: {  	v46 =	vsel vm2, $0x1, v1;
	v8 =	vld.idx.msk [tilespmem:v8+s21+$0x30 ss:$0x1], $0xffff;
	vm12 =	vlt.s32 v11, v41;
	v12 =	vadd.f32 v15, v12  }
0x14c: {  	v48 =	vsel vm1, $0x1, v1;
	v13 =	vadd.s32 v40, v37;
	v47 =	vnsel vm12, $0x0, v41  }
0x14d: {  	vm13 =	vlt.s32 v11, v43;
	v13 =	vadd.s32 v42, v13;
	v12 =	vadd.f32 v47, v12  }
0x14e: {  	v50 =	vsel vm0, $0x1, v1;
	v49 =	vnsel vm13, $0x0, v43;
	v13 =	vadd.s32 v44, v13  }
0x14f: {  	vm14 =	vlt.s32 v11, v45;
	v13 =	vadd.s32 v46, v13;
	v12 =	vadd.f32 v49, v12  }
0x150: {  	vm15 =	vlt.s32 v11, v8;
	v13 =	vadd.s32 v48, v13;
	v14 =	vnsel vm14, $0x0, v45  }
0x151: {  	v51 =	vsel vm6, $0x1, v1;
	v13 =	vadd.s32 v50, v13;
	v52 =	vadd.f32 v14, v12  }
0x152: {  	v54 =	vsel vm9, $0x1, v1;
	v8 =	vnsel vm15, $0x0, v8;
	v53 =	vadd.s32 v51, v13  }
0x153: {  	v55 =	vsel vm10, $0x1, v1;
	v12 =	vadd.s32 v54, v53;
	v8 =	vadd.f32 v8, v52  }
0x154: {  	(xrf2) =	vadd.scan.msk.f32 $0xffff, v10;
	v57 =	vsel vm11, $0x1, v1;
	v56 =	vadd.s32 v55, v12  }
0x155: {  	v59 =	vsel vm12, $0x1, v1;
	v58 =	vadd.s32 v57, v56;
	(xrf2) =	vadd.scan.msk.f32 $0xffff, v8  }
0x156: {  	v60 =	vsel vm13, $0x1, v1;
	v8 =	vadd.s32 v59, v58  }
0x157: {  	(xrf0) =	vadd.scan.msk.s32 $0xffff, v9;
	v61 =	vsel vm14, $0x1, v1;
	v8 =	vadd.s32 v60, v8  }
0x158: {  	v62 =	vsel vm15, $0x1, v1;
	v8 =	vadd.s32 v61, v8  }
0x159: {  	v8 =	vadd.s32 v62, v8  }
0x15a: {  	(xrf0) =	vadd.scan.msk.s32 $0xffff, v8;
	_ =	sdelay $0x2  }
0x15b: {  	v8, _, _ =	vpop (xrf0)  }
0x15c: {  	v63, _, _ =	vpop (xrf2);
	(v2sf) =	vpush v8, $0xF  }
0x15d: {  	(v2sf) =	vpush v63, $0xF;
	v8, _, _ =	vpop (xrf2)  }
0x15e: {  	(v2sf) =	vpush v8, $0xF;
	v8, _, _ =	vpop (xrf0)  }
0x15f: {  	(v2sf) =	vpush v8, $0xF;
	_ =	sdelay $0xb  }
0x160: {  	s31 =	spop (v2sf)  }
0x161: {  	s22 =	spop (v2sf)  }
0x162: {  	s23 =	spop (v2sf)  }
0x163: {  	s24 =	spop (v2sf)  }
0x164: {  	s24 =	ssub.s32 $0x40, s24  }
0x165: {  	s24 =	scvt.s32.f32 s24;
	_ =	sdelay $0x1  }
0x166: {  	s20 =	smul.f32 s24, s20  }
.Ltmp13:
0x167: {  	_ = 	snop;
	(pc) =	sbr.rel .LBB2_17-.Ltmp13, $4  }
0x168: {  	_ = 	snop  }
0x169: {  	s20 =	sadd.f32 s20, s23  }
0x16a: {  	p0 =	slt.s32 s31, $0x40  }
0x16b: {  	s20 =	smov.u32 @p0 s22  }
.LBB2_18:
0x16c: {  	s17 =	sshll.u32 s18, $0x4  }
0x16d: {  	p0 =	seq.s32 s18, $0x7;
	s19 =	sor.u32 s3, s17  }
0x16e: {  	s19 =	sshll.u32 @!p0 s19, $0x9  }
.Ltmp14:
0x16f: {  	s21 =	simm.s32 @!p0 $0x0;
	s20 =	sadd.s32 @!p0 s19, s6;
	(pc) =	sbr.rel .LBB2_19-.Ltmp14, $4  }
0x170: {  	[tilespmem:s21], [sflag:$0x1] =	stream.linear.gather @!p0 [hbm4b:s20+s21], $0x8000, $0x38;
	[tilespmem:$0x18080] =	vst v63  }
0x171: {  	_ =	swait.ge [sflag:s13], $0x8000  }
0x172: {  	s18 =	sadd.s32 $0x1, s18;
	s22 =	simm.s32 $0x0;
	[sflag:s13] =	ssyncset.done $0x0  }
0x173: {  	s20 =	simm.s32 $0x0;
	s21 =	simm.s32 $0x8070;
	[sflag:s13] =	ssyncadd.s32 $0xFFFF8000  }
.LBB2_31:
0x174: {  	s22 =	sadd.s32 $0x1, s22  }
0x175: {  	p1 =	sne.s32 s22, $0x8  }
.Ltmp15:
0x176: {  	_ = 	snop;
	(pc) =	sbr.rel @!p1 .LBB2_32-.Ltmp15, $4  }
0x177: {  	_ = 	snop  }
0x178: {  	v6 =	vbroadcast v6, $0x0  }
0x179: {  	vm0 =	veq.s32 v5, v2  }
0x17a: {  	s21 =	sadd.s32 $0x80, s21;
	s20 =	sadd.s32 $0x80, s20;
	v3 =	vsel vm0, s23, v3;
	v4 =	vsel vm0, v6, v4  }
.LBB2_19:
0x17b: {  	v12 =	vld [tilespmem:s21+$0xFFFFFF90]  }
0x17c: {  	v7 =	vld [tilespmem:s21+$0xFFFFFFA0]  }
0x17d: {  	v8 =	vld [tilespmem:s21+$0xFFFFFFB0]  }
0x17e: {  	v9 =	vld [tilespmem:s21+$0xFFFFFFC0]  }
0x17f: {  	v11 =	vld [tilespmem:s21+$0xFFFFFFD0];
	_ =	sdelay $0x2  }
0x180: {  	v15 =	vimm.s32 $0x0;
	vm8 =	vge.f32 v12, $9.687500000e-01  }
0x181: {  	v14 =	vld [tilespmem:s21+$0xFFFFFFF0];
	vm13 =	vge.f32 v7, $9.687500000e-01;
	vm1 =	vge.f32 v8, $9.687500000e-01;
	v5 =	vmpcnt.ones.xlane vm8  }
0x182: {  	v10 =	vld [tilespmem:s21+$0xFFFFFFE0];
	vm2 =	vge.f32 v9, $9.687500000e-01;
	vm3 =	vge.f32 v11, $9.687500000e-01;
	v16 =	vmpcnt.ones.xlane vm13  }
0x183: {  	v6 =	vsel vm8, $0x1, v1;
	v20 =	vadd.s32 v15, v5;
	v5 =	vmpcnt.ones.xlane vm1  }
0x184: {  	v17 =	vsel vm13, $0x1, v1;
	(xrf0) =	vadd.scan.msk.s32 $0xffff, v6;
	v6 =	vmpcnt.ones.xlane vm2;
	v21 =	vadd.s32 v20, v16  }
0x185: {  	(xrf0) =	vadd.scan.msk.s32 $0xffff, v17;
	v16 =	vmpcnt.ones.xlane vm3;
	v23 =	vadd.s32 v21, v5  }
0x186: {  	v13 =	vld [tilespmem:s21+$0x0];
	vm5 =	vge.f32 v14, $9.687500000e-01;
	v24 =	vadd.s32 v23, v6  }
0x187: {  	vm4 =	vge.f32 v10, $9.687500000e-01;
	v17 =	vadd.s32 v24, v16;
	v16 =	vmpcnt.ones.xlane vm5  }
0x188: {  	v6 =	vmpcnt.ones.xlane vm4  }
0x189: {  	v19 =	vsel vm1, $0x1, v1  }
0x18a: {  	v25 =	vsel vm2, $0x1, v1;
	v18 =	vadd.s32 v17, v6;
	v22, _, _ =	vpop (xrf0);
	(xrf0) =	vadd.scan.msk.s32 $0xffff, v19  }
0x18b: {  	vm6 =	vge.f32 v13, $9.687500000e-01;
	v19 =	vadd.s32 v18, v16;
	v16, _, _ =	vpop (xrf0);
	(xrf0) =	vadd.scan.msk.s32 $0xffff, v25  }
0x18c: {  	s23 =	sor.u32 $0x8, s22;
	v26 =	vsel vm3, $0x1, v1;
	v27 =	vsel vm4, $0x1, v1;
	v15 =	vadd.s32 v22, v15  }
0x18d: {  	v28 =	vsel vm5, $0x1, v1;
	v5 =	vmov s23;
	v15 =	vadd.s32 $0xFFFFFFFF, v15  }
0x18e: {  	v6 =	vmpcnt.ones.xlane vm6;
	vm7 =	vgt.s32 v15, $0x0;
	v16 =	vadd.s32 v16, v20;
	(xrf0) =	vadd.scan.msk.s32 $0xffff, v26  }
0x18f: {  	vm9 =	vlt.s32 v15, $0x100;
	v15 =	vnsel vm7, $0x0, v15;
	v16 =	vadd.s32 $0xFFFFFFFF, v16;
	(xrf0) =	vadd.scan.msk.s32 $0xffff, v27  }
0x190: {  	v20 =	vsel vm6, $0x1, v1;
	v15 =	vmin.u32 v15, $0xFF;
	vm10 =	vgt.s32 v16, $0x0;
	v22, _, _ =	vpop (xrf0)  }
0x191: {  	vm7 =	vlt.s32 v16, $0x100;
	v15 =	vshll.u32 v15, $0x7;
	(xrf0) =	vadd.scan.msk.s32 $0xffff, v28;
	v16 =	vnsel vm10, $0x0, v16;
	v25, _, _ =	vpop (xrf0)  }
0x192: {  	v21 =	vadd.s32 v22, v21;
	v22 =	vadd.s32 v5, v15;
	(xrf0) =	vadd.scan.msk.s32 $0xffff, v20;
	v15 =	vadd.s32 v25, v23  }
0x193: {  	v6 =	vadd.s32 v19, v6;
	v16 =	vmin.u32 v16, $0xFF  }
0x194: {  	vm8 =	vmand vm8, vm9;
	v21 =	vadd.s32 $0xFFFFFFFF, v21;
	v16 =	vshll.u32 v16, $0x7;
	v23, _, _ =	vpop (xrf0)  }
0x195: {  	s24 =	smov.u32 s21;
	s23 =	simm.s32 $0x0;
	vm9 =	vgt.s32 v21, $0x0;
	v20 =	vadd.s32 $0xFFFFFFFF, v15;
	v23 =	vadd.s32 v23, v24;
	v15, _, _ =	vpop (xrf0)  }
.LBB2_20:
0x196: {  	vm10 =	vgt.s32 v20, $0x0  }
0x197: {  	s23 =	sadd.s32 $0x8, s23;
	v23 =	vadd.s32 $0xFFFFFFFF, v23;
	v26 =	vadd.s32 v15, v17;
	v17, _, _ =	vpop (xrf0);
	vm0 =	vmmov vm13  }
0x198: {  	p1 =	slt.u32 s23, $0xF8;
	vm11 =	vgt.s32 v23, $0x0;
	v24 =	vadd.s32 $0xFFFFFFFF, v26;
	v26 =	vadd.s32 v17, v18;
	v17, _, _ =	vpop (xrf0)  }
0x199: {  	v15 =	vmovc v14;
	v25 =	vmovc v6;
	vm12 =	vgt.s32 v24, $0x0;
	v18 =	vadd.s32 $0xFFFFFFFF, v26;
	v17 =	vadd.s32 v17, v19  }
0x19a: {  	[tilespmem:v22+s12+$0x0] =	vst.idx.msk vm8, v12;
	v12 =	vnsel vm9, $0x0, v21;
	vm8 =	vgt.s32 v18, $0x0;
	v14 =	vadd.s32 $0xFFFFFFFF, v17  }
0x19b: {  	v19 =	vnsel vm11, $0x0, v23;
	v17 =	vnsel vm10, $0x0, v20;
	vm9 =	vgt.s32 v14, $0x0  }
0x19c: {  	v22 =	vnsel vm12, $0x0, v24;
	v26 =	vnsel vm8, $0x0, v18;
	v27 =	vnsel vm9, $0x0, v14  }
0x19d: {  	v12 =	vmin.u32 v12, $0xFF;
	v17 =	vmin.u32 v17, $0xFF;
	v27 =	vmin.u32 v27, $0xFF  }
0x19e: {  	v19 =	vmin.u32 v19, $0xFF;
	v22 =	vmin.u32 v22, $0xFF;
	v26 =	vmin.u32 v26, $0xFF  }
0x19f: {  	v28 =	vshll.u32 v12, $0x7;
	v17 =	vshll.u32 v17, $0x7;
	v27 =	vshll.u32 v27, $0x7  }
0x1a0: {  	v19 =	vshll.u32 v19, $0x7;
	v22 =	vshll.u32 v22, $0x7;
	v26 =	vshll.u32 v26, $0x7  }
0x1a1: {  	s24 =	sadd.s32 $0x400, s24;
	vm8 =	vlt.s32 v21, $0x100;
	vm10 =	vlt.s32 v14, $0x100;
	vm9 =	vlt.s32 v20, $0x100  }
0x1a2: {  	vm13 =	vlt.s32 v23, $0x100;
	vm14 =	vlt.s32 v24, $0x100;
	vm15 =	vlt.s32 v18, $0x100;
	v12 =	vld [tilespmem:s24+$0xFFFFFF90]  }
0x1a3: {  	v16 =	vadd.s32 v5, v16;
	v20 =	vadd.s32 v5, v28;
	v21 =	vadd.s32 v5, v27;
	v18 =	vld [tilespmem:s24+$0xFFFFFFA0]  }
0x1a4: {  	v19 =	vadd.s32 v5, v19;
	v24 =	vadd.s32 v5, v17;
	v22 =	vadd.s32 v5, v22;
	v23 =	vld [tilespmem:s24+$0xFFFFFFB0]  }
0x1a5: {  	vm12 =	vmand vm0, vm7;
	vm0 =	vmand vm6, vm10;
	v26 =	vadd.s32 v5, v26;
	v27 =	vld [tilespmem:s24+$0xFFFFFFC0]  }
0x1a6: {  	vm6 =	vmand vm1, vm8;
	vm10 =	vmand vm3, vm13;
	vm11 =	vmand vm2, vm9;
	v28 =	vld [tilespmem:s24+$0xFFFFFFD0]  }
0x1a7: {  	vm7 =	vmand vm4, vm14;
	vm9 =	vmand vm5, vm15;
	vm8 =	vge.f32 v12, $9.687500000e-01;
	v29 =	vld [tilespmem:s24+$0xFFFFFFE0]  }
0x1a8: {  	v17 =	vmpcnt.ones.xlane vm8;
	v30 =	vsel vm8, $0x1, v1;
	vm13 =	vge.f32 v18, $9.687500000e-01;
	v14 =	vld [tilespmem:s24+$0xFFFFFFF0]  }
0x1a9: {  	v31 =	vmpcnt.ones.xlane vm13;
	v32 =	vsel vm13, $0x1, v1;
	vm1 =	vge.f32 v23, $9.687500000e-01;
	v33 =	vld [tilespmem:s24+$0x0];
	(xrf0) =	vadd.scan.msk.s32 $0xffff, v30  }
0x1aa: {  	v30 =	vadd.s32 v6, v17;
	v6 =	vmpcnt.ones.xlane vm1;
	vm2 =	vge.f32 v27, $9.687500000e-01;
	(xrf0) =	vadd.scan.msk.s32 $0xffff, v32  }
0x1ab: {  	v31 =	vadd.s32 v30, v31;
	v17 =	vmpcnt.ones.xlane vm2;
	vm3 =	vge.f32 v28, $9.687500000e-01;
	[tilespmem:v21+s12+$0x0] =	vst.idx.msk vm0, v13  }
0x1ac: {  	v32 =	vadd.s32 v31, v6;
	v6 =	vmpcnt.ones.xlane vm3;
	vm4 =	vge.f32 v29, $9.687500000e-01;
	[tilespmem:v16+s12+$0x0] =	vst.idx.msk vm12, v7;
	v7 =	vmovc v18  }
0x1ad: {  	v34 =	vadd.s32 v32, v17;
	v13 =	vmpcnt.ones.xlane vm4;
	vm5 =	vge.f32 v14, $9.687500000e-01;
	[tilespmem:v20+s12+$0x0] =	vst.idx.msk vm6, v8;
	v8 =	vmovc v23  }
0x1ae: {  	v17 =	vadd.s32 v34, v6;
	v6 =	vmpcnt.ones.xlane vm5;
	vm6 =	vge.f32 v33, $9.687500000e-01;
	[tilespmem:v24+s12+$0x0] =	vst.idx.msk vm11, v9;
	v9 =	vmovc v27  }
0x1af: {  	v16 =	vsel vm1, $0x1, v1;
	v18 =	vadd.s32 v17, v13;
	v35 =	vmpcnt.ones.xlane vm6;
	v20, _, _ =	vpop (xrf0);
	[tilespmem:v19+s12+$0x0] =	vst.idx.msk vm10, v11  }
0x1b0: {  	v21 =	vsel vm3, $0x1, v1;
	v27 =	vsel vm2, $0x1, v1;
	v19 =	vadd.s32 v18, v6;
	v23, _, _ =	vpop (xrf0);
	(xrf0) =	vadd.scan.msk.s32 $0xffff, v16  }
0x1b1: {  	v24 =	vsel vm5, $0x1, v1;
	v11 =	vmovc v28;
	v16 =	vsel vm4, $0x1, v1;
	v6 =	vadd.s32 v19, v35;
	(xrf0) =	vadd.scan.msk.s32 $0xffff, v27  }
0x1b2: {  	v20 =	vadd.s32 v20, v25;
	v25 =	vsel vm6, $0x1, v1;
	v23 =	vadd.s32 v23, v30;
	v13 =	vmovc v33;
	(xrf0) =	vadd.scan.msk.s32 $0xffff, v21  }
0x1b3: {  	v20 =	vadd.s32 $0xFFFFFFFF, v20;
	v21 =	vadd.s32 $0xFFFFFFFF, v23;
	(xrf0) =	vadd.scan.msk.s32 $0xffff, v16;
	[tilespmem:v22+s12+$0x0] =	vst.idx.msk vm7, v10;
	v10 =	vmovc v29  }
0x1b4: {  	vm0 =	vlt.s32 v20, $0x100;
	vm7 =	vgt.s32 v20, $0x0;
	vm10 =	vgt.s32 v21, $0x0;
	(xrf0) =	vadd.scan.msk.s32 $0xffff, v24  }
.Ltmp16:
0x1b5: {  	v16 =	vnsel vm7, $0x0, v20;
	vm7 =	vlt.s32 v21, $0x100;
	v20 =	vnsel vm10, $0x0, v21;
	(xrf0) =	vadd.scan.msk.s32 $0xffff, v25;
	(pc) =	sbr.rel @p1 .LBB2_20-.Ltmp16, $4  }
0x1b6: {  	vm8 =	vmand vm8, vm0;
	v16 =	vmin.u32 v16, $0xFF;
	v20 =	vmin.u32 v20, $0xFF;
	v21, _, _ =	vpop (xrf0);
	[tilespmem:v26+s12+$0x0] =	vst.idx.msk vm9, v15  }
0x1b7: {  	v25 =	vshll.u32 v16, $0x7;
	v16 =	vshll.u32 v20, $0x7;
	v20 =	vadd.s32 v21, v31;
	v23, _, _ =	vpop (xrf0)  }
0x1b8: {  	v22 =	vadd.s32 v5, v25;
	v21 =	vadd.s32 $0xFFFFFFFF, v20;
	v24 =	vadd.s32 v23, v32;
	v23, _, _ =	vpop (xrf0)  }
0x1b9: {  	vm9 =	vgt.s32 v21, $0x0;
	v20 =	vadd.s32 $0xFFFFFFFF, v24;
	v23 =	vadd.s32 v23, v34;
	v15, _, _ =	vpop (xrf0)  }
0x1ba: {  	vm0 =	vgt.s32 v20, $0x0;
	(v2sf) =	vpush v6, $0x0  }
0x1bb: {  	v23 =	vadd.s32 $0xFFFFFFFF, v23;
	v15 =	vadd.s32 v15, v17;
	v55 =	vnsel vm9, $0x0, v21  }
0x1bc: {  	v24, _, _ =	vpop (xrf0);
	vm15 =	vlt.s32 v21, $0x100;
	vm7 =	vmand vm13, vm7;
	v16 =	vadd.s32 v5, v16  }
0x1bd: {  	vm10 =	vgt.s32 v23, $0x0;
	v15 =	vadd.s32 $0xFFFFFFFF, v15;
	v18 =	vadd.s32 v24, v18  }
0x1be: {  	v25, _, _ =	vpop (xrf0);
	v56 =	vnsel vm0, $0x0, v20;
	vm0 =	vmand vm1, vm15;
	vm13 =	vlt.s32 v23, $0x100  }
0x1bf: {  	v53 =	vadd.s32 v25, v19;
	vm11 =	vgt.s32 v15, $0x0;
	v18 =	vadd.s32 $0xFFFFFFFF, v18  }
0x1c0: {  	v57 =	vnsel vm10, $0x0, v23;
	v24 =	vmin.u32 v56, $0xFF;
	vm1 =	vmand vm3, vm13  }
0x1c1: {  	v17 =	vadd.s32 $0xFFFFFFFF, v53;
	vm14 =	vgt.s32 v18, $0x0;
	v26 =	vnsel vm11, $0x0, v15  }
0x1c2: {  	v25 =	vmin.u32 v57, $0xFF;
	vm15 =	vlt.s32 v18, $0x100;
	vm12 =	vgt.s32 v17, $0x0  }
0x1c3: {  	v58 =	vnsel vm14, $0x0, v18;
	v26 =	vmin.u32 v26, $0xFF;
	v25 =	vshll.u32 v25, $0x7  }
0x1c4: {  	vm14 =	vlt.s32 v15, $0x100;
	vm3 =	vmand vm5, vm15;
	v54 =	vnsel vm12, $0x0, v17  }
0x1c5: {  	vm12 =	vlt.s32 v17, $0x100;
	v17 =	vmin.u32 v55, $0xFF;
	v21 =	vmin.u32 v58, $0xFF  }
0x1c6: {  	v26 =	vshll.u32 v26, $0x7;
	v60 =	vadd.s32 v5, v25;
	vm4 =	vmand vm4, vm14  }
0x1c7: {  	vm6 =	vmand vm6, vm12;
	v17 =	vshll.u32 v17, $0x7;
	v62 =	vadd.s32 v5, v26  }
0x1c8: {  	v19 =	vmin.u32 v54, $0xFF;
	v61 =	vshll.u32 v21, $0x7;
	v17 =	vadd.s32 v5, v17  }
0x1c9: {  	[tilespmem:v22+s12+$0x0] =	vst.idx.msk vm8, v12;
	vm12 =	vlt.s32 v20, $0x100;
	v19 =	vshll.u32 v19, $0x7;
	v63 =	vadd.s32 v5, v61;
	s23 =	spop (v2sf)  }
0x1ca: {  	v24 =	vshll.u32 v24, $0x7;
	[tilespmem:v16+s12+$0x0] =	vst.idx.msk vm7, v7;
	vm2 =	vmand vm2, vm12;
	v19 =	vadd.s32 v5, v19;
	s23 =	sadd.s32 $0xFFFFFEFF, s23  }
0x1cb: {  	v59 =	vadd.s32 v5, v24;
	[tilespmem:v60+s12+$0x0] =	vst.idx.msk vm1, v11;
	p1 =	sgt.u32 s23, $0xFFFFFF3E  }
.Ltmp17:
0x1cc: {  	[tilespmem:v62+s12+$0x0] =	vst.idx.msk vm4, v10;
	(pc) =	sbr.rel @p1 .LBB2_31-.Ltmp17, $4  }
0x1cd: {  	[tilespmem:v17+s12+$0x0] =	vst.idx.msk vm0, v8  }
0x1ce: {  	[tilespmem:v63+s12+$0x0] =	vst.idx.msk vm3, v14  }
0x1cf: {  	[tilespmem:v19+s12+$0x0] =	vst.idx.msk vm6, v13  }
0x1d0: {  	[tilespmem:v59+s12+$0x0] =	vst.idx.msk vm2, v9;
	s23 =	simm.f32 $0.0e+00  }
0x1d1: {  	v7 =	vmov s20;
	_ =	sdelay $0x3  }
0x1d2: {  	s23 =	simm.s32 $0x0  }
0x1d3: {  	v10 =	vld.idx.msk [tilespmem:v7+s23+$0x8000 ss:$0x1], $0xffff;
	_ =	sdelay $0x1  }
0x1d4: {  	v11 =	vld.idx.msk [tilespmem:v7+s23+$0x8010 ss:$0x1], $0xffff  }
0x1d5: {  	v8 =	vld.idx.msk [tilespmem:v7+s23+$0x8070 ss:$0x1], $0xffff  }
0x1d6: {  	v12 =	vld.idx.msk [tilespmem:v7+s23+$0x8020 ss:$0x1], $0xffff  }
0x1d7: {  	v14 =	vld.idx.msk [tilespmem:v7+s23+$0x8030 ss:$0x1], $0xffff;
	vm5 =	vge.f32 v10, $5.000000000e-01  }
0x1d8: {  	v13 =	vimm.f32 $0.0e+00;
	v9 =	vld.idx.msk [tilespmem:v7+s23+$0x8060 ss:$0x1], $0xffff;
	v15 =	vnsel vm5, $0x0, v10  }
0x1d9: {  	vm6 =	vge.f32 v11, $5.000000000e-01;
	v10 =	vld.idx.msk [tilespmem:v7+s23+$0x8050 ss:$0x1], $0xffff;
	v13 =	vadd.f32 v15, v13  }
0x1da: {  	v11 =	vnsel vm6, $0x0, v11;
	v15 =	vld.idx.msk [tilespmem:v7+s23+$0x8040 ss:$0x1], $0xffff  }
0x1db: {  	vm3 =	vge.f32 v12, $5.000000000e-01;
	v11 =	vadd.f32 v11, v13  }
0x1dc: {  	vm4 =	vge.f32 v14, $5.000000000e-01;
	v12 =	vnsel vm3, $0x0, v12  }
0x1dd: {  	vm0 =	vge.f32 v8, $5.000000000e-01;
	vm1 =	vge.f32 v9, $5.000000000e-01;
	v11 =	vadd.f32 v12, v11  }
0x1de: {  	v13 =	vimm.s32 $0x0;
	v12 =	vnsel vm4, $0x0, v14;
	vm2 =	vge.f32 v10, $5.000000000e-01  }
0x1df: {  	v14 =	vsel vm5, $0x1, v1;
	vm5 =	vge.f32 v15, $5.000000000e-01;
	v11 =	vadd.f32 v12, v11  }
0x1e0: {  	s24 =	simm.s32 $0x0;
	s25 =	simm.s32 $0x2000;
	s23 =	simm.s32 $0x400;
	v12 =	vadd.s32 v14, v13;
	v13 =	vsel vm6, $0x1, v1;
	v14 =	vnsel vm5, $0x0, v15  }
.LBB2_23:
0x1e1: {  	p1 =	sne.s32 s25, $0x1F000;
	v15 =	vld.idx.msk [tilespmem:v7+s23+$0x8000 ss:$0x1], $0xffff;
	v12 =	vadd.s32 v13, v12;
	v13 =	vsel vm3, $0x1, v1;
	v11 =	vadd.f32 v14, v11  }
0x1e2: {  	v10 =	vnsel vm2, $0x0, v10;
	v12 =	vadd.s32 v13, v12;
	v13 =	vsel vm4, $0x1, v1  }
0x1e3: {  	v14 =	vld.idx.msk [tilespmem:v7+s23+$0x8010 ss:$0x1], $0xffff;
	v12 =	vadd.s32 v13, v12;
	v13 =	vsel vm5, $0x1, v1;
	v10 =	vadd.f32 v10, v11  }
0x1e4: {  	v9 =	vnsel vm1, $0x0, v9;
	v11 =	vld.idx.msk [tilespmem:v7+s23+$0x8070 ss:$0x1], $0xffff;
	v12 =	vadd.s32 v13, v12;
	v13 =	vsel vm2, $0x1, v1  }
0x1e5: {  	v16 =	vld.idx.msk [tilespmem:v7+s23+$0x8020 ss:$0x1], $0xffff;
	v12 =	vadd.s32 v13, v12;
	v10 =	vadd.f32 v9, v10;
	v13 =	vsel vm1, $0x1, v1  }
0x1e6: {  	v8 =	vnsel vm0, $0x0, v8;
	v9 =	vld.idx.msk [tilespmem:v7+s23+$0x8060 ss:$0x1], $0xffff;
	v12 =	vadd.s32 v13, v12;
	v13 =	vsel vm0, $0x1, v1  }
0x1e7: {  	vm5 =	vge.f32 v15, $5.000000000e-01;
	v17 =	vld.idx.msk [tilespmem:v7+s23+$0x8030 ss:$0x1], $0xffff;
	v18 =	vadd.f32 v8, v10;
	v12 =	vadd.s32 v13, v12  }
0x1e8: {  	v13 =	vnsel vm5, $0x0, v15;
	v10 =	vld.idx.msk [tilespmem:v7+s23+$0x8050 ss:$0x1], $0xffff  }
0x1e9: {  	vm6 =	vge.f32 v14, $5.000000000e-01;
	v13 =	vadd.f32 v13, v18;
	v15 =	vld.idx.msk [tilespmem:v7+s23+$0x8040 ss:$0x1], $0xffff  }
0x1ea: {  	v14 =	vnsel vm6, $0x0, v14;
	v8 =	vmov v11  }
0x1eb: {  	vm3 =	vge.f32 v16, $5.000000000e-01;
	v11 =	vadd.f32 v14, v13  }
.Ltmp18:
0x1ec: {  	v13 =	vnsel vm3, $0x0, v16;
	(pc) =	sbr.rel @p1 .LBB2_23-.Ltmp18, $4  }
0x1ed: {  	vm0 =	vge.f32 v8, $5.000000000e-01;
	vm4 =	vge.f32 v17, $5.000000000e-01;
	v11 =	vadd.f32 v13, v11  }
0x1ee: {  	vm1 =	vge.f32 v9, $5.000000000e-01;
	v13 =	vnsel vm4, $0x0, v17;
	vm2 =	vge.f32 v10, $5.000000000e-01  }
0x1ef: {  	v14 =	vsel vm5, $0x1, v1;
	vm5 =	vge.f32 v15, $5.000000000e-01;
	v11 =	vadd.f32 v13, v11  }
0x1f0: {  	s23 =	sshra.s32 s25, $0x2;
	s25 =	sadd.s32 $0x1000, s25;
	v12 =	vadd.s32 v14, v12;
	v13 =	vsel vm6, $0x1, v1;
	v14 =	vnsel vm5, $0x0, v15  }
0x1f1: {  	_ =	sdelay $0x2  }
0x1f2: {  	v11 =	vadd.f32 v14, v11  }
0x1f3: {  	v54 =	vld.idx.msk [tilespmem:v7+s23+$0x8000 ss:$0x1], $0xffff;
	v10 =	vnsel vm2, $0x0, v10  }
0x1f4: {  	v12 =	vadd.s32 v13, v12;
	v55 =	vsel vm3, $0x1, v1;
	v57 =	vld.idx.msk [tilespmem:v7+s23+$0x8010 ss:$0x1], $0xffff;
	v10 =	vadd.f32 v10, v11  }
0x1f5: {  	v56 =	vsel vm4, $0x1, v1;
	v9 =	vnsel vm1, $0x0, v9;
	v15 =	vld.idx.msk [tilespmem:v7+s23+$0x8070 ss:$0x1], $0xffff;
	v11 =	vadd.s32 v55, v12  }
0x1f6: {  	v58 =	vsel vm5, $0x1, v1;
	v16 =	vld.idx.msk [tilespmem:v7+s23+$0x8060 ss:$0x1], $0xffff;
	v11 =	vadd.s32 v56, v11;
	v9 =	vadd.f32 v9, v10  }
0x1f7: {  	v8 =	vnsel vm0, $0x0, v8;
	v10 =	vadd.s32 v58, v11;
	v11 =	vld.idx.msk [tilespmem:v7+s23+$0x8020 ss:$0x1], $0xffff  }
0x1f8: {  	v59 =	vsel vm2, $0x1, v1;
	v17 =	vld.idx.msk [tilespmem:v7+s23+$0x8050 ss:$0x1], $0xffff;
	vm9 =	vge.f32 v54, $5.000000000e-01;
	v8 =	vadd.f32 v8, v9  }
0x1f9: {  	v9 =	vadd.s32 v59, v10;
	v10 =	vld.idx.msk [tilespmem:v7+s23+$0x8030 ss:$0x1], $0xffff;
	v60 =	vnsel vm9, $0x0, v54  }
0x1fa: {  	v62 =	vld.idx.msk [tilespmem:v7+s23+$0x8040 ss:$0x1], $0xffff;
	vm10 =	vge.f32 v57, $5.000000000e-01;
	v8 =	vadd.f32 v60, v8  }
0x1fb: {  	v61 =	vsel vm1, $0x1, v1;
	v13 =	vnsel vm10, $0x0, v57  }
0x1fc: {  	v63 =	vsel vm0, $0x1, v1;
	vm11 =	vge.f32 v11, $5.000000000e-01;
	v8 =	vadd.f32 v13, v8  }
0x1fd: {  	vm13 =	vge.f32 v15, $5.000000000e-01;
	vm14 =	vge.f32 v17, $5.000000000e-01;
	v11 =	vnsel vm11, $0x0, v11  }
0x1fe: {  	vm6 =	vge.f32 v16, $5.000000000e-01;
	vm12 =	vge.f32 v10, $5.000000000e-01;
	v8 =	vadd.f32 v11, v8  }
0x1ff: {  	vm15 =	vge.f32 v62, $5.000000000e-01;
	v9 =	vadd.s32 v61, v9;
	v10 =	vnsel vm12, $0x0, v10  }
0x200: {  	v9 =	vadd.s32 v63, v9;
	v11 =	vsel vm9, $0x1, v1;
	v8 =	vadd.f32 v10, v8  }
0x201: {  	v9 =	vadd.s32 v11, v9;
	v11 =	vnsel vm15, $0x0, v62;
	v10 =	vsel vm10, $0x1, v1  }
0x202: {  	v9 =	vadd.s32 v10, v9;
	v10 =	vsel vm11, $0x1, v1;
	v8 =	vadd.f32 v11, v8  }
0x203: {  	v9 =	vadd.s32 v10, v9;
	v10 =	vsel vm12, $0x1, v1;
	v11 =	vnsel vm14, $0x0, v17  }
0x204: {  	v9 =	vadd.s32 v10, v9;
	v10 =	vsel vm15, $0x1, v1;
	v8 =	vadd.f32 v11, v8  }
0x205: {  	v9 =	vadd.s32 v10, v9;
	v10 =	vsel vm14, $0x1, v1;
	v11 =	vnsel vm6, $0x0, v16  }
0x206: {  	v9 =	vadd.s32 v10, v9;
	v10 =	vsel vm6, $0x1, v1;
	v8 =	vadd.f32 v11, v8  }
0x207: {  	v10 =	vadd.s32 v10, v9;
	v9 =	vnsel vm13, $0x0, v15;
	v11 =	vsel vm13, $0x1, v1  }
0x208: {  	s25 =	simm.s32 $0x3F7FFFFF;
	s23 =	simm.s32 $0x3F000000;
	v9 =	vadd.f32 v9, v8;
	v8 =	vadd.s32 v11, v10  }
.LBB2_25:
0x209: {  	_ =	sdelay $0x3  }
0x20a: {  	v11 =	vld.idx.msk [tilespmem:v7+s30+$0x8000 ss:$0x1], $0xffff  }
0x20b: {  	s26 =	ssub.s32 s25, s23;
	v14 =	vld.idx.msk [tilespmem:v7+s30+$0x8010 ss:$0x1], $0xffff  }
0x20c: {  	v16 =	vld.idx.msk [tilespmem:v7+s30+$0x8020 ss:$0x1], $0xffff;
	s26 =	sadd.s32 $0x1, s26  }
0x20d: {  	v15 =	vld.idx.msk [tilespmem:v7+s30+$0x8030 ss:$0x1], $0xffff;
	s26 =	sshra.s32 s26, $0x1  }
0x20e: {  	v13 =	vld.idx.msk [tilespmem:v7+s30+$0x8040 ss:$0x1], $0xffff;
	s26 =	sadd.s32 s23, s26  }
0x20f: {  	v12 =	vld.idx.msk [tilespmem:v7+s30+$0x8050 ss:$0x1], $0xffff;
	v10 =	vmov s26  }
0x210: {  	vm0 =	vge.s32 v11, v10;
	v11 =	vld.idx.msk [tilespmem:v7+s30+$0x8060 ss:$0x1], $0xffff  }
0x211: {  	v18 =	vimm.s32 $0x0;
	s28 =	simm.s32 $0x400;
	s29 =	simm.s32 $0x2000;
	v17 =	vsel vm0, $0x1, v1;
	vm0 =	vge.s32 v14, v10;
	v14 =	vld.idx.msk [tilespmem:v7+s30+$0x8070 ss:$0x1], $0xffff  }
.LBB2_26:
0x212: {  	p1 =	sne.s32 s29, $0x1F000;
	v19 =	vld.idx.msk [tilespmem:v7+s28+$0x8000 ss:$0x1], $0xffff;
	v17 =	vadd.s32 v17, v18;
	v18 =	vsel vm0, $0x1, v1;
	vm0 =	vge.s32 v16, v10  }
0x213: {  	v20 =	vld.idx.msk [tilespmem:v7+s28+$0x8010 ss:$0x1], $0xffff;
	v17 =	vadd.s32 v18, v17;
	v18 =	vsel vm0, $0x1, v1;
	vm0 =	vge.s32 v15, v10  }
0x214: {  	v16 =	vld.idx.msk [tilespmem:v7+s28+$0x8020 ss:$0x1], $0xffff;
	v17 =	vadd.s32 v18, v17;
	v18 =	vsel vm0, $0x1, v1;
	vm0 =	vge.s32 v13, v10  }
.Ltmp19:
0x215: {  	v15 =	vld.idx.msk [tilespmem:v7+s28+$0x8030 ss:$0x1], $0xffff;
	v17 =	vadd.s32 v18, v17;
	v18 =	vsel vm0, $0x1, v1;
	vm0 =	vge.s32 v12, v10;
	(pc) =	sbr.rel @p1 .LBB2_26-.Ltmp19, $4  }
0x216: {  	v13 =	vld.idx.msk [tilespmem:v7+s28+$0x8040 ss:$0x1], $0xffff;
	v17 =	vadd.s32 v18, v17;
	v18 =	vsel vm0, $0x1, v1;
	vm0 =	vge.s32 v11, v10  }
0x217: {  	v12 =	vld.idx.msk [tilespmem:v7+s28+$0x8050 ss:$0x1], $0xffff;
	v17 =	vadd.s32 v18, v17;
	v18 =	vsel vm0, $0x1, v1;
	vm0 =	vge.s32 v14, v10  }
0x218: {  	vm1 =	vge.s32 v19, v10;
	v11 =	vld.idx.msk [tilespmem:v7+s28+$0x8060 ss:$0x1], $0xffff;
	v18 =	vadd.s32 v18, v17;
	v19 =	vsel vm0, $0x1, v1  }
0x219: {  	v17 =	vsel vm1, $0x1, v1;
	vm0 =	vge.s32 v20, v10;
	v14 =	vld.idx.msk [tilespmem:v7+s28+$0x8070 ss:$0x1], $0xffff;
	s28 =	sshra.s32 s29, $0x2;
	s29 =	sadd.s32 $0x1000, s29;
	v18 =	vadd.s32 v19, v18  }
0x21a: {  	_ =	sdelay $0x2  }
0x21b: {  	v17 =	vadd.s32 v17, v18;
	v40 =	vsel vm0, $0x1, v1;
	vm15 =	vge.s32 v16, v10  }
0x21c: {  	v41 =	vld.idx.msk [tilespmem:v7+s28+$0x8000 ss:$0x1], $0xffff;
	vm4 =	vge.s32 v15, v10;
	v17 =	vadd.s32 v40, v17;
	v42 =	vsel vm15, $0x1, v1  }
0x21d: {  	v43 =	vld.idx.msk [tilespmem:v7+s28+$0x8010 ss:$0x1], $0xffff;
	v44 =	vsel vm4, $0x1, v1;
	vm5 =	vge.s32 v13, v10;
	v17 =	vadd.s32 v42, v17  }
0x21e: {  	v45 =	vld.idx.msk [tilespmem:v7+s28+$0x8020 ss:$0x1], $0xffff;
	v46 =	vsel vm5, $0x1, v1;
	vm6 =	vge.s32 v12, v10;
	v17 =	vadd.s32 v44, v17  }
0x21f: {  	v47 =	vld.idx.msk [tilespmem:v7+s28+$0x8030 ss:$0x1], $0xffff;
	v48 =	vsel vm6, $0x1, v1;
	vm7 =	vge.s32 v11, v10;
	v17 =	vadd.s32 v46, v17  }
0x220: {  	v11 =	vld.idx.msk [tilespmem:v7+s28+$0x8040 ss:$0x1], $0xffff;
	v49 =	vsel vm7, $0x1, v1;
	vm8 =	vge.s32 v14, v10;
	v17 =	vadd.s32 v48, v17  }
0x221: {  	v50 =	vld.idx.msk [tilespmem:v7+s28+$0x8050 ss:$0x1], $0xffff;
	vm1 =	vge.s32 v41, v10;
	v52 =	vsel vm8, $0x1, v1;
	v51 =	vadd.s32 v49, v17  }
0x222: {  	v53 =	vld.idx.msk [tilespmem:v7+s28+$0x8060 ss:$0x1], $0xffff;
	vm9 =	vge.s32 v43, v10;
	v19 =	vsel vm1, $0x1, v1;
	v54 =	vadd.s32 v52, v51  }
0x223: {  	v55 =	vld.idx.msk [tilespmem:v7+s28+$0x8070 ss:$0x1], $0xffff;
	vm10 =	vge.s32 v45, v10;
	v56 =	vsel vm9, $0x1, v1;
	v15 =	vadd.s32 v19, v54  }
0x224: {  	vm11 =	vge.s32 v47, v10;
	v58 =	vsel vm10, $0x1, v1;
	v57 =	vadd.s32 v56, v15  }
0x225: {  	v60 =	vsel vm11, $0x1, v1;
	vm12 =	vge.s32 v11, v10;
	v59 =	vadd.s32 v58, v57  }
0x226: {  	vm13 =	vge.s32 v50, v10;
	v61 =	vsel vm12, $0x1, v1;
	v11 =	vadd.s32 v60, v59  }
0x227: {  	vm14 =	vge.s32 v53, v10;
	v62 =	vsel vm13, $0x1, v1;
	v11 =	vadd.s32 v61, v11  }
0x228: {  	vm15 =	vge.s32 v55, v10;
	v63 =	vsel vm14, $0x1, v1;
	v11 =	vadd.s32 v62, v11  }
0x229: {  	v10 =	vadd.s32 v63, v11;
	v11 =	vsel vm15, $0x1, v1  }
0x22a: {  	v10 =	vadd.s32 v11, v10  }
0x22b: {  	(xrf0) =	vadd.scan.msk.s32 $0xffff, v10;
	_ =	sdelay $0x5  }
0x22c: {  	v10, _, _ =	vpop (xrf0)  }
0x22d: {  	(v2sf) =	vpush v10, $0xF;
	_ =	sdelay $0xb  }
0x22e: {  	s24 =	sadd.s32 $0x1, s24  }
0x22f: {  	p2 =	sne.s32 s24, $0x17  }
.Ltmp20:
0x230: {  	_ = 	snop;
	(pc) =	sbr.rel @p2 .LBB2_25-.Ltmp20, $4  }
0x231: {  	s31 =	spop (v2sf)  }
0x232: {  	s28 =	sadd.s32 $0xFFFFFFFF, s26;
	p1 =	sgt.s32 s31, $0x3F  }
0x233: {  	s28 =	smov.u32 @p1 s25  }
0x234: {  	s23 =	smov.u32 @p1 s26;
	s25 =	smov.u32 s28  }
0x235: {  	_ =	sdelay $0x2  }
0x236: {  	s24 =	simm.s32 $0x0  }
0x237: {  	v13 =	vld.idx.msk [tilespmem:v7+s24+$0x8000 ss:$0x1], $0xffff;
	_ =	sdelay $0x1  }
0x238: {  	v14 =	vld.idx.msk [tilespmem:v7+s24+$0x8010 ss:$0x1], $0xffff  }
0x239: {  	v12 =	vld.idx.msk [tilespmem:v7+s24+$0x8070 ss:$0x1], $0xffff  }
0x23a: {  	v10 =	vmov s23;
	v15 =	vld.idx.msk [tilespmem:v7+s24+$0x8020 ss:$0x1], $0xffff  }
0x23b: {  	v17 =	vld.idx.msk [tilespmem:v7+s24+$0x8030 ss:$0x1], $0xffff;
	vm5 =	vlt.s32 v10, v13  }
0x23c: {  	v16 =	vimm.f32 $0.0e+00;
	v11 =	vld.idx.msk [tilespmem:v7+s24+$0x8060 ss:$0x1], $0xffff;
	v18 =	vnsel vm5, $0x0, v13  }
0x23d: {  	vm6 =	vlt.s32 v10, v14;
	v13 =	vld.idx.msk [tilespmem:v7+s24+$0x8050 ss:$0x1], $0xffff;
	v16 =	vadd.f32 v18, v16  }
0x23e: {  	v14 =	vnsel vm6, $0x0, v14;
	v18 =	vld.idx.msk [tilespmem:v7+s24+$0x8040 ss:$0x1], $0xffff  }
0x23f: {  	vm4 =	vlt.s32 v10, v15;
	v14 =	vadd.f32 v14, v16  }
0x240: {  	vm3 =	vlt.s32 v10, v17;
	v15 =	vnsel vm4, $0x0, v15  }
0x241: {  	vm0 =	vlt.s32 v10, v12;
	vm1 =	vlt.s32 v10, v11;
	v14 =	vadd.f32 v15, v14  }
0x242: {  	v16 =	vimm.s32 $0x0;
	v15 =	vnsel vm3, $0x0, v17;
	vm2 =	vlt.s32 v10, v13  }
0x243: {  	v17 =	vsel vm5, $0x1, v1;
	vm5 =	vlt.s32 v10, v18;
	v15 =	vadd.f32 v15, v14  }
0x244: {  	s25 =	simm.s32 $0x2000;
	s24 =	simm.s32 $0x400;
	v14 =	vadd.s32 v17, v16;
	v16 =	vsel vm6, $0x1, v1;
	v17 =	vnsel vm5, $0x0, v18  }
.LBB2_29:
0x245: {  	p1 =	sne.s32 s25, $0x1F000;
	v18 =	vld.idx.msk [tilespmem:v7+s24+$0x8000 ss:$0x1], $0xffff;
	v14 =	vadd.s32 v16, v14;
	v16 =	vsel vm4, $0x1, v1;
	v15 =	vadd.f32 v17, v15  }
0x246: {  	v13 =	vnsel vm2, $0x0, v13;
	v14 =	vadd.s32 v16, v14;
	v16 =	vsel vm3, $0x1, v1  }
0x247: {  	v17 =	vld.idx.msk [tilespmem:v7+s24+$0x8010 ss:$0x1], $0xffff;
	v14 =	vadd.s32 v16, v14;
	v16 =	vsel vm5, $0x1, v1;
	v13 =	vadd.f32 v13, v15  }
0x248: {  	v11 =	vnsel vm1, $0x0, v11;
	v15 =	vld.idx.msk [tilespmem:v7+s24+$0x8070 ss:$0x1], $0xffff;
	v14 =	vadd.s32 v16, v14;
	v16 =	vsel vm2, $0x1, v1  }
0x249: {  	v19 =	vld.idx.msk [tilespmem:v7+s24+$0x8020 ss:$0x1], $0xffff;
	v14 =	vadd.s32 v16, v14;
	v13 =	vadd.f32 v11, v13;
	v16 =	vsel vm1, $0x1, v1  }
0x24a: {  	v12 =	vnsel vm0, $0x0, v12;
	v11 =	vld.idx.msk [tilespmem:v7+s24+$0x8060 ss:$0x1], $0xffff;
	v14 =	vadd.s32 v16, v14;
	v16 =	vsel vm0, $0x1, v1  }
0x24b: {  	vm5 =	vlt.s32 v10, v18;
	v20 =	vld.idx.msk [tilespmem:v7+s24+$0x8030 ss:$0x1], $0xffff;
	v21 =	vadd.f32 v12, v13;
	v14 =	vadd.s32 v16, v14  }
0x24c: {  	v16 =	vnsel vm5, $0x0, v18;
	v13 =	vld.idx.msk [tilespmem:v7+s24+$0x8050 ss:$0x1], $0xffff  }
0x24d: {  	vm6 =	vlt.s32 v10, v17;
	v16 =	vadd.f32 v16, v21;
	v18 =	vld.idx.msk [tilespmem:v7+s24+$0x8040 ss:$0x1], $0xffff  }
0x24e: {  	v17 =	vnsel vm6, $0x0, v17;
	v12 =	vmov v15  }
0x24f: {  	vm4 =	vlt.s32 v10, v19;
	v15 =	vadd.f32 v17, v16  }
.Ltmp21:
0x250: {  	v16 =	vnsel vm4, $0x0, v19;
	(pc) =	sbr.rel @p1 .LBB2_29-.Ltmp21, $4  }
0x251: {  	vm0 =	vlt.s32 v10, v12;
	vm3 =	vlt.s32 v10, v20;
	v15 =	vadd.f32 v16, v15  }
0x252: {  	vm1 =	vlt.s32 v10, v11;
	v16 =	vnsel vm3, $0x0, v20;
	vm2 =	vlt.s32 v10, v13  }
0x253: {  	v17 =	vsel vm5, $0x1, v1;
	vm5 =	vlt.s32 v10, v18;
	v15 =	vadd.f32 v16, v15  }
0x254: {  	s24 =	sshra.s32 s25, $0x2;
	s25 =	sadd.s32 $0x1000, s25;
	v14 =	vadd.s32 v17, v14;
	v16 =	vsel vm6, $0x1, v1;
	v17 =	vnsel vm5, $0x0, v18  }
0x255: {  	_ =	sdelay $0x2  }
0x256: {  	v15 =	vadd.f32 v17, v15  }
0x257: {  	v36 =	vld.idx.msk [tilespmem:v7+s24+$0x8000 ss:$0x1], $0xffff;
	v13 =	vnsel vm2, $0x0, v13  }
0x258: {  	v13 =	vadd.f32 v13, v15  }
0x259: {  	v37 =	vld.idx.msk [tilespmem:v7+s24+$0x8010 ss:$0x1], $0xffff;
	v11 =	vnsel vm1, $0x0, v11  }
0x25a: {  	v11 =	vadd.f32 v11, v13  }
0x25b: {  	v38 =	vld.idx.msk [tilespmem:v7+s24+$0x8020 ss:$0x1], $0xffff;
	v12 =	vnsel vm0, $0x0, v12  }
0x25c: {  	vm6 =	vlt.s32 v10, v36;
	v11 =	vadd.f32 v12, v11  }
0x25d: {  	v40 =	vld.idx.msk [tilespmem:v7+s24+$0x8030 ss:$0x1], $0xffff;
	v41 =	vnsel vm6, $0x0, v36  }
0x25e: {  	vm9 =	vlt.s32 v10, v37;
	v11 =	vadd.f32 v41, v11  }
0x25f: {  	v43 =	vld.idx.msk [tilespmem:v7+s24+$0x8040 ss:$0x1], $0xffff;
	v15 =	vnsel vm9, $0x0, v37  }
0x260: {  	vm10 =	vlt.s32 v10, v38;
	v11 =	vadd.f32 v15, v11  }
0x261: {  	v39 =	vadd.s32 v16, v14;
	v45 =	vld.idx.msk [tilespmem:v7+s24+$0x8050 ss:$0x1], $0xffff;
	v13 =	vnsel vm10, $0x0, v38  }
0x262: {  	v42 =	vsel vm4, $0x1, v1;
	vm11 =	vlt.s32 v10, v40;
	v11 =	vadd.f32 v13, v11  }
0x263: {  	v44 =	vsel vm3, $0x1, v1;
	v46 =	vsel vm5, $0x1, v1;
	v47 =	vld.idx.msk [tilespmem:v7+s24+$0x8060 ss:$0x1], $0xffff;
	v14 =	vnsel vm11, $0x0, v40  }
0x264: {  	v48 =	vsel vm2, $0x1, v1;
	v7 =	vld.idx.msk [tilespmem:v7+s24+$0x8070 ss:$0x1], $0xffff;
	vm12 =	vlt.s32 v10, v43;
	v11 =	vadd.f32 v14, v11  }
0x265: {  	v50 =	vsel vm1, $0x1, v1;
	v12 =	vadd.s32 v42, v39;
	v49 =	vnsel vm12, $0x0, v43  }
0x266: {  	vm13 =	vlt.s32 v10, v45;
	v12 =	vadd.s32 v44, v12;
	v11 =	vadd.f32 v49, v11  }
0x267: {  	v52 =	vsel vm0, $0x1, v1;
	v51 =	vnsel vm13, $0x0, v45;
	v12 =	vadd.s32 v46, v12  }
0x268: {  	vm14 =	vlt.s32 v10, v47;
	v12 =	vadd.s32 v48, v12;
	v11 =	vadd.f32 v51, v11  }
0x269: {  	vm15 =	vlt.s32 v10, v7;
	v12 =	vadd.s32 v50, v12;
	v13 =	vnsel vm14, $0x0, v47  }
0x26a: {  	v53 =	vsel vm6, $0x1, v1;
	v12 =	vadd.s32 v52, v12;
	v54 =	vadd.f32 v13, v11  }
0x26b: {  	v56 =	vsel vm9, $0x1, v1;
	v7 =	vnsel vm15, $0x0, v7;
	v55 =	vadd.s32 v53, v12  }
0x26c: {  	v57 =	vsel vm10, $0x1, v1;
	v11 =	vadd.s32 v56, v55;
	v7 =	vadd.f32 v7, v54  }
0x26d: {  	(xrf2) =	vadd.scan.msk.f32 $0xffff, v9;
	v59 =	vsel vm11, $0x1, v1;
	v58 =	vadd.s32 v57, v11  }
0x26e: {  	v61 =	vsel vm12, $0x1, v1;
	v60 =	vadd.s32 v59, v58;
	(xrf2) =	vadd.scan.msk.f32 $0xffff, v7  }
0x26f: {  	v62 =	vsel vm13, $0x1, v1;
	v7 =	vadd.s32 v61, v60  }
0x270: {  	(xrf0) =	vadd.scan.msk.s32 $0xffff, v8;
	v63 =	vsel vm14, $0x1, v1;
	v7 =	vadd.s32 v62, v7  }
0x271: {  	v8 =	vsel vm15, $0x1, v1;
	v7 =	vadd.s32 v63, v7  }
0x272: {  	v7 =	vadd.s32 v8, v7  }
0x273: {  	(xrf0) =	vadd.scan.msk.s32 $0xffff, v7;
	_ =	sdelay $0x2  }
0x274: {  	v7, _, _ =	vpop (xrf0)  }
0x275: {  	v8, _, _ =	vpop (xrf2);
	(v2sf) =	vpush v7, $0xF  }
0x276: {  	(v2sf) =	vpush v8, $0xF;
	v7, _, _ =	vpop (xrf2)  }
0x277: {  	(v2sf) =	vpush v7, $0xF;
	v7, _, _ =	vpop (xrf0)  }
0x278: {  	(v2sf) =	vpush v7, $0xF;
	_ =	sdelay $0xb  }
0x279: {  	s31 =	spop (v2sf)  }
0x27a: {  	s25 =	spop (v2sf)  }
0x27b: {  	s26 =	spop (v2sf)  }
0x27c: {  	s28 =	spop (v2sf)  }
0x27d: {  	s28 =	ssub.s32 $0x40, s28  }
0x27e: {  	s28 =	scvt.s32.f32 s28;
	_ =	sdelay $0x1  }
0x27f: {  	s23 =	smul.f32 s28, s23  }
.Ltmp22:
0x280: {  	_ = 	snop;
	(pc) =	sbr.rel .LBB2_31-.Ltmp22, $4  }
0x281: {  	_ = 	snop  }
0x282: {  	s23 =	sadd.f32 s23, s26  }
0x283: {  	p1 =	slt.s32 s31, $0x40  }
0x284: {  	s23 =	smov.u32 @p1 s25  }
.LBB2_32:
0x285: {  	v5 =	vxor.u32 $0x80000000, v4  }
0x286: {  	(xrf0) =	vmax.scan.msk.u32 $0xffff, v5;
	_ =	sdelay $0x5  }
0x287: {  	v5, _, _ =	vpop (xrf0)  }
0x288: {  	(v2sf) =	vpush v5, $0xF;
	_ =	sdelay $0xc  }
0x289: {  	s19 =	sadd.s32 @!p0 s19, s7;
	s20 =	simm.s32 @!p0 $0x0;
	s21 =	simm.s32 @!p0 $0x8000  }
0x28a: {  	[tilespmem:s21], [sflag:$0x2] =	stream.linear.gather @!p0 [hbm4b:s19+s20], $0x8000, $0x38;
	[tilespmem:$0x18080] =	vst v63  }
0x28b: {  	s26 =	spop (v2sf)  }
0x28c: {  	s19 =	sxor.u32 $0x80000000, s26  }
0x28d: {  	p0 =	slt.s32 s19, $0x100  }
0x28e: {  	s19 =	simm.s32 @!p0 $0x100  }
0x28f: {  	s19 =	sadd.s32 $0x7, s19  }
.Ltmp23:
0x290: {  	s28 =	sshra.s32 s19, $0x3;
	s19 =	sshrl.u32 s19, $0x1F;
	(pc) =	sbr.rel .LBB2_33-.Ltmp23, $4  }
0x291: {  	s19 =	sadd.s32 s19, s28  }
0x292: {  	s22 =	sshll.u32 s19, $0xC;
	s20 =	sand.u32 $0xFFFFFFFE, s19  }
0x293: {  	s21 =	simm.s32 $0x0;
	s29 =	sshra.s32 s22, $0x2;
	s31 =	ssub.s32 s28, s20  }
0x294: {  	v6 =	vimm.s32 $0x3F7FFFFF;
	v5 =	vimm.s32 $0x3F780000;
	p1 =	slt.s32 s20, $0x1;
	s19 =	sand.u32 $0xFFFFF800, s29;
	p0 =	slt.s32 s31, $0x1  }
.LBB2_34:
0x295: {  	v10 =	vimm.s32 $0x0;
	v9 =	vimm.s32 $0x0  }
0x296: {  	v13 =	vimm.s32 $0x0;
	v14 =	vimm.s32 $0x0;
	v8 =	vimm.s32 $0x0  }
0x297: {  	v15 =	vimm.s32 $0x0;
	v11 =	vimm.s32 $0x0;
	v12 =	vimm.s32 $0x0  }
.LBB2_35:
0x298: {  	v16 =	vld @!p0 [tilespmem:s19+$0x10380]  }
0x299: {  	v17 =	vld @!p0 [tilespmem:s19+$0x10300]  }
0x29a: {  	v18 =	vld @!p0 [tilespmem:s19+$0x10280]  }
0x29b: {  	v19 =	vld @!p0 [tilespmem:s19+$0x10200]  }
0x29c: {  	v20 =	vld @!p0 [tilespmem:s19+$0x10180]  }
0x29d: {  	v21 =	vld @!p0 [tilespmem:s19+$0x10080]  }
0x29e: {  	vm0 =	vge.s32 @!p0 v16, v7;
	v16 =	vimm.s32 @!p0 $0x0;
	vm1 =	vge.s32 @!p0 v17, v7;
	v17 =	vld @!p0 [tilespmem:s19+$0x10000]  }
0x29f: {  	v22 =	vsel @!p0 vm0, $0x1, v16;
	vm0 =	vge.s32 @!p0 v18, v7;
	v18 =	vld @!p0 [tilespmem:s19+$0x10100]  }
0x2a0: {  	v23 =	vsel @!p0 vm1, $0x1, v16;
	v24 =	vsel @!p0 vm0, $0x1, v16;
	vm0 =	vge.s32 @!p0 v19, v7  }
0x2a1: {  	v19 =	vadd.s32 @!p0 v23, v11;
	v23 =	vsel @!p0 vm0, $0x1, v16;
	vm0 =	vge.s32 @!p0 v20, v7  }
0x2a2: {  	v20 =	vadd.s32 @!p0 v24, v15;
	v24 =	vsel @!p0 vm0, $0x1, v16;
	vm0 =	vge.s32 @!p0 v21, v7  }
0x2a3: {  	v21 =	vadd.s32 @!p0 v23, v8;
	v23 =	vsel @!p0 vm0, $0x1, v16;
	vm0 =	vge.s32 @!p0 v17, v7  }
0x2a4: {  	v17 =	vadd.s32 @!p0 v24, v14;
	v24 =	vsel @!p0 vm0, $0x1, v16;
	vm0 =	vge.s32 @!p0 v18, v7  }
0x2a5: {  	v18 =	vadd.s32 @!p0 v23, v9;
	v16 =	vsel @!p0 vm0, $0x1, v16;
	v23 =	vadd.s32 @!p0 v24, v10  }
0x2a6: {  	v9 =	vpsel p0, v9, v18;
	v16 =	vadd.s32 @!p0 v16, v13;
	v10 =	vpsel p0, v10, v23  }
0x2a7: {  	v13 =	vpsel p0, v13, v16;
	v9 =	vadd.s32 v10, v9  }
0x2a8: {  	v14 =	vpsel p0, v14, v17;
	v9 =	vadd.s32 v13, v9  }
0x2a9: {  	s21 =	sadd.s32 $0x1, s21;
	v8 =	vpsel p0, v8, v21;
	v9 =	vadd.s32 v14, v9  }
0x2aa: {  	p2 =	sne.s32 s21, $0x13;
	v15 =	vpsel p0, v15, v20;
	v8 =	vadd.s32 v8, v9  }
.Ltmp24:
0x2ab: {  	v22 =	vadd.s32 @!p0 v22, v12;
	v11 =	vpsel p0, v11, v19;
	v8 =	vadd.s32 v15, v8;
	(pc) =	sbr.rel @!p2 .LBB2_36-.Ltmp24, $4  }
0x2ac: {  	v12 =	vpsel p0, v12, v22;
	v8 =	vadd.s32 v11, v8  }
0x2ad: {  	v8 =	vadd.s32 v12, v8  }
0x2ae: {  	vm15 =	vgt.s32 v8, $0x3F;
	v8 =	vadd.s32 $0xFFFFFFFF, v7  }
0x2af: {  	v5 =	vsel vm15, v7, v5;
	v6 =	vsel vm15, v6, v8  }
.LBB2_33:
.Ltmp25:
0x2b0: {  	(pc) =	sbr.rel @p1 .LBB2_34-.Ltmp25, $4  }
0x2b1: {  	v7 =	vsub.s32 v6, v5  }
0x2b2: {  	v7 =	vadd.s32 $0x1, v7  }
0x2b3: {  	v7 =	vshra.s32 v7, $0x1  }
0x2b4: {  	v7 =	vadd.s32 v5, v7  }
0x2b5: {  	s23 =	simm.s32 $0x10400  }
0x2b6: {  	v8 =	vld [tilespmem:s23+$0x200]  }
0x2b7: {  	v11 =	vld [tilespmem:s23+$0xFFFFFC80]  }
0x2b8: {  	v10 =	vld [tilespmem:s23+$0x80]  }
0x2b9: {  	v12 =	vld [tilespmem:s23+$0xFFFFFC00]  }
0x2ba: {  	v13 =	vld [tilespmem:s23+$0xFFFFFD80]  }
0x2bb: {  	v14 =	vld [tilespmem:s23+$0xFFFFFD00]  }
0x2bc: {  	v15 =	vld [tilespmem:s23+$0xFFFFFE80]  }
0x2bd: {  	v9 =	vimm.s32 $0x0;
	v16 =	vld [tilespmem:s23+$0x0]  }
0x2be: {  	v19 =	vld [tilespmem:s23+$0xFFFFFF00];
	vm0 =	vge.s32 v8, v7;
	vm1 =	vge.s32 v12, v7;
	vm2 =	vge.s32 v10, v7  }
0x2bf: {  	v17 =	vld [tilespmem:s23+$0x180];
	vm3 =	vge.s32 v11, v7;
	v11 =	vimm.s32 $0x0;
	v8 =	vsel vm0, $0x1, v1  }
0x2c0: {  	p2 =	sgt.s32 s20, $0x2;
	v12 =	vld [tilespmem:s23+$0x280];
	v10 =	vsel vm1, $0x1, v1;
	vm0 =	vge.s32 v13, v7;
	v18 =	vsel vm2, $0x1, v1  }
.Ltmp26:
0x2c1: {  	v22 =	vld [tilespmem:s23+$0xFFFFFF80];
	vm2 =	vge.s32 v14, v7;
	vm1 =	vge.s32 v15, v7;
	v26 =	vsel vm3, $0x1, v1;
	(pc) =	sbr.rel @!p2 .LBB2_43-.Ltmp26, $4  }
0x2c2: {  	v20 =	vld [tilespmem:s23+$0x100];
	v13 =	vsel vm0, $0x1, v1;
	v10 =	vadd.s32 v10, v9;
	v25 =	vsel vm2, $0x1, v1  }
0x2c3: {  	v24 =	vld [tilespmem:s23+$0x300];
	vm2 =	vge.s32 v16, v7;
	vm0 =	vge.s32 v19, v7;
	v16 =	vimm.s32 $0x0  }
0x2c4: {  	v21 =	vld [tilespmem:s23+$0x380];
	v19 =	vimm.s32 $0x0;
	v14 =	vadd.s32 v13, v9;
	v15 =	vsel vm2, $0x1, v1  }
0x2c5: {  	s22 =	simm.s32 $0x2;
	v23 =	vld [tilespmem:s23+$0xFFFFFE00];
	s23 =	simm.s32 $0x10C00;
	v13 =	vimm.s32 $0x0;
	vm2 =	vge.s32 v12, v7;
	v12 =	vimm.s32 $0x0  }
.LBB2_42:
0x2c6: {  	v27 =	vld [tilespmem:s23+$0x200];
	s22 =	sadd.s32 $0x2, s22;
	v9 =	vadd.s32 v26, v9;
	v26 =	vsel vm1, $0x1, v1;
	vm1 =	vge.s32 v22, v7  }
0x2c7: {  	v16 =	vadd.s32 v25, v16;
	vm3 =	vge.s32 v17, v7;
	v17 =	vsel vm2, $0x1, v1;
	v28 =	vld [tilespmem:s23+$0x0];
	p2 =	slt.s32 s22, s20  }
0x2c8: {  	v9 =	vadd.s32 v18, v9;
	v18 =	vsel vm3, $0x1, v1;
	v25 =	vld [tilespmem:s23+$0xFFFFFC80];
	vm2 =	vge.s32 v24, v7  }
0x2c9: {  	v19 =	vadd.s32 v26, v19;
	vm3 =	vge.s32 v20, v7;
	v22 =	vld [tilespmem:s23+$0x80];
	v20 =	vsel vm2, $0x1, v1  }
0x2ca: {  	v26 =	vsel vm1, $0x1, v1;
	v29 =	vsel vm3, $0x1, v1;
	vm1 =	vge.s32 v21, v7;
	v24 =	vld [tilespmem:s23+$0xFFFFFD00]  }
0x2cb: {  	v13 =	vadd.s32 v26, v13;
	vm2 =	vge.s32 v23, v7;
	v23 =	vsel vm0, $0x1, v1;
	v21 =	vld [tilespmem:s23+$0xFFFFFC00]  }
0x2cc: {  	v14 =	vadd.s32 v18, v14;
	v16 =	vadd.s32 v29, v16;
	v18 =	vsel vm1, $0x1, v1;
	v26 =	vld [tilespmem:s23+$0xFFFFFD80]  }
0x2cd: {  	v30 =	vsel vm2, $0x1, v1;
	v12 =	vadd.s32 v23, v12;
	v13 =	vadd.s32 v18, v13;
	v29 =	vld [tilespmem:s23+$0xFFFFFE80]  }
0x2ce: {  	v10 =	vadd.s32 v15, v10;
	v11 =	vadd.s32 v30, v11;
	v12 =	vadd.s32 v20, v12;
	v23 =	vld [tilespmem:s23+$0xFFFFFF00]  }
0x2cf: {  	v19 =	vadd.s32 v17, v19;
	vm0 =	vge.s32 v27, v7;
	v11 =	vadd.s32 v8, v11;
	v27 =	vld [tilespmem:s23+$0x280]  }
0x2d0: {  	v8 =	vsel vm0, $0x1, v1;
	vm2 =	vge.s32 v22, v7;
	vm1 =	vge.s32 v21, v7;
	v17 =	vld [tilespmem:s23+$0x180]  }
.Ltmp27:
0x2d1: {  	v18 =	vsel vm2, $0x1, v1;
	v15 =	vsel vm1, $0x1, v1;
	vm0 =	vge.s32 v26, v7;
	v22 =	vld [tilespmem:s23+$0xFFFFFF80];
	(pc) =	sbr.rel @p2 .LBB2_42-.Ltmp27, $4  }
0x2d2: {  	vm2 =	vge.s32 v24, v7;
	v21 =	vsel vm0, $0x1, v1;
	vm1 =	vge.s32 v29, v7;
	v20 =	vld [tilespmem:s23+$0x100]  }
0x2d3: {  	vm3 =	vge.s32 v25, v7;
	v10 =	vadd.s32 v15, v10;
	v14 =	vadd.s32 v21, v14;
	v24 =	vld [tilespmem:s23+$0x300]  }
0x2d4: {  	v25 =	vsel vm2, $0x1, v1;
	vm2 =	vge.s32 v28, v7;
	vm0 =	vge.s32 v23, v7;
	v21 =	vld [tilespmem:s23+$0x380]  }
0x2d5: {  	v26 =	vsel vm3, $0x1, v1;
	v15 =	vsel vm2, $0x1, v1;
	vm2 =	vge.s32 v27, v7;
	v23 =	vld [tilespmem:s23+$0xFFFFFE00];
	s23 =	sadd.s32 $0x800, s23  }
.LBB2_43:
0x2d6: {  	v9 =	vadd.s32 v26, v9;
	v58 =	vsel vm1, $0x1, v1  }
0x2d7: {  	vm11 =	vge.s32 v22, v7;
	v16 =	vadd.s32 v25, v16;
	vm3 =	vge.s32 v17, v7  }
0x2d8: {  	v17 =	vsel vm2, $0x1, v1;
	v62 =	vsel vm0, $0x1, v1;
	v10 =	vadd.s32 v15, v10  }
0x2d9: {  	v9 =	vadd.s32 v18, v9;
	v59 =	vsel vm3, $0x1, v1;
	v19 =	vadd.s32 v58, v19  }
0x2da: {  	vm13 =	vge.s32 v20, v7;
	v22 =	vsel vm11, $0x1, v1;
	vm12 =	vge.s32 v24, v7  }
.Ltmp28:
0x2db: {  	v61 =	vsel vm13, $0x1, v1;
	v22 =	vadd.s32 v22, v13;
	v14 =	vadd.s32 v59, v14;
	(pc) =	sbr.rel .LBB2_35-.Ltmp28, $4  }
0x2dc: {  	v60 =	vsel vm12, $0x1, v1;
	vm14 =	vge.s32 v21, v7;
	vm15 =	vge.s32 v23, v7  }
0x2dd: {  	v13 =	vadd.s32 v61, v16;
	v16 =	vsel vm14, $0x1, v1;
	v63 =	vsel vm15, $0x1, v1  }
0x2de: {  	v21 =	vadd.s32 v62, v12;
	v12 =	vadd.s32 v16, v22;
	v16 =	vadd.s32 v63, v11  }
0x2df: {  	v15 =	vadd.s32 v17, v19;
	v11 =	vadd.s32 v60, v21;
	v8 =	vadd.s32 v8, v16  }
.LBB2_36:
.Ltmp29:
0x2e0: {  	(pc) =	sbr.rel @p1 .LBB2_37-.Ltmp29, $1  }
0x2e1: {  	_ =	sdelay $0x3  }
0x2e2: {  	s21 =	simm.s32 $0x10400  }
0x2e3: {  	v6 =	vld [tilespmem:s21+$0xFFFFFC80]  }
0x2e4: {  	v7 =	vld [tilespmem:s21+$0x0]  }
0x2e5: {  	v8 =	vld [tilespmem:s21+$0x180]  }
0x2e6: {  	v9 =	vld [tilespmem:s21+$0x200]  }
0x2e7: {  	v10 =	vld [tilespmem:s21+$0x280]  }
0x2e8: {  	v25 =	vld [tilespmem:s21+$0xFFFFFC00]  }
0x2e9: {  	v11 =	vld [tilespmem:s21+$0x100]  }
0x2ea: {  	v14 =	vimm.f32 $0.0e+00;
	v19 =	vld [tilespmem:s21+$0x300]  }
0x2eb: {  	v12 =	vimm.s32 $0x0;
	v23 =	vld [tilespmem:s21+$0xFFFFFE00];
	vm0 =	vlt.s32 v5, v6;
	vm1 =	vlt.s32 v5, v7  }
0x2ec: {  	vm2 =	vlt.s32 v5, v8;
	vm3 =	vlt.s32 v5, v9;
	vm4 =	vlt.s32 v5, v10  }
0x2ed: {  	vm6 =	vlt.s32 v5, v25;
	v13 =	vsel vm0, $0x1, v1;
	v21 =	vnsel vm1, $0x0, v7  }
0x2ee: {  	v18 =	vld [tilespmem:s21+$0xFFFFFD80];
	v6 =	vnsel vm0, $0x0, v6;
	v9 =	vnsel vm3, $0x0, v9;
	v16 =	vsel vm1, $0x1, v1  }
0x2ef: {  	v26 =	vld [tilespmem:s21+$0xFFFFFE80];
	vm0 =	vlt.s32 v5, v11;
	v15 =	vnsel vm2, $0x0, v8;
	vm1 =	vlt.s32 v5, v19  }
0x2f0: {  	v7 =	vld [tilespmem:s21+$0x80];
	v22 =	vsel vm2, $0x1, v1;
	vm2 =	vlt.s32 v5, v23;
	v25 =	vnsel vm6, $0x0, v25  }
0x2f1: {  	v29 =	vsel vm4, $0x1, v1;
	v20 =	vadd.s32 v13, v12;
	v6 =	vadd.f32 v6, v14  }
0x2f2: {  	v13 =	vnsel vm4, $0x0, v10;
	v17 =	vnsel vm0, $0x0, v11;
	v11 =	vsel vm3, $0x1, v1  }
0x2f3: {  	v8 =	vld [tilespmem:s21+$0xFFFFFF00];
	v27 =	vsel vm0, $0x1, v1;
	vm0 =	vlt.s32 v5, v18;
	v28 =	vnsel vm1, $0x0, v19  }
0x2f4: {  	v24 =	vld [tilespmem:s21+$0x380];
	v19 =	vsel vm1, $0x1, v1;
	vm1 =	vlt.s32 v5, v26;
	v25 =	vadd.f32 v25, v14  }
0x2f5: {  	v30 =	vsel vm2, $0x1, v1;
	v33 =	vsel vm0, $0x1, v1;
	vm3 =	vlt.s32 v5, v7  }
0x2f6: {  	v34 =	vsel vm1, $0x1, v1;
	v37 =	vadd.s32 v30, v12;
	v7 =	vnsel vm3, $0x0, v7  }
0x2f7: {  	v10 =	vsel vm3, $0x1, v1;
	v6 =	vadd.f32 v7, v6;
	v7 =	vnsel vm2, $0x0, v23;
	v23 =	vld [tilespmem:s21+$0xFFFFFD00]  }
0x2f8: {  	v11 =	vadd.s32 v11, v37;
	vm5 =	vlt.s32 v5, v8;
	v10 =	vadd.s32 v10, v20;
	v20 =	vld [tilespmem:s21+$0xFFFFFF80]  }
0x2f9: {  	vm3 =	vlt.s32 v5, v24;
	v31 =	vsel vm5, $0x1, v1;
	v35 =	vnsel vm5, $0x0, v8  }
0x2fa: {  	v8 =	vadd.f32 v21, v25;
	v25 =	vimm.f32 $0.0e+00;
	v7 =	vadd.f32 v7, v14  }
0x2fb: {  	p1 =	sgt.s32 s20, $0x2;
	v32 =	vsel vm3, $0x1, v1;
	v30 =	vnsel vm3, $0x0, v24;
	v24 =	vimm.f32 $0.0e+00  }
.Ltmp30:
0x2fc: {  	v7 =	vadd.f32 v9, v7;
	v9 =	vsel vm6, $0x1, v1;
	vm15 =	vlt.s32 v5, v23;
	(pc) =	sbr.rel @!p1 .LBB2_46-.Ltmp30, $4  }
0x2fd: {  	v37 =	vadd.s32 v9, v12;
	vm2 =	vlt.s32 v5, v20;
	v21 =	vnsel vm15, $0x0, v23  }
0x2fe: {  	v23 =	vsel vm15, $0x1, v1;
	v38 =	vnsel vm2, $0x0, v20;
	v20 =	vimm.s32 $0x0  }
0x2ff: {  	v36 =	vadd.f32 v21, v14;
	v21 =	vadd.s32 v23, v12;
	v23 =	vimm.f32 $0.0e+00  }
0x300: {  	s22 =	simm.s32 $0x10C00;
	s21 =	simm.s32 $0x2;
	v9 =	vadd.s32 v27, v21;
	v27 =	vimm.s32 $0x0;
	v21 =	vimm.s32 $0x0  }
.LBB2_45:
0x301: {  	v39 =	vld [tilespmem:s22+$0xFFFFFC80];
	s21 =	sadd.s32 $0x2, s21;
	v18 =	vnsel vm0, $0x0, v18;
	v12 =	vadd.s32 v33, v12;
	v14 =	vadd.f32 v38, v14  }
0x302: {  	v27 =	vadd.s32 v34, v27;
	v37 =	vadd.s32 v16, v37;
	v33 =	vld [tilespmem:s22+$0x0];
	p1 =	slt.s32 s21, s20;
	v18 =	vadd.f32 v18, v25  }
0x303: {  	v16 =	vnsel vm1, $0x0, v26;
	v23 =	vadd.f32 v35, v23;
	v12 =	vadd.s32 v22, v12;
	v34 =	vld [tilespmem:s22+$0x180]  }
0x304: {  	v26 =	vsel vm2, $0x1, v1;
	v36 =	vadd.f32 v17, v36;
	v22 =	vld [tilespmem:s22+$0x200];
	v25 =	vadd.f32 v15, v18  }
0x305: {  	v27 =	vadd.s32 v29, v27;
	v23 =	vadd.f32 v28, v23;
	v15 =	vadd.s32 v26, v20;
	v35 =	vld [tilespmem:s22+$0x300]  }
0x306: {  	v18 =	vadd.s32 v31, v21;
	v20 =	vadd.s32 v32, v15;
	vm0 =	vlt.s32 v5, v39;
	v17 =	vld [tilespmem:s22+$0x280]  }
0x307: {  	v16 =	vadd.f32 v16, v24;
	v15 =	vsel vm0, $0x1, v1;
	vm1 =	vlt.s32 v5, v33;
	v26 =	vld [tilespmem:s22+$0x100]  }
0x308: {  	v21 =	vadd.s32 v19, v18;
	v10 =	vadd.s32 v15, v10;
	v38 =	vnsel vm1, $0x0, v33;
	v28 =	vld [tilespmem:s22+$0x80]  }
0x309: {  	v14 =	vadd.f32 v30, v14;
	vm3 =	vlt.s32 v5, v34;
	v19 =	vld [tilespmem:s22+$0xFFFFFE00];
	vm4 =	vlt.s32 v5, v22  }
0x30a: {  	v24 =	vadd.f32 v13, v16;
	v15 =	vnsel vm0, $0x0, v39;
	v30 =	vnsel vm4, $0x0, v22;
	v39 =	vld [tilespmem:s22+$0x380]  }
0x30b: {  	v16 =	vsel vm1, $0x1, v1;
	v6 =	vadd.f32 v15, v6;
	v18 =	vld [tilespmem:s22+$0xFFFFFD80];
	vm2 =	vlt.s32 v5, v17  }
0x30c: {  	v15 =	vnsel vm3, $0x0, v34;
	v29 =	vld [tilespmem:s22+$0xFFFFFC00];
	vm0 =	vlt.s32 v5, v26;
	v13 =	vnsel vm2, $0x0, v17  }
0x30d: {  	v40 =	vsel vm4, $0x1, v1;
	vm1 =	vlt.s32 v5, v35;
	v32 =	vld [tilespmem:s22+$0xFFFFFF00];
	v17 =	vnsel vm0, $0x0, v26  }
0x30e: {  	v22 =	vsel vm3, $0x1, v1;
	vm4 =	vlt.s32 v5, v28;
	v41 =	vsel vm0, $0x1, v1  }
0x30f: {  	v28 =	vnsel vm4, $0x0, v28;
	v31 =	vsel vm4, $0x1, v1;
	v26 =	vld [tilespmem:s22+$0xFFFFFE80];
	vm3 =	vlt.s32 v5, v39  }
0x310: {  	vm4 =	vlt.s32 v5, v19;
	v6 =	vadd.f32 v28, v6;
	v10 =	vadd.s32 v31, v10  }
0x311: {  	v31 =	vnsel vm4, $0x0, v19;
	vm0 =	vlt.s32 v5, v18  }
0x312: {  	v28 =	vnsel vm1, $0x0, v35;
	v19 =	vsel vm1, $0x1, v1;
	vm5 =	vlt.s32 v5, v32;
	v42 =	vld [tilespmem:s22+$0xFFFFFF80]  }
0x313: {  	v7 =	vadd.f32 v31, v7;
	vm6 =	vlt.s32 v5, v29;
	v33 =	vsel vm0, $0x1, v1;
	v43 =	vld [tilespmem:s22+$0xFFFFFD00]  }
0x314: {  	v31 =	vnsel vm6, $0x0, v29;
	v29 =	vsel vm2, $0x1, v1;
	vm1 =	vlt.s32 v5, v26  }
0x315: {  	v8 =	vadd.f32 v31, v8;
	v31 =	vsel vm4, $0x1, v1;
	v34 =	vsel vm1, $0x1, v1  }
0x316: {  	v7 =	vadd.f32 v30, v7;
	v11 =	vadd.s32 v31, v11;
	v31 =	vsel vm5, $0x1, v1  }
.Ltmp31:
0x317: {  	v35 =	vnsel vm5, $0x0, v32;
	v32 =	vsel vm3, $0x1, v1;
	vm2 =	vlt.s32 v5, v42;
	(pc) =	sbr.rel @p1 .LBB2_45-.Ltmp31, $4  }
0x318: {  	v30 =	vnsel vm3, $0x0, v39;
	v8 =	vadd.f32 v38, v8;
	vm4 =	vlt.s32 v5, v43  }
0x319: {  	v38 =	vsel vm6, $0x1, v1;
	v39 =	vnsel vm4, $0x0, v43;
	v43 =	vsel vm4, $0x1, v1  }
0x31a: {  	v11 =	vadd.s32 v40, v11;
	v36 =	vadd.f32 v39, v36;
	v9 =	vadd.s32 v43, v9  }
0x31b: {  	s22 =	sadd.s32 $0x800, s22;
	v37 =	vadd.s32 v38, v37;
	v38 =	vnsel vm2, $0x0, v42;
	v9 =	vadd.s32 v41, v9  }
.LBB2_46:
0x31c: {  	v18 =	vnsel vm0, $0x0, v18;
	v33 =	vadd.s32 v33, v12;
	v38 =	vadd.f32 v38, v14  }
0x31d: {  	v63 =	vadd.s32 v34, v27;
	v12 =	vadd.s32 v16, v37;
	v26 =	vnsel vm1, $0x0, v26  }
.Ltmp32:
0x31e: {  	v23 =	vadd.f32 v35, v23;
	v16 =	vadd.f32 v17, v36;
	v21 =	vadd.s32 v31, v21;
	(pc) =	sbr.rel .LBB2_38-.Ltmp32, $4  }
0x31f: {  	v18 =	vadd.f32 v18, v25;
	v14 =	vadd.s32 v22, v33;
	v22 =	vsel vm2, $0x1, v1  }
0x320: {  	v17 =	vadd.s32 v29, v63;
	v20 =	vadd.s32 v22, v20;
	v22 =	vadd.f32 v26, v24  }
0x321: {  	v19 =	vadd.s32 v19, v21;
	v21 =	vadd.f32 v30, v38;
	v15 =	vadd.f32 v15, v18  }
0x322: {  	v18 =	vadd.f32 v28, v23;
	v20 =	vadd.s32 v32, v20;
	v13 =	vadd.f32 v13, v22  }
.LBB2_40:
0x323: {  	_ =	sfence.sel $0x180000  }
0x324: {  	[bflag:$0x0] =	sbarrier.arrive $0xFFFF  }
0x325: {  	p0 =	sne.s32 s1, $0x0;
	_ =	strace $0x90000047  }
0x326: {  	s0 =	sadd.s32 @!p0 $0x100000, s0;
	[bflag:$0x2] =	sbarrier.arrive $0xFFFF  }
0x327: {  	[sflag:s0] =	ssyncadd.tile.s32 @!p0 $0x1;
	_ =	shalt  }
.Lfunc_end2:
_tile_overlayer_lowered:
.L_overlay_start_2:
0x328: {  	(tag) =	ssettag $0x2  }
0x329: {  	s0 =	rddreg [dreg:$0x0];
	s2 =	stileid.u32  }
0x32a: {  	s1 =	rddreg [dreg:$0x1];
	p0 =	sne.s32 s2, $0x0  }
0x32b: {  	s3 =	rddreg [dreg:$0x2];
	[bflag:$0x3] =	sbarrier.arrive $0xFFFF;
	s2 =	simm.s32 @!p0 $0x1C03  }
0x32c: {  	[timem:s3], [sflag:s2] =	dma.local @!p0 [hbm:s0], s1  }
0x32d: {  	s0 =	simm.s32 @!p0 $0x3  }
0x32e: {  	_ =	swait.ge @!p0 [sflag:s0], s1  }
0x32f: {  	s1 =	ssub.s32 @!p0 $0x0, s1;
	[sflag:s0] =	ssyncset.done @!p0 $0x0  }
0x330: {  	[sflag:s0] =	ssyncadd.s32 @!p0 s1  }
0x331: {  	[bflag:$0x3] =	sbarrier.arrive $0xFFFF  }
0x332: {  	_ =	shalt  }

</sc_bundles>
